<compile_context>
chip_gen: v7x
topology: tpu7x:2x2x1
jax: 0.10.2.dev20260603
libtpu: 0.0.44.dev20260713+nightly
codegen_flags: <defaults>
</compile_context>

<pallas_src>
import functools

import jax
import jax.numpy as jnp
from jax import lax
from jax.experimental import pallas as pl
from jax.experimental.pallas import tpu as pltpu
from jax.experimental.pallas import tpu_sc as plsc

N = 10000
E = 320000
D = 128
NUM_GRAPHS = 8
P_COUNT = 5
P_DIMS = 256

NC = 2
NS = 16
LANES = 16

EDGES_PER_TILE = E // (NC * NS)
CHUNK = 80
NCHUNK = EDGES_PER_TILE // CHUNK
NPAD = 10240
ROWS_PER_TILE = NPAD // NS
ZROWS = 32

_MESH = plsc.VectorSubcoreMesh(core_axis_name="c", subcore_axis_name="s")


def _zero_vmem(buf, rows, cols):
    zv = jnp.zeros((LANES,), jnp.float32)

    def zrow(i, _):
        def zcol(j, __):
            buf[i, pl.ds(j * LANES, LANES)] = zv
            return 0
        return lax.fori_loop(0, cols // LANES, zcol, 0)

    lax.fori_loop(0, rows, zrow, 0)


COLS_PER_TILE = NPAD // NS


DEG_GRP = 5


@functools.partial(
    pl.kernel,
    mesh=_MESH,
    out_type=jax.ShapeDtypeStruct((NC, NPAD), jnp.float32),
    scratch_types=[
        pltpu.VMEM((NCHUNK, CHUNK), jnp.int32),
        pltpu.VMEM((CHUNK,), jnp.float32),
        pltpu.VMEM((COLS_PER_TILE,), jnp.float32),
        pltpu.VMEM_SHARED((NPAD,), jnp.float32),
        pltpu.SemaphoreType.DMA,
    ],
)
def _deg_kernel(dst_hbm, out_hbm, dst_v, ones_v, zbuf_v, acc_sh, sem):
    c = lax.axis_index("c")
    s = lax.axis_index("s")
    w = c * NS + s

    pltpu.sync_copy(dst_hbm.at[w], dst_v)

    zv = jnp.zeros((LANES,), jnp.float32)
    ov = jnp.ones((LANES,), jnp.float32)

    def zfill(i, _):
        zbuf_v[pl.ds(i * LANES, LANES)] = zv
        return 0
    lax.fori_loop(0, COLS_PER_TILE // LANES, zfill, 0)

    def ofill(i, _):
        ones_v[pl.ds(i * LANES, LANES)] = ov
        return 0
    lax.fori_loop(0, CHUNK // LANES, ofill, 0)

    pltpu.sync_copy(zbuf_v,
                    acc_sh.at[pl.ds(s * COLS_PER_TILE, COLS_PER_TILE)])
    plsc.subcore_barrier()

    def group(j, _):
        handles = [
            pltpu.async_copy(ones_v, acc_sh.at[dst_v.at[j * DEG_GRP + b]],
                             sem, add=True)
            for b in range(DEG_GRP)
        ]
        for h in handles:
            h.wait()
        return 0
    lax.fori_loop(0, NCHUNK // DEG_GRP, group, 0)

    plsc.subcore_barrier()
    pltpu.sync_copy(acc_sh.at[pl.ds(s * COLS_PER_TILE, COLS_PER_TILE)],
                    out_hbm.at[c, pl.ds(s * COLS_PER_TILE, COLS_PER_TILE)])


NBUF = 3


@functools.partial(
    pl.kernel,
    mesh=_MESH,
    out_type=jax.ShapeDtypeStruct((NC, NPAD, D), jnp.float32),
    scratch_types=[
        pltpu.VMEM((EDGES_PER_TILE,), jnp.int32),
        pltpu.VMEM((NBUF, CHUNK), jnp.int32),
        pltpu.VMEM((NBUF, CHUNK, D), jnp.float32),
        pltpu.VMEM((ZROWS, D), jnp.float32),
        pltpu.VMEM_SHARED((NPAD, D), jnp.float32),
        pltpu.SemaphoreType.DMA,
        pltpu.SemaphoreType.DMA,
        pltpu.SemaphoreType.DMA,
    ],
)
def _edge_scatter(src_hbm, dst_hbm, y_hbm, out_hbm,
                  src_v, dstb_v, rows_v, zbuf_v, acc_sh, sem0, sem1, sem2):
    sems = (sem0, sem1, sem2)
    c = lax.axis_index("c")
    s = lax.axis_index("s")
    w = c * NS + s
    ebase = w * EDGES_PER_TILE

    pltpu.sync_copy(src_hbm.at[pl.ds(ebase, EDGES_PER_TILE)], src_v)

    _zero_vmem(zbuf_v, ZROWS, D)

    def zstripe(r, _):
        pltpu.sync_copy(
            zbuf_v, acc_sh.at[pl.ds(s * ROWS_PER_TILE + r * ZROWS, ZROWS)])
        return 0
    lax.fori_loop(0, ROWS_PER_TILE // ZROWS, zstripe, 0)
    plsc.subcore_barrier()

    def _issue(i, b):
        off = pl.multiple_of(ebase + i * CHUNK, 8)
        pltpu.async_copy(dst_hbm.at[pl.ds(off, CHUNK)], dstb_v.at[b], sems[b])
        pltpu.async_copy(y_hbm.at[src_v.at[pl.ds(i * CHUNK, CHUNK)]],
                         rows_v.at[b], sems[b])

    def _drain(i, b):
        off = pl.multiple_of(ebase + i * CHUNK, 8)
        pltpu.make_async_copy(dst_hbm.at[pl.ds(off, CHUNK)], dstb_v.at[b],
                              sems[b]).wait()
        pltpu.make_async_copy(y_hbm.at[src_v.at[pl.ds(i * CHUNK, CHUNK)]],
                              rows_v.at[b], sems[b]).wait()
        pltpu.sync_copy(rows_v.at[b], acc_sh.at[dstb_v.at[b]], add=True)

    for b in range(NBUF):
        _issue(b, b)

    def group(j, _):
        for b in range(NBUF):
            i = j * NBUF + b
            _drain(i, b)
            nxt = i + NBUF

            @pl.when(nxt < NCHUNK)
            def _prefetch():
                _issue(nxt, b)
        return 0
    lax.fori_loop(0, NCHUNK // NBUF, group, 0)

    for b, i in enumerate(range(NBUF * (NCHUNK // NBUF), NCHUNK)):
        _drain(i, b)

    plsc.subcore_barrier()
    pltpu.sync_copy(
        acc_sh.at[pl.ds(s * ROWS_PER_TILE, ROWS_PER_TILE)],
        out_hbm.at[c, pl.ds(s * ROWS_PER_TILE, ROWS_PER_TILE)],
    )


BLK = 10000


def _dinv_from_deg(deg_blk):
    deg = deg_blk[:, :1] + deg_blk[:, 1:2] + 1.0
    return lax.rsqrt(deg)


def _mm1_body(x_ref, deg_ref, w_ref, out_ref):
    dinv = _dinv_from_deg(deg_ref[...])
    xw = jnp.dot(x_ref[...], w_ref[...], preferred_element_type=jnp.float32)
    out_ref[...] = xw * dinv


def _mm1(x, deg2, W1):
    return pl.pallas_call(
        _mm1_body,
        grid=(N // BLK,),
        in_specs=[
            pl.BlockSpec((BLK, D), lambda i: (i, 0)),
            pl.BlockSpec((BLK, 2), lambda i: (i, 0)),
            pl.BlockSpec((D, D), lambda i: (0, 0)),
        ],
        out_specs=pl.BlockSpec((BLK, D), lambda i: (i, 0)),
        out_shape=jax.ShapeDtypeStruct((N, D), jnp.float32),
    )(x, deg2, W1)


def _mm2_body(acc_ref, deg_ref, y1_ref, b1_ref, w2_ref, out_ref):
    dinv = _dinv_from_deg(deg_ref[...])
    acc = acc_ref[0] + acc_ref[1]
    h1 = jnp.maximum(dinv * (acc + y1_ref[...]) + b1_ref[...], 0.0)
    y2 = jnp.dot(h1, w2_ref[...], preferred_element_type=jnp.float32)
    out_ref[...] = y2 * dinv


def _mm2(acc1, deg2, y1, b1, W2):
    return pl.pallas_call(
        _mm2_body,
        grid=(N // BLK,),
        in_specs=[
            pl.BlockSpec((NC, BLK, D), lambda i: (0, i, 0)),
            pl.BlockSpec((BLK, 2), lambda i: (i, 0)),
            pl.BlockSpec((BLK, D), lambda i: (i, 0)),
            pl.BlockSpec((1, D), lambda i: (0, 0)),
            pl.BlockSpec((D, D), lambda i: (0, 0)),
        ],
        out_specs=pl.BlockSpec((BLK, D), lambda i: (i, 0)),
        out_shape=jax.ShapeDtypeStruct((N, D), jnp.float32),
    )(acc1, deg2, y1, b1, W2)


def _final_body(acc_ref, deg_ref, y2_ref, b2_ref, batch_ref,
                wg_ref, bg_ref, wp_ref, bp_ref, wpol_ref, bpol_ref,
                goal_ref, pe_ref, pol_ref, sums_ref, cnt_ref):
    pid = pl.program_id(0)

    @pl.when(pid == 0)
    def _init():
        sums_ref[...] = jnp.zeros_like(sums_ref)
        cnt_ref[...] = jnp.zeros_like(cnt_ref)

    dinv = _dinv_from_deg(deg_ref[...])
    acc = acc_ref[0] + acc_ref[1]
    h2 = jnp.maximum(dinv * (acc + y2_ref[...]) + b2_ref[...], 0.0)

    gids = lax.broadcasted_iota(jnp.int32, (BLK, NUM_GRAPHS), 1)
    onehot = (batch_ref[...] == gids).astype(jnp.float32)
    sums_ref[...] += lax.dot_general(
        onehot, h2, (((0,), (0,)), ((), ())),
        preferred_element_type=jnp.float32)
    cnt1 = jnp.sum(onehot, axis=0)
    cnt_ref[...] += jnp.broadcast_to(cnt1[:, None], (NUM_GRAPHS, D))

    @pl.when(pid == (N // BLK) - 1)
    def _emit():
        pooled = sums_ref[...] / jnp.maximum(cnt_ref[...], 1.0)
        goal_ref[...] = jax.nn.sigmoid(
            jnp.dot(pooled, wg_ref[...], preferred_element_type=jnp.float32)
            + bg_ref[...])
        pe_ref[...] = jnp.dot(
            pooled, wp_ref[...], preferred_element_type=jnp.float32) + bp_ref[...]
        pol_ref[...] = jnp.dot(
            pooled, wpol_ref[...], preferred_element_type=jnp.float32) + bpol_ref[...]


def _final(acc2, deg2, y2, b2, batch2d, Wg, bg, Wp, bp, Wpol, bpol):
    g_dims = Wg.shape[1]
    p_tot = Wp.shape[1]
    pol_n = Wpol.shape[1]
    return pl.pallas_call(
        _final_body,
        grid=(N // BLK,),
        in_specs=[
            pl.BlockSpec((NC, BLK, D), lambda i: (0, i, 0)),
            pl.BlockSpec((BLK, 2), lambda i: (i, 0)),
            pl.BlockSpec((BLK, D), lambda i: (i, 0)),
            pl.BlockSpec((1, D), lambda i: (0, 0)),
            pl.BlockSpec((BLK, 1), lambda i: (i, 0)),
            pl.BlockSpec((D, g_dims), lambda i: (0, 0)),
            pl.BlockSpec((1, g_dims), lambda i: (0, 0)),
            pl.BlockSpec((D, p_tot), lambda i: (0, 0)),
            pl.BlockSpec((1, p_tot), lambda i: (0, 0)),
            pl.BlockSpec((D, pol_n), lambda i: (0, 0)),
            pl.BlockSpec((1, pol_n), lambda i: (0, 0)),
        ],
        out_specs=[
            pl.BlockSpec((NUM_GRAPHS, g_dims), lambda i: (0, 0)),
            pl.BlockSpec((NUM_GRAPHS, p_tot), lambda i: (0, 0)),
            pl.BlockSpec((NUM_GRAPHS, pol_n), lambda i: (0, 0)),
        ],
        out_shape=[
            jax.ShapeDtypeStruct((NUM_GRAPHS, g_dims), jnp.float32),
            jax.ShapeDtypeStruct((NUM_GRAPHS, p_tot), jnp.float32),
            jax.ShapeDtypeStruct((NUM_GRAPHS, pol_n), jnp.float32),
        ],
        scratch_shapes=[
            pltpu.VMEM((NUM_GRAPHS, D), jnp.float32),
            pltpu.VMEM((NUM_GRAPHS, D), jnp.float32),
        ],
    )(acc2, deg2, y2, b2, batch2d, Wg, bg, Wp, bp, Wpol, bpol)


def kernel(x, edge_index, batch, W1, b1, W2, b2, Wg, bg, Wp, bp, Wpol, bpol):
    src = edge_index[0]
    dst = edge_index[1]
    src3 = src.reshape(NC * NS, NCHUNK, CHUNK)
    dst3 = dst.reshape(NC * NS, NCHUNK, CHUNK)
    degc = _deg_kernel(dst3)
    deg2 = degc.T
    y1 = _mm1(x, deg2, W1)
    acc1 = _edge_scatter(src, dst, y1)
    y2 = _mm2(acc1, deg2, y1, b1.reshape(1, -1), W2)
    acc2 = _edge_scatter(src, dst, y2)
    goal, pe, pol = _final(
        acc2, deg2, y2, b2.reshape(1, -1), batch.reshape(-1, 1),
        Wg, bg.reshape(1, -1), Wp, bp.reshape(1, -1), Wpol, bpol.reshape(1, -1))
    return goal, pe.reshape(NUM_GRAPHS, P_COUNT, P_DIMS), pol

# --- scband reference (transcript-rebuilt; emitter-appended) ---
"""Pipeline reference for scband-san-81844896793371 (READ-ONLY COPY).

The authoritative reference and input builder live on the scoring server;
editing this copy changes nothing except your own understanding.
"""

import jax, jax.numpy as jnp
import numpy as np

N = 10000
E = 320000
D_IN = 128
D_HID = 128
G_DIMS = 20
P_COUNT = 5
P_DIMS = 256
NUM_GRAPHS = 8


def setup_inputs(seed: int = 0):
    key = jax.random.key(seed)
    ks = jax.random.split(key, 14)
    x = jax.random.normal(ks[0], (N, D_IN), dtype=jnp.float32)
    edge_index = jax.random.randint(ks[1], (2, E), 0, N, dtype=jnp.int32)
    batch = jnp.sort(jax.random.randint(ks[2], (N,), 0, NUM_GRAPHS, dtype=jnp.int32))
    s1 = 1.0 / np.sqrt(D_IN)
    s2 = 1.0 / np.sqrt(D_HID)
    W1 = jax.random.normal(ks[3], (D_IN, D_HID), dtype=jnp.float32) * s1
    b1 = jnp.zeros((D_HID,), dtype=jnp.float32)
    W2 = jax.random.normal(ks[4], (D_HID, D_HID), dtype=jnp.float32) * s2
    b2 = jnp.zeros((D_HID,), dtype=jnp.float32)
    Wg = jax.random.normal(ks[5], (D_HID, G_DIMS), dtype=jnp.float32) * s2
    bg = jnp.zeros((G_DIMS,), dtype=jnp.float32)
    Wp = jax.random.normal(ks[6], (D_HID, P_COUNT * P_DIMS), dtype=jnp.float32) * s2
    bp = jnp.zeros((P_COUNT * P_DIMS,), dtype=jnp.float32)
    Wpol = jax.random.normal(ks[7], (D_HID, P_COUNT), dtype=jnp.float32) * s2
    bpol = jnp.zeros((P_COUNT,), dtype=jnp.float32)
    return {"x": x, "edge_index": edge_index, "batch": batch,
            "W1": W1, "b1": b1, "W2": W2, "b2": b2,
            "Wg": Wg, "bg": bg, "Wp": Wp, "bp": bp,
            "Wpol": Wpol, "bpol": bpol}


def gcn_conv(x, edge_index, W, b):
    n = x.shape[0]
    src = edge_index[0]
    dst = edge_index[1]
    loop = jnp.arange(n, dtype=src.dtype)
    src = jnp.concatenate([src, loop])
    dst = jnp.concatenate([dst, loop])
    xw = x @ W
    ones = jnp.ones(src.shape[0], dtype=x.dtype)
    deg = jax.ops.segment_sum(ones, dst, num_segments=n)
    dinv = jnp.where(deg > 0, deg ** -0.5, 0.0)
    norm = dinv[src] * dinv[dst]
    msg = xw[src] * norm[:, None]
    out = jax.ops.segment_sum(msg, dst, num_segments=n)
    return out + b


def global_mean_pool(x, batch, num_graphs):
    sums = jax.ops.segment_sum(x, batch, num_segments=num_graphs)
    cnt = jax.ops.segment_sum(jnp.ones(x.shape[0], dtype=x.dtype), batch, num_segments=num_graphs)
    return sums / jnp.maximum(cnt, 1.0)[:, None]


def reference(x, edge_index, batch, W1, b1, W2, b2, Wg, bg, Wp, bp, Wpol, bpol):
    h = jax.nn.relu(gcn_conv(x, edge_index, W1, b1))
    h = jax.nn.relu(gcn_conv(h, edge_index, W2, b2))
    pooled = global_mean_pool(h, batch, NUM_GRAPHS)
    goal_vector = jax.nn.sigmoid(pooled @ Wg + bg)
    plan_embeddings = (pooled @ Wp + bp).reshape(-1, P_COUNT, P_DIMS)
    plan_policy = pooled @ Wpol + bpol
    return (goal_vector, plan_embeddings, plan_policy)

if __name__ == "__main__":
    import jax
    _d = setup_inputs()
    print(jax.jit(kernel)(*tuple(_d.values())))

</pallas_src>

<mosaic_0001>
#map = affine_map<(d0, d1) -> (0)>
#map1 = affine_map<(d0, d1) -> (0, 0)>
#map2 = affine_map<(d0, d1) -> (0, 0, 0)>
module attributes {stable_mosaic.version = 14 : i64} {
  func.func @_edge_scatter(%arg0: i32, %arg1: i32, %arg2: memref<320000xi32, #tpu.memory_space<hbm>>, %arg3: memref<320000xi32, #tpu.memory_space<hbm>>, %arg4: memref<10000x128xf32, #tpu.memory_space<hbm>>, %arg5: memref<2x10240x128xf32, #tpu.memory_space<hbm>>, %arg6: memref<10000xi32, #tpu.memory_space<vmem>>, %arg7: memref<3x80xi32, #tpu.memory_space<vmem>>, %arg8: memref<3x80x128xf32, #tpu.memory_space<vmem>>, %arg9: memref<32x128xf32, #tpu.memory_space<vmem>>, %arg10: memref<10240x128xf32, #tpu.memory_space<vmem_shared>>, %arg11: memref<!tpu.dma_semaphore, #tpu.memory_space<semaphore_mem>>, %arg12: memref<!tpu.dma_semaphore, #tpu.memory_space<semaphore_mem>>, %arg13: memref<!tpu.dma_semaphore, #tpu.memory_space<semaphore_mem>>) attributes {dimension_semantics = [#tpu.dimension_semantics<core_parallel>, #tpu.dimension_semantics<subcore_parallel>], iteration_bounds = array<i64: 2, 16>, scalar_prefetch = 0 : i64, scratch_operands = 8 : i64, tpu.core_type = #tpu.core_type<sc_vector_subcore>, window_params = [{transform_indices = #map}, {transform_indices = #map}, {transform_indices = #map1}, {transform_indices = #map2}]} {
    %mul3A = arith.constant 16 : i32
    %mul3A_0 = arith.muli %arg0, %mul3A : i32
    %add3A = arith.addi %mul3A_0, %arg1 : i32
    %mul3A_1 = arith.constant 10000 : i32
    %mul3A_2 = arith.muli %add3A, %mul3A_1 : i32
    "tpu.region"() ({
      %run_scoped3A_139 = tpu.sem_alloc : memref<!tpu.dma_semaphore, #tpu.memory_space<semaphore_mem>>
      %dma_start3A_140 = tpu.memref_slice %arg2[%mul3A_2] : memref<320000xi32, #tpu.memory_space<hbm>> -> memref<10000xi32, #tpu.memory_space<hbm>>
      %dma_start3A_141 = tpu.memref_slice %arg2[%mul3A_2] : memref<320000xi32, #tpu.memory_space<hbm>> -> memref<10000xi32, #tpu.memory_space<hbm>>
      tpu.enqueue_dma source(%dma_start3A_141 : memref<10000xi32, #tpu.memory_space<hbm>>) target(%arg6 : memref<10000xi32, #tpu.memory_space<vmem>>) target_semaphore(%run_scoped3A_139 : memref<!tpu.dma_semaphore, #tpu.memory_space<semaphore_mem>>)
      %dma_wait3A_142 = tpu.memref_slice %arg2[%mul3A_2] : memref<320000xi32, #tpu.memory_space<hbm>> -> memref<10000xi32, #tpu.memory_space<hbm>>
      %dma_wait3A_143 = tpu.memref_slice %arg2[%mul3A_2] : memref<320000xi32, #tpu.memory_space<hbm>> -> memref<10000xi32, #tpu.memory_space<hbm>>
      tpu.wait_dma2 semaphore(%run_scoped3A_139 : memref<!tpu.dma_semaphore, #tpu.memory_space<semaphore_mem>>) src(%dma_wait3A_143 : memref<10000xi32, #tpu.memory_space<hbm>>) dst(%arg6 : memref<10000xi32, #tpu.memory_space<vmem>>)
      tpu.yield
    }) : () -> ()
    %broadcast_in_dim3A = arith.constant 0.000000e+00 : f32
    %broadcast_in_dim3A_3 = vector.broadcast %broadcast_in_dim3A : f32 to vector<16xf32>
    %scan3A = arith.constant 0 : i32
    %scan3A_4 = arith.constant 0 : i32
    %scan3A_5 = arith.constant 32 : i32
    %scan3A_6 = arith.addi %scan3A_4, %scan3A_5 : i32
    %scan3A_7 = arith.constant 1 : i32
    %scan3A_8 = scf.for %scan3A_139 = %scan3A_4 to %scan3A_6 step %scan3A_7 iter_args(%scan3A_140 = %scan3A) -> (i32)  : i32 {
      %scan3A_141 = arith.constant 0 : i32
      %scan3A_142 = arith.constant 0 : i32
      %scan3A_143 = arith.constant 8 : i32
      %scan3A_144 = arith.addi %scan3A_142, %scan3A_143 : i32
      %scan3A_145 = arith.constant 1 : i32
      %scan3A_146 = scf.for %scan3A_148 = %scan3A_142 to %scan3A_144 step %scan3A_145 iter_args(%scan3A_149 = %scan3A_141) -> (i32)  : i32 {
        %mul3A_150 = arith.constant 16 : i32
        %mul3A_151 = arith.muli %scan3A_148, %mul3A_150 : i32
        %swap3A = arith.index_cast %scan3A_139 : i32 to index
        %swap3A_152 = arith.index_cast %mul3A_151 : i32 to index
        %swap3A_153 = tpu.vector_load %arg9[%swap3A, %swap3A_152] {strides = array<i32>} : memref<32x128xf32, #tpu.memory_space<vmem>>, vector<1x16xf32>,
        %swap3A_154 = vector.shape_cast %swap3A_153 : vector<1x16xf32> to vector<16xf32>
        %swap3A_155 = vector.shape_cast %broadcast_in_dim3A_3 : vector<16xf32> to vector<1x16xf32>
        tpu.vector_store %arg9[%swap3A, %swap3A_152], %swap3A_155 {strides = array<i32>} : memref<32x128xf32, #tpu.memory_space<vmem>>, vector<1x16xf32>,
        %scan3A_156 = arith.constant 0 : i32
        scf.yield %scan3A_156 : i32
      }
      %scan3A_147 = arith.constant 8 : i32
      scf.yield %scan3A_146 : i32
    }
    %scan3A_9 = arith.constant 32 : i32
    %scan3A_10 = arith.constant 0 : i32
    %scan3A_11 = arith.constant 0 : i32
    %scan3A_12 = arith.constant 20 : i32
    %scan3A_13 = arith.addi %scan3A_11, %scan3A_12 : i32
    %scan3A_14 = arith.constant 1 : i32
    %scan3A_15 = scf.for %scan3A_139 = %scan3A_11 to %scan3A_13 step %scan3A_14 iter_args(%scan3A_140 = %scan3A_10) -> (i32)  : i32 {
      %mul3A_141 = arith.constant 640 : i32
      %mul3A_142 = arith.muli %arg1, %mul3A_141 : i32
      %mul3A_143 = arith.constant 32 : i32
      %mul3A_144 = arith.muli %scan3A_139, %mul3A_143 : i32
      %add3A_145 = arith.addi %mul3A_142, %mul3A_144 : i32
      "tpu.region"() ({
        %run_scoped3A_147 = tpu.sem_alloc : memref<!tpu.dma_semaphore, #tpu.memory_space<semaphore_mem>>
        %dma_start3A_148 = arith.constant 0 : i32
        %dma_start3A_149 = tpu.memref_slice %arg10[%add3A_145, %dma_start3A_148] : memref<10240x128xf32, #tpu.memory_space<vmem_shared>> -> memref<32x128xf32, #tpu.memory_space<vmem_shared>>
        %dma_start3A_150 = arith.constant 0 : i32
        %dma_start3A_151 = tpu.memref_slice %arg10[%add3A_145, %dma_start3A_150] : memref<10240x128xf32, #tpu.memory_space<vmem_shared>> -> memref<32x128xf32, #tpu.memory_space<vmem_shared>>
        tpu.enqueue_dma source(%arg9 : memref<32x128xf32, #tpu.memory_space<vmem>>) target(%dma_start3A_151 : memref<32x128xf32, #tpu.memory_space<vmem_shared>>) target_semaphore(%run_scoped3A_147 : memref<!tpu.dma_semaphore, #tpu.memory_space<semaphore_mem>>)
        %dma_wait3A_152 = arith.constant 0 : i32
        %dma_wait3A_153 = tpu.memref_slice %arg10[%add3A_145, %dma_wait3A_152] : memref<10240x128xf32, #tpu.memory_space<vmem_shared>> -> memref<32x128xf32, #tpu.memory_space<vmem_shared>>
        %dma_wait3A_154 = arith.constant 0 : i32
        %dma_wait3A_155 = tpu.memref_slice %arg10[%add3A_145, %dma_wait3A_154] : memref<10240x128xf32, #tpu.memory_space<vmem_shared>> -> memref<32x128xf32, #tpu.memory_space<vmem_shared>>
        tpu.wait_dma2 semaphore(%run_scoped3A_147 : memref<!tpu.dma_semaphore, #tpu.memory_space<semaphore_mem>>) src(%arg9 : memref<32x128xf32, #tpu.memory_space<vmem>>) dst(%dma_wait3A_155 : memref<32x128xf32, #tpu.memory_space<vmem_shared>>)
        tpu.yield
      }) : () -> ()
      %scan3A_146 = arith.constant 0 : i32
      scf.yield %scan3A_146 : i32
    }
    %scan3A_16 = arith.constant 20 : i32
    %barrier3A = arith.constant 0 : index
    tpu.barrier barrier_id(%barrier3A)
    %add3A_17 = arith.constant 0 : i32
    %add3A_18 = arith.addi %mul3A_2, %add3A_17 : i32
    %multiple_of3A = tpu.assume_multiple %add3A_18, 8 : i32
    %dma_start3A = arith.constant 0 : i32
    %dma_start3A_19 = arith.constant 0 : i32
    %dma_start3A_20 = tpu.memref_slice %arg7[%dma_start3A, %dma_start3A_19] : memref<3x80xi32, #tpu.memory_space<vmem>> -> memref<1x80xi32, #tpu.memory_space<vmem>>
    %dma_start3A_21 = tpu.memref_squeeze %dma_start3A_20 : memref<1x80xi32, #tpu.memory_space<vmem>> -> memref<80xi32, #tpu.memory_space<vmem>>
    %dma_start3A_22 = tpu.memref_slice %arg3[%multiple_of3A] : memref<320000xi32, #tpu.memory_space<hbm>> -> memref<80xi32, #tpu.memory_space<hbm>>
    %dma_start3A_23 = arith.constant 0 : i32
    %dma_start3A_24 = tpu.memref_slice %arg7[%dma_start3A, %dma_start3A_23] : memref<3x80xi32, #tpu.memory_space<vmem>> -> memref<1x80xi32, #tpu.memory_space<vmem>>
    %dma_start3A_25 = tpu.memref_squeeze %dma_start3A_24 : memref<1x80xi32, #tpu.memory_space<vmem>> -> memref<80xi32, #tpu.memory_space<vmem>>
    %dma_start3A_26 = tpu.memref_slice %arg3[%multiple_of3A] : memref<320000xi32, #tpu.memory_space<hbm>> -> memref<80xi32, #tpu.memory_space<hbm>>
    tpu.enqueue_dma source(%dma_start3A_26 : memref<80xi32, #tpu.memory_space<hbm>>) target(%dma_start3A_25 : memref<80xi32, #tpu.memory_space<vmem>>) target_semaphore(%arg11 : memref<!tpu.dma_semaphore, #tpu.memory_space<semaphore_mem>>)
    %dma_start3A_27 = arith.constant 0 : i32
    %dma_start3A_28 = arith.constant 0 : i32
    %dma_start3A_29 = arith.constant 0 : i32
    %dma_start3A_30 = tpu.memref_slice %arg8[%dma_start3A_27, %dma_start3A_28, %dma_start3A_29] : memref<3x80x128xf32, #tpu.memory_space<vmem>> -> memref<1x80x128xf32, #tpu.memory_space<vmem>>
    %dma_start3A_31 = tpu.memref_squeeze %dma_start3A_30 : memref<1x80x128xf32, #tpu.memory_space<vmem>> -> memref<80x128xf32, #tpu.memory_space<vmem>>
    %dma_start3A_32 = arith.constant 0 : i32
    %dma_start3A_33 = tpu.memref_slice %arg6[%dma_start3A_32] : memref<10000xi32, #tpu.memory_space<vmem>> -> memref<80xi32, #tpu.memory_space<vmem>>
    %dma_start3A_34 = arith.constant 0 : i32
    %dma_start3A_35 = arith.constant 0 : i32
    %dma_start3A_36 = tpu.memref_slice %arg4[%dma_start3A_34, %dma_start3A_35] : memref<10000x128xf32, #tpu.memory_space<hbm>> -> memref<10000x128xf32, #tpu.memory_space<hbm>>
    tpu.enqueue_indirect_dma source(%dma_start3A_36 : memref<10000x128xf32, #tpu.memory_space<hbm>>) target(%dma_start3A_31 : memref<80x128xf32, #tpu.memory_space<vmem>>) offsets(%dma_start3A_33 : memref<80xi32, #tpu.memory_space<vmem>>) semaphore(%arg11 : memref<!tpu.dma_semaphore, #tpu.memory_space<semaphore_mem>>)
    %add3A_37 = arith.constant 80 : i32
    %add3A_38 = arith.addi %mul3A_2, %add3A_37 : i32
    %multiple_of3A_39 = tpu.assume_multiple %add3A_38, 8 : i32
    %dma_start3A_40 = arith.constant 1 : i32
    %dma_start3A_41 = arith.constant 0 : i32
    %dma_start3A_42 = tpu.memref_slice %arg7[%dma_start3A_40, %dma_start3A_41] : memref<3x80xi32, #tpu.memory_space<vmem>> -> memref<1x80xi32, #tpu.memory_space<vmem>>
    %dma_start3A_43 = tpu.memref_squeeze %dma_start3A_42 : memref<1x80xi32, #tpu.memory_space<vmem>> -> memref<80xi32, #tpu.memory_space<vmem>>
    %dma_start3A_44 = tpu.memref_slice %arg3[%multiple_of3A_39] : memref<320000xi32, #tpu.memory_space<hbm>> -> memref<80xi32, #tpu.memory_space<hbm>>
    %dma_start3A_45 = arith.constant 0 : i32
    %dma_start3A_46 = tpu.memref_slice %arg7[%dma_start3A_40, %dma_start3A_45] : memref<3x80xi32, #tpu.memory_space<vmem>> -> memref<1x80xi32, #tpu.memory_space<vmem>>
    %dma_start3A_47 = tpu.memref_squeeze %dma_start3A_46 : memref<1x80xi32, #tpu.memory_space<vmem>> -> memref<80xi32, #tpu.memory_space<vmem>>
    %dma_start3A_48 = tpu.memref_slice %arg3[%multiple_of3A_39] : memref<320000xi32, #tpu.memory_space<hbm>> -> memref<80xi32, #tpu.memory_space<hbm>>
    tpu.enqueue_dma source(%dma_start3A_48 : memref<80xi32, #tpu.memory_space<hbm>>) target(%dma_start3A_47 : memref<80xi32, #tpu.memory_space<vmem>>) target_semaphore(%arg12 : memref<!tpu.dma_semaphore, #tpu.memory_space<semaphore_mem>>)
    %dma_start3A_49 = arith.constant 1 : i32
    %dma_start3A_50 = arith.constant 0 : i32
    %dma_start3A_51 = arith.constant 0 : i32
    %dma_start3A_52 = tpu.memref_slice %arg8[%dma_start3A_49, %dma_start3A_50, %dma_start3A_51] : memref<3x80x128xf32, #tpu.memory_space<vmem>> -> memref<1x80x128xf32, #tpu.memory_space<vmem>>
    %dma_start3A_53 = tpu.memref_squeeze %dma_start3A_52 : memref<1x80x128xf32, #tpu.memory_space<vmem>> -> memref<80x128xf32, #tpu.memory_space<vmem>>
    %dma_start3A_54 = arith.constant 80 : i32
    %dma_start3A_55 = tpu.memref_slice %arg6[%dma_start3A_54] : memref<10000xi32, #tpu.memory_space<vmem>> -> memref<80xi32, #tpu.memory_space<vmem>>
    %dma_start3A_56 = arith.constant 0 : i32
    %dma_start3A_57 = arith.constant 0 : i32
    %dma_start3A_58 = tpu.memref_slice %arg4[%dma_start3A_56, %dma_start3A_57] : memref<10000x128xf32, #tpu.memory_space<hbm>> -> memref<10000x128xf32, #tpu.memory_space<hbm>>
    tpu.enqueue_indirect_dma source(%dma_start3A_58 : memref<10000x128xf32, #tpu.memory_space<hbm>>) target(%dma_start3A_53 : memref<80x128xf32, #tpu.memory_space<vmem>>) offsets(%dma_start3A_55 : memref<80xi32, #tpu.memory_space<vmem>>) semaphore(%arg12 : memref<!tpu.dma_semaphore, #tpu.memory_space<semaphore_mem>>)
    %add3A_59 = arith.constant 160 : i32
    %add3A_60 = arith.addi %mul3A_2, %add3A_59 : i32
    %multiple_of3A_61 = tpu.assume_multiple %add3A_60, 8 : i32
    %dma_start3A_62 = arith.constant 2 : i32
    %dma_start3A_63 = arith.constant 0 : i32
    %dma_start3A_64 = tpu.memref_slice %arg7[%dma_start3A_62, %dma_start3A_63] : memref<3x80xi32, #tpu.memory_space<vmem>> -> memref<1x80xi32, #tpu.memory_space<vmem>>
    %dma_start3A_65 = tpu.memref_squeeze %dma_start3A_64 : memref<1x80xi32, #tpu.memory_space<vmem>> -> memref<80xi32, #tpu.memory_space<vmem>>
    %dma_start3A_66 = tpu.memref_slice %arg3[%multiple_of3A_61] : memref<320000xi32, #tpu.memory_space<hbm>> -> memref<80xi32, #tpu.memory_space<hbm>>
    %dma_start3A_67 = arith.constant 0 : i32
    %dma_start3A_68 = tpu.memref_slice %arg7[%dma_start3A_62, %dma_start3A_67] : memref<3x80xi32, #tpu.memory_space<vmem>> -> memref<1x80xi32, #tpu.memory_space<vmem>>
    %dma_start3A_69 = tpu.memref_squeeze %dma_start3A_68 : memref<1x80xi32, #tpu.memory_space<vmem>> -> memref<80xi32, #tpu.memory_space<vmem>>
    %dma_start3A_70 = tpu.memref_slice %arg3[%multiple_of3A_61] : memref<320000xi32, #tpu.memory_space<hbm>> -> memref<80xi32, #tpu.memory_space<hbm>>
    tpu.enqueue_dma source(%dma_start3A_70 : memref<80xi32, #tpu.memory_space<hbm>>) target(%dma_start3A_69 : memref<80xi32, #tpu.memory_space<vmem>>) target_semaphore(%arg13 : memref<!tpu.dma_semaphore, #tpu.memory_space<semaphore_mem>>)
    %dma_start3A_71 = arith.constant 2 : i32
    %dma_start3A_72 = arith.constant 0 : i32
    %dma_start3A_73 = arith.constant 0 : i32
    %dma_start3A_74 = tpu.memref_slice %arg8[%dma_start3A_71, %dma_start3A_72, %dma_start3A_73] : memref<3x80x128xf32, #tpu.memory_space<vmem>> -> memref<1x80x128xf32, #tpu.memory_space<vmem>>
    %dma_start3A_75 = tpu.memref_squeeze %dma_start3A_74 : memref<1x80x128xf32, #tpu.memory_space<vmem>> -> memref<80x128xf32, #tpu.memory_space<vmem>>
    %dma_start3A_76 = arith.constant 160 : i32
    %dma_start3A_77 = tpu.memref_slice %arg6[%dma_start3A_76] : memref<10000xi32, #tpu.memory_space<vmem>> -> memref<80xi32, #tpu.memory_space<vmem>>
    %dma_start3A_78 = arith.constant 0 : i32
    %dma_start3A_79 = arith.constant 0 : i32
    %dma_start3A_80 = tpu.memref_slice %arg4[%dma_start3A_78, %dma_start3A_79] : memref<10000x128xf32, #tpu.memory_space<hbm>> -> memref<10000x128xf32, #tpu.memory_space<hbm>>
    tpu.enqueue_indirect_dma source(%dma_start3A_80 : memref<10000x128xf32, #tpu.memory_space<hbm>>) target(%dma_start3A_75 : memref<80x128xf32, #tpu.memory_space<vmem>>) offsets(%dma_start3A_77 : memref<80xi32, #tpu.memory_space<vmem>>) semaphore(%arg13 : memref<!tpu.dma_semaphore, #tpu.memory_space<semaphore_mem>>)
    %scan3A_81 = arith.constant 0 : i32
    %scan3A_82 = arith.constant 0 : i32
    %scan3A_83 = arith.constant 41 : i32
    %scan3A_84 = arith.addi %scan3A_82, %scan3A_83 : i32
    %scan3A_85 = arith.constant 1 : i32
    %scan3A_86 = scf.for %scan3A_139 = %scan3A_82 to %scan3A_84 step %scan3A_85 iter_args(%scan3A_140 = %scan3A_81) -> (i32)  : i32 {
      %mul3A_141 = arith.constant 3 : i32
      %mul3A_142 = arith.muli %scan3A_139, %mul3A_141 : i32
      %add3A_143 = arith.constant 0 : i32
      %add3A_144 = arith.addi %mul3A_142, %add3A_143 : i32
      %mul3A_145 = arith.constant 80 : i32
      %mul3A_146 = arith.muli %add3A_144, %mul3A_145 : i32
      %add3A_147 = arith.addi %mul3A_2, %mul3A_146 : i32
      %multiple_of3A_148 = tpu.assume_multiple %add3A_147, 8 : i32
      %dma_wait3A_149 = arith.constant 0 : i32
      %dma_wait3A_150 = arith.constant 0 : i32
      %dma_wait3A_151 = tpu.memref_slice %arg7[%dma_wait3A_149, %dma_wait3A_150] : memref<3x80xi32, #tpu.memory_space<vmem>> -> memref<1x80xi32, #tpu.memory_space<vmem>>
      %dma_wait3A_152 = tpu.memref_squeeze %dma_wait3A_151 : memref<1x80xi32, #tpu.memory_space<vmem>> -> memref<80xi32, #tpu.memory_space<vmem>>
      %dma_wait3A_153 = tpu.memref_slice %arg3[%multiple_of3A_148] : memref<320000xi32, #tpu.memory_space<hbm>> -> memref<80xi32, #tpu.memory_space<hbm>>
      %dma_wait3A_154 = arith.constant 0 : i32
      %dma_wait3A_155 = tpu.memref_slice %arg7[%dma_wait3A_149, %dma_wait3A_154] : memref<3x80xi32, #tpu.memory_space<vmem>> -> memref<1x80xi32, #tpu.memory_space<vmem>>
      %dma_wait3A_156 = tpu.memref_squeeze %dma_wait3A_155 : memref<1x80xi32, #tpu.memory_space<vmem>> -> memref<80xi32, #tpu.memory_space<vmem>>
      %dma_wait3A_157 = tpu.memref_slice %arg3[%multiple_of3A_148] : memref<320000xi32, #tpu.memory_space<hbm>> -> memref<80xi32, #tpu.memory_space<hbm>>
      tpu.wait_dma2 semaphore(%arg11 : memref<!tpu.dma_semaphore, #tpu.memory_space<semaphore_mem>>) src(%dma_wait3A_157 : memref<80xi32, #tpu.memory_space<hbm>>) dst(%dma_wait3A_156 : memref<80xi32, #tpu.memory_space<vmem>>)
      %mul3A_158 = arith.constant 80 : i32
      %mul3A_159 = arith.muli %add3A_144, %mul3A_158 : i32
      %dma_wait3A_160 = arith.constant 0 : i32
      %dma_wait3A_161 = arith.constant 0 : i32
      %dma_wait3A_162 = arith.constant 0 : i32
      %dma_wait3A_163 = tpu.memref_slice %arg8[%dma_wait3A_160, %dma_wait3A_161, %dma_wait3A_162] : memref<3x80x128xf32, #tpu.memory_space<vmem>> -> memref<1x80x128xf32, #tpu.memory_space<vmem>>
      %dma_wait3A_164 = tpu.memref_squeeze %dma_wait3A_163 : memref<1x80x128xf32, #tpu.memory_space<vmem>> -> memref<80x128xf32, #tpu.memory_space<vmem>>
      %dma_wait3A_165 = tpu.memref_slice %arg6[%mul3A_159] : memref<10000xi32, #tpu.memory_space<vmem>> -> memref<80xi32, #tpu.memory_space<vmem>>
      %dma_wait3A_166 = arith.constant 0 : i32
      %dma_wait3A_167 = arith.constant 0 : i32
      %dma_wait3A_168 = tpu.memref_slice %arg4[%dma_wait3A_166, %dma_wait3A_167] : memref<10000x128xf32, #tpu.memory_space<hbm>> -> memref<10000x128xf32, #tpu.memory_space<hbm>>
      tpu.wait_indirect_dma semaphore(%arg11 : memref<!tpu.dma_semaphore, #tpu.memory_space<semaphore_mem>>) src(%dma_wait3A_168 : memref<10000x128xf32, #tpu.memory_space<hbm>>) dst(%dma_wait3A_164 : memref<80x128xf32, #tpu.memory_space<vmem>>)
      %run_scoped3A_169 = arith.constant 0 : i32
      %run_scoped3A_170 = arith.constant 0 : i32
      "tpu.region"() ({
        %run_scoped3A_250 = tpu.sem_alloc : memref<!tpu.dma_semaphore, #tpu.memory_space<semaphore_mem>>
        %dma_start3A_251 = arith.constant 0 : i32
        %dma_start3A_252 = arith.constant 0 : i32
        %dma_start3A_253 = tpu.memref_slice %arg8[%run_scoped3A_169, %dma_start3A_251, %dma_start3A_252] : memref<3x80x128xf32, #tpu.memory_space<vmem>> -> memref<1x80x128xf32, #tpu.memory_space<vmem>>
        %dma_start3A_254 = tpu.memref_squeeze %dma_start3A_253 : memref<1x80x128xf32, #tpu.memory_space<vmem>> -> memref<80x128xf32, #tpu.memory_space<vmem>>
        %dma_start3A_255 = arith.constant 0 : i32
        %dma_start3A_256 = tpu.memref_slice %arg7[%run_scoped3A_170, %dma_start3A_255] : memref<3x80xi32, #tpu.memory_space<vmem>> -> memref<1x80xi32, #tpu.memory_space<vmem>>
        %dma_start3A_257 = tpu.memref_squeeze %dma_start3A_256 : memref<1x80xi32, #tpu.memory_space<vmem>> -> memref<80xi32, #tpu.memory_space<vmem>>
        %dma_start3A_258 = arith.constant 0 : i32
        %dma_start3A_259 = arith.constant 0 : i32
        %dma_start3A_260 = tpu.memref_slice %arg10[%dma_start3A_258, %dma_start3A_259] : memref<10240x128xf32, #tpu.memory_space<vmem_shared>> -> memref<10240x128xf32, #tpu.memory_space<vmem_shared>>
        tpu.enqueue_indirect_dma source(%dma_start3A_254 : memref<80x128xf32, #tpu.memory_space<vmem>>) target(%dma_start3A_260 : memref<10240x128xf32, #tpu.memory_space<vmem_shared>>) offsets(%dma_start3A_257 : memref<80xi32, #tpu.memory_space<vmem>>) semaphore(%run_scoped3A_250 : memref<!tpu.dma_semaphore, #tpu.memory_space<semaphore_mem>>) {add = true}
        %dma_wait3A_261 = arith.constant 0 : i32
        %dma_wait3A_262 = arith.constant 0 : i32
        %dma_wait3A_263 = tpu.memref_slice %arg8[%run_scoped3A_169, %dma_wait3A_261, %dma_wait3A_262] : memref<3x80x128xf32, #tpu.memory_space<vmem>> -> memref<1x80x128xf32, #tpu.memory_space<vmem>>
        %dma_wait3A_264 = tpu.memref_squeeze %dma_wait3A_263 : memref<1x80x128xf32, #tpu.memory_space<vmem>> -> memref<80x128xf32, #tpu.memory_space<vmem>>
        %dma_wait3A_265 = arith.constant 0 : i32
        %dma_wait3A_266 = tpu.memref_slice %arg7[%run_scoped3A_170, %dma_wait3A_265] : memref<3x80xi32, #tpu.memory_space<vmem>> -> memref<1x80xi32, #tpu.memory_space<vmem>>
        %dma_wait3A_267 = tpu.memref_squeeze %dma_wait3A_266 : memref<1x80xi32, #tpu.memory_space<vmem>> -> memref<80xi32, #tpu.memory_space<vmem>>
        %dma_wait3A_268 = arith.constant 0 : i32
        %dma_wait3A_269 = arith.constant 0 : i32
        %dma_wait3A_270 = tpu.memref_slice %arg10[%dma_wait3A_268, %dma_wait3A_269] : memref<10240x128xf32, #tpu.memory_space<vmem_shared>> -> memref<10240x128xf32, #tpu.memory_space<vmem_shared>>
        tpu.wait_indirect_dma semaphore(%run_scoped3A_250 : memref<!tpu.dma_semaphore, #tpu.memory_space<semaphore_mem>>) src(%dma_wait3A_264 : memref<80x128xf32, #tpu.memory_space<vmem>>) dst(%dma_wait3A_270 : memref<10240x128xf32, #tpu.memory_space<vmem_shared>>)
        tpu.yield
      }) : () -> ()
      %add3A_171 = arith.constant 3 : i32
      %add3A_172 = arith.addi %add3A_144, %add3A_171 : i32
      %lt3A = arith.constant 125 : i32
      %lt3A_173 = arith.cmpi slt, %add3A_172, %lt3A : i32
      %convert_element_type3A = arith.extui %lt3A_173 : i1 to i32
      %cond3A = arith.constant 0 : i32
      %cond3A_174 = arith.cmpi ne, %convert_element_type3A, %cond3A : i32
      scf.if %cond3A_174 {
        %mul3A_250 = arith.constant 80 : i32
        %mul3A_251 = arith.muli %add3A_172, %mul3A_250 : i32
        %add3A_252 = arith.addi %mul3A_2, %mul3A_251 : i32
        %multiple_of3A_253 = tpu.assume_multiple %add3A_252, 8 : i32
        %dma_start3A_254 = arith.constant 0 : i32
        %dma_start3A_255 = arith.constant 0 : i32
        %dma_start3A_256 = tpu.memref_slice %arg7[%dma_start3A_254, %dma_start3A_255] : memref<3x80xi32, #tpu.memory_space<vmem>> -> memref<1x80xi32, #tpu.memory_space<vmem>>
        %dma_start3A_257 = tpu.memref_squeeze %dma_start3A_256 : memref<1x80xi32, #tpu.memory_space<vmem>> -> memref<80xi32, #tpu.memory_space<vmem>>
        %dma_start3A_258 = tpu.memref_slice %arg3[%multiple_of3A_253] : memref<320000xi32, #tpu.memory_space<hbm>> -> memref<80xi32, #tpu.memory_space<hbm>>
        %dma_start3A_259 = arith.constant 0 : i32
        %dma_start3A_260 = tpu.memref_slice %arg7[%dma_start3A_254, %dma_start3A_259] : memref<3x80xi32, #tpu.memory_space<vmem>> -> memref<1x80xi32, #tpu.memory_space<vmem>>
        %dma_start3A_261 = tpu.memref_squeeze %dma_start3A_260 : memref<1x80xi32, #tpu.memory_space<vmem>> -> memref<80xi32, #tpu.memory_space<vmem>>
        %dma_start3A_262 = tpu.memref_slice %arg3[%multiple_of3A_253] : memref<320000xi32, #tpu.memory_space<hbm>> -> memref<80xi32, #tpu.memory_space<hbm>>
        tpu.enqueue_dma source(%dma_start3A_262 : memref<80xi32, #tpu.memory_space<hbm>>) target(%dma_start3A_261 : memref<80xi32, #tpu.memory_space<vmem>>) target_semaphore(%arg11 : memref<!tpu.dma_semaphore, #tpu.memory_space<semaphore_mem>>)
        %mul3A_263 = arith.constant 80 : i32
        %mul3A_264 = arith.muli %add3A_172, %mul3A_263 : i32
        %dma_start3A_265 = arith.constant 0 : i32
        %dma_start3A_266 = arith.constant 0 : i32
        %dma_start3A_267 = arith.constant 0 : i32
        %dma_start3A_268 = tpu.memref_slice %arg8[%dma_start3A_265, %dma_start3A_266, %dma_start3A_267] : memref<3x80x128xf32, #tpu.memory_space<vmem>> -> memref<1x80x128xf32, #tpu.memory_space<vmem>>
        %dma_start3A_269 = tpu.memref_squeeze %dma_start3A_268 : memref<1x80x128xf32, #tpu.memory_space<vmem>> -> memref<80x128xf32, #tpu.memory_space<vmem>>
        %dma_start3A_270 = tpu.memref_slice %arg6[%mul3A_264] : memref<10000xi32, #tpu.memory_space<vmem>> -> memref<80xi32, #tpu.memory_space<vmem>>
        %dma_start3A_271 = arith.constant 0 : i32
        %dma_start3A_272 = arith.constant 0 : i32
        %dma_start3A_273 = tpu.memref_slice %arg4[%dma_start3A_271, %dma_start3A_272] : memref<10000x128xf32, #tpu.memory_space<hbm>> -> memref<10000x128xf32, #tpu.memory_space<hbm>>
        tpu.enqueue_indirect_dma source(%dma_start3A_273 : memref<10000x128xf32, #tpu.memory_space<hbm>>) target(%dma_start3A_269 : memref<80x128xf32, #tpu.memory_space<vmem>>) offsets(%dma_start3A_270 : memref<80xi32, #tpu.memory_space<vmem>>) semaphore(%arg11 : memref<!tpu.dma_semaphore, #tpu.memory_space<semaphore_mem>>)
      } else {
      }
      %mul3A_175 = arith.constant 3 : i32
      %mul3A_176 = arith.muli %scan3A_139, %mul3A_175 : i32
      %add3A_177 = arith.constant 1 : i32
      %add3A_178 = arith.addi %mul3A_176, %add3A_177 : i32
      %mul3A_179 = arith.constant 80 : i32
      %mul3A_180 = arith.muli %add3A_178, %mul3A_179 : i32
      %add3A_181 = arith.addi %mul3A_2, %mul3A_180 : i32
      %multiple_of3A_182 = tpu.assume_multiple %add3A_181, 8 : i32
      %dma_wait3A_183 = arith.constant 1 : i32
      %dma_wait3A_184 = arith.constant 0 : i32
      %dma_wait3A_185 = tpu.memref_slice %arg7[%dma_wait3A_183, %dma_wait3A_184] : memref<3x80xi32, #tpu.memory_space<vmem>> -> memref<1x80xi32, #tpu.memory_space<vmem>>
      %dma_wait3A_186 = tpu.memref_squeeze %dma_wait3A_185 : memref<1x80xi32, #tpu.memory_space<vmem>> -> memref<80xi32, #tpu.memory_space<vmem>>
      %dma_wait3A_187 = tpu.memref_slice %arg3[%multiple_of3A_182] : memref<320000xi32, #tpu.memory_space<hbm>> -> memref<80xi32, #tpu.memory_space<hbm>>
      %dma_wait3A_188 = arith.constant 0 : i32
      %dma_wait3A_189 = tpu.memref_slice %arg7[%dma_wait3A_183, %dma_wait3A_188] : memref<3x80xi32, #tpu.memory_space<vmem>> -> memref<1x80xi32, #tpu.memory_space<vmem>>
      %dma_wait3A_190 = tpu.memref_squeeze %dma_wait3A_189 : memref<1x80xi32, #tpu.memory_space<vmem>> -> memref<80xi32, #tpu.memory_space<vmem>>
      %dma_wait3A_191 = tpu.memref_slice %arg3[%multiple_of3A_182] : memref<320000xi32, #tpu.memory_space<hbm>> -> memref<80xi32, #tpu.memory_space<hbm>>
      tpu.wait_dma2 semaphore(%arg12 : memref<!tpu.dma_semaphore, #tpu.memory_space<semaphore_mem>>) src(%dma_wait3A_191 : memref<80xi32, #tpu.memory_space<hbm>>) dst(%dma_wait3A_190 : memref<80xi32, #tpu.memory_space<vmem>>)
      %mul3A_192 = arith.constant 80 : i32
      %mul3A_193 = arith.muli %add3A_178, %mul3A_192 : i32
      %dma_wait3A_194 = arith.constant 1 : i32
      %dma_wait3A_195 = arith.constant 0 : i32
      %dma_wait3A_196 = arith.constant 0 : i32
      %dma_wait3A_197 = tpu.memref_slice %arg8[%dma_wait3A_194, %dma_wait3A_195, %dma_wait3A_196] : memref<3x80x128xf32, #tpu.memory_space<vmem>> -> memref<1x80x128xf32, #tpu.memory_space<vmem>>
      %dma_wait3A_198 = tpu.memref_squeeze %dma_wait3A_197 : memref<1x80x128xf32, #tpu.memory_space<vmem>> -> memref<80x128xf32, #tpu.memory_space<vmem>>
      %dma_wait3A_199 = tpu.memref_slice %arg6[%mul3A_193] : memref<10000xi32, #tpu.memory_space<vmem>> -> memref<80xi32, #tpu.memory_space<vmem>>
      %dma_wait3A_200 = arith.constant 0 : i32
      %dma_wait3A_201 = arith.constant 0 : i32
      %dma_wait3A_202 = tpu.memref_slice %arg4[%dma_wait3A_200, %dma_wait3A_201] : memref<10000x128xf32, #tpu.memory_space<hbm>> -> memref<10000x128xf32, #tpu.memory_space<hbm>>
      tpu.wait_indirect_dma semaphore(%arg12 : memref<!tpu.dma_semaphore, #tpu.memory_space<semaphore_mem>>) src(%dma_wait3A_202 : memref<10000x128xf32, #tpu.memory_space<hbm>>) dst(%dma_wait3A_198 : memref<80x128xf32, #tpu.memory_space<vmem>>)
      %run_scoped3A_203 = arith.constant 1 : i32
      %run_scoped3A_204 = arith.constant 1 : i32
      "tpu.region"() ({
        %run_scoped3A_250 = tpu.sem_alloc : memref<!tpu.dma_semaphore, #tpu.memory_space<semaphore_mem>>
        %dma_start3A_251 = arith.constant 0 : i32
        %dma_start3A_252 = arith.constant 0 : i32
        %dma_start3A_253 = tpu.memref_slice %arg8[%run_scoped3A_203, %dma_start3A_251, %dma_start3A_252] : memref<3x80x128xf32, #tpu.memory_space<vmem>> -> memref<1x80x128xf32, #tpu.memory_space<vmem>>
        %dma_start3A_254 = tpu.memref_squeeze %dma_start3A_253 : memref<1x80x128xf32, #tpu.memory_space<vmem>> -> memref<80x128xf32, #tpu.memory_space<vmem>>
        %dma_start3A_255 = arith.constant 0 : i32
        %dma_start3A_256 = tpu.memref_slice %arg7[%run_scoped3A_204, %dma_start3A_255] : memref<3x80xi32, #tpu.memory_space<vmem>> -> memref<1x80xi32, #tpu.memory_space<vmem>>
        %dma_start3A_257 = tpu.memref_squeeze %dma_start3A_256 : memref<1x80xi32, #tpu.memory_space<vmem>> -> memref<80xi32, #tpu.memory_space<vmem>>
        %dma_start3A_258 = arith.constant 0 : i32
        %dma_start3A_259 = arith.constant 0 : i32
        %dma_start3A_260 = tpu.memref_slice %arg10[%dma_start3A_258, %dma_start3A_259] : memref<10240x128xf32, #tpu.memory_space<vmem_shared>> -> memref<10240x128xf32, #tpu.memory_space<vmem_shared>>
        tpu.enqueue_indirect_dma source(%dma_start3A_254 : memref<80x128xf32, #tpu.memory_space<vmem>>) target(%dma_start3A_260 : memref<10240x128xf32, #tpu.memory_space<vmem_shared>>) offsets(%dma_start3A_257 : memref<80xi32, #tpu.memory_space<vmem>>) semaphore(%run_scoped3A_250 : memref<!tpu.dma_semaphore, #tpu.memory_space<semaphore_mem>>) {add = true}
        %dma_wait3A_261 = arith.constant 0 : i32
        %dma_wait3A_262 = arith.constant 0 : i32
        %dma_wait3A_263 = tpu.memref_slice %arg8[%run_scoped3A_203, %dma_wait3A_261, %dma_wait3A_262] : memref<3x80x128xf32, #tpu.memory_space<vmem>> -> memref<1x80x128xf32, #tpu.memory_space<vmem>>
        %dma_wait3A_264 = tpu.memref_squeeze %dma_wait3A_263 : memref<1x80x128xf32, #tpu.memory_space<vmem>> -> memref<80x128xf32, #tpu.memory_space<vmem>>
        %dma_wait3A_265 = arith.constant 0 : i32
        %dma_wait3A_266 = tpu.memref_slice %arg7[%run_scoped3A_204, %dma_wait3A_265] : memref<3x80xi32, #tpu.memory_space<vmem>> -> memref<1x80xi32, #tpu.memory_space<vmem>>
        %dma_wait3A_267 = tpu.memref_squeeze %dma_wait3A_266 : memref<1x80xi32, #tpu.memory_space<vmem>> -> memref<80xi32, #tpu.memory_space<vmem>>
        %dma_wait3A_268 = arith.constant 0 : i32
        %dma_wait3A_269 = arith.constant 0 : i32
        %dma_wait3A_270 = tpu.memref_slice %arg10[%dma_wait3A_268, %dma_wait3A_269] : memref<10240x128xf32, #tpu.memory_space<vmem_shared>> -> memref<10240x128xf32, #tpu.memory_space<vmem_shared>>
        tpu.wait_indirect_dma semaphore(%run_scoped3A_250 : memref<!tpu.dma_semaphore, #tpu.memory_space<semaphore_mem>>) src(%dma_wait3A_264 : memref<80x128xf32, #tpu.memory_space<vmem>>) dst(%dma_wait3A_270 : memref<10240x128xf32, #tpu.memory_space<vmem_shared>>)
        tpu.yield
      }) : () -> ()
      %add3A_205 = arith.constant 3 : i32
      %add3A_206 = arith.addi %add3A_178, %add3A_205 : i32
      %lt3A_207 = arith.constant 125 : i32
      %lt3A_208 = arith.cmpi slt, %add3A_206, %lt3A_207 : i32
      %convert_element_type3A_209 = arith.extui %lt3A_208 : i1 to i32
      %cond3A_210 = arith.constant 0 : i32
      %cond3A_211 = arith.cmpi ne, %convert_element_type3A_209, %cond3A_210 : i32
      scf.if %cond3A_211 {
        %mul3A_250 = arith.constant 80 : i32
        %mul3A_251 = arith.muli %add3A_206, %mul3A_250 : i32
        %add3A_252 = arith.addi %mul3A_2, %mul3A_251 : i32
        %multiple_of3A_253 = tpu.assume_multiple %add3A_252, 8 : i32
        %dma_start3A_254 = arith.constant 1 : i32
        %dma_start3A_255 = arith.constant 0 : i32
        %dma_start3A_256 = tpu.memref_slice %arg7[%dma_start3A_254, %dma_start3A_255] : memref<3x80xi32, #tpu.memory_space<vmem>> -> memref<1x80xi32, #tpu.memory_space<vmem>>
        %dma_start3A_257 = tpu.memref_squeeze %dma_start3A_256 : memref<1x80xi32, #tpu.memory_space<vmem>> -> memref<80xi32, #tpu.memory_space<vmem>>
        %dma_start3A_258 = tpu.memref_slice %arg3[%multiple_of3A_253] : memref<320000xi32, #tpu.memory_space<hbm>> -> memref<80xi32, #tpu.memory_space<hbm>>
        %dma_start3A_259 = arith.constant 0 : i32
        %dma_start3A_260 = tpu.memref_slice %arg7[%dma_start3A_254, %dma_start3A_259] : memref<3x80xi32, #tpu.memory_space<vmem>> -> memref<1x80xi32, #tpu.memory_space<vmem>>
        %dma_start3A_261 = tpu.memref_squeeze %dma_start3A_260 : memref<1x80xi32, #tpu.memory_space<vmem>> -> memref<80xi32, #tpu.memory_space<vmem>>
        %dma_start3A_262 = tpu.memref_slice %arg3[%multiple_of3A_253] : memref<320000xi32, #tpu.memory_space<hbm>> -> memref<80xi32, #tpu.memory_space<hbm>>
        tpu.enqueue_dma source(%dma_start3A_262 : memref<80xi32, #tpu.memory_space<hbm>>) target(%dma_start3A_261 : memref<80xi32, #tpu.memory_space<vmem>>) target_semaphore(%arg12 : memref<!tpu.dma_semaphore, #tpu.memory_space<semaphore_mem>>)
        %mul3A_263 = arith.constant 80 : i32
        %mul3A_264 = arith.muli %add3A_206, %mul3A_263 : i32
        %dma_start3A_265 = arith.constant 1 : i32
        %dma_start3A_266 = arith.constant 0 : i32
        %dma_start3A_267 = arith.constant 0 : i32
        %dma_start3A_268 = tpu.memref_slice %arg8[%dma_start3A_265, %dma_start3A_266, %dma_start3A_267] : memref<3x80x128xf32, #tpu.memory_space<vmem>> -> memref<1x80x128xf32, #tpu.memory_space<vmem>>
        %dma_start3A_269 = tpu.memref_squeeze %dma_start3A_268 : memref<1x80x128xf32, #tpu.memory_space<vmem>> -> memref<80x128xf32, #tpu.memory_space<vmem>>
        %dma_start3A_270 = tpu.memref_slice %arg6[%mul3A_264] : memref<10000xi32, #tpu.memory_space<vmem>> -> memref<80xi32, #tpu.memory_space<vmem>>
        %dma_start3A_271 = arith.constant 0 : i32
        %dma_start3A_272 = arith.constant 0 : i32
        %dma_start3A_273 = tpu.memref_slice %arg4[%dma_start3A_271, %dma_start3A_272] : memref<10000x128xf32, #tpu.memory_space<hbm>> -> memref<10000x128xf32, #tpu.memory_space<hbm>>
        tpu.enqueue_indirect_dma source(%dma_start3A_273 : memref<10000x128xf32, #tpu.memory_space<hbm>>) target(%dma_start3A_269 : memref<80x128xf32, #tpu.memory_space<vmem>>) offsets(%dma_start3A_270 : memref<80xi32, #tpu.memory_space<vmem>>) semaphore(%arg12 : memref<!tpu.dma_semaphore, #tpu.memory_space<semaphore_mem>>)
      } else {
      }
      %mul3A_212 = arith.constant 3 : i32
      %mul3A_213 = arith.muli %scan3A_139, %mul3A_212 : i32
      %add3A_214 = arith.constant 2 : i32
      %add3A_215 = arith.addi %mul3A_213, %add3A_214 : i32
      %mul3A_216 = arith.constant 80 : i32
      %mul3A_217 = arith.muli %add3A_215, %mul3A_216 : i32
      %add3A_218 = arith.addi %mul3A_2, %mul3A_217 : i32
      %multiple_of3A_219 = tpu.assume_multiple %add3A_218, 8 : i32
      %dma_wait3A_220 = arith.constant 2 : i32
      %dma_wait3A_221 = arith.constant 0 : i32
      %dma_wait3A_222 = tpu.memref_slice %arg7[%dma_wait3A_220, %dma_wait3A_221] : memref<3x80xi32, #tpu.memory_space<vmem>> -> memref<1x80xi32, #tpu.memory_space<vmem>>
      %dma_wait3A_223 = tpu.memref_squeeze %dma_wait3A_222 : memref<1x80xi32, #tpu.memory_space<vmem>> -> memref<80xi32, #tpu.memory_space<vmem>>
      %dma_wait3A_224 = tpu.memref_slice %arg3[%multiple_of3A_219] : memref<320000xi32, #tpu.memory_space<hbm>> -> memref<80xi32, #tpu.memory_space<hbm>>
      %dma_wait3A_225 = arith.constant 0 : i32
      %dma_wait3A_226 = tpu.memref_slice %arg7[%dma_wait3A_220, %dma_wait3A_225] : memref<3x80xi32, #tpu.memory_space<vmem>> -> memref<1x80xi32, #tpu.memory_space<vmem>>
      %dma_wait3A_227 = tpu.memref_squeeze %dma_wait3A_226 : memref<1x80xi32, #tpu.memory_space<vmem>> -> memref<80xi32, #tpu.memory_space<vmem>>
      %dma_wait3A_228 = tpu.memref_slice %arg3[%multiple_of3A_219] : memref<320000xi32, #tpu.memory_space<hbm>> -> memref<80xi32, #tpu.memory_space<hbm>>
      tpu.wait_dma2 semaphore(%arg13 : memref<!tpu.dma_semaphore, #tpu.memory_space<semaphore_mem>>) src(%dma_wait3A_228 : memref<80xi32, #tpu.memory_space<hbm>>) dst(%dma_wait3A_227 : memref<80xi32, #tpu.memory_space<vmem>>)
      %mul3A_229 = arith.constant 80 : i32
      %mul3A_230 = arith.muli %add3A_215, %mul3A_229 : i32
      %dma_wait3A_231 = arith.constant 2 : i32
      %dma_wait3A_232 = arith.constant 0 : i32
      %dma_wait3A_233 = arith.constant 0 : i32
      %dma_wait3A_234 = tpu.memref_slice %arg8[%dma_wait3A_231, %dma_wait3A_232, %dma_wait3A_233] : memref<3x80x128xf32, #tpu.memory_space<vmem>> -> memref<1x80x128xf32, #tpu.memory_space<vmem>>
      %dma_wait3A_235 = tpu.memref_squeeze %dma_wait3A_234 : memref<1x80x128xf32, #tpu.memory_space<vmem>> -> memref<80x128xf32, #tpu.memory_space<vmem>>
      %dma_wait3A_236 = tpu.memref_slice %arg6[%mul3A_230] : memref<10000xi32, #tpu.memory_space<vmem>> -> memref<80xi32, #tpu.memory_space<vmem>>
      %dma_wait3A_237 = arith.constant 0 : i32
      %dma_wait3A_238 = arith.constant 0 : i32
      %dma_wait3A_239 = tpu.memref_slice %arg4[%dma_wait3A_237, %dma_wait3A_238] : memref<10000x128xf32, #tpu.memory_space<hbm>> -> memref<10000x128xf32, #tpu.memory_space<hbm>>
      tpu.wait_indirect_dma semaphore(%arg13 : memref<!tpu.dma_semaphore, #tpu.memory_space<semaphore_mem>>) src(%dma_wait3A_239 : memref<10000x128xf32, #tpu.memory_space<hbm>>) dst(%dma_wait3A_235 : memref<80x128xf32, #tpu.memory_space<vmem>>)
      %run_scoped3A_240 = arith.constant 2 : i32
      %run_scoped3A_241 = arith.constant 2 : i32
      "tpu.region"() ({
        %run_scoped3A_250 = tpu.sem_alloc : memref<!tpu.dma_semaphore, #tpu.memory_space<semaphore_mem>>
        %dma_start3A_251 = arith.constant 0 : i32
        %dma_start3A_252 = arith.constant 0 : i32
        %dma_start3A_253 = tpu.memref_slice %arg8[%run_scoped3A_240, %dma_start3A_251, %dma_start3A_252] : memref<3x80x128xf32, #tpu.memory_space<vmem>> -> memref<1x80x128xf32, #tpu.memory_space<vmem>>
        %dma_start3A_254 = tpu.memref_squeeze %dma_start3A_253 : memref<1x80x128xf32, #tpu.memory_space<vmem>> -> memref<80x128xf32, #tpu.memory_space<vmem>>
        %dma_start3A_255 = arith.constant 0 : i32
        %dma_start3A_256 = tpu.memref_slice %arg7[%run_scoped3A_241, %dma_start3A_255] : memref<3x80xi32, #tpu.memory_space<vmem>> -> memref<1x80xi32, #tpu.memory_space<vmem>>
        %dma_start3A_257 = tpu.memref_squeeze %dma_start3A_256 : memref<1x80xi32, #tpu.memory_space<vmem>> -> memref<80xi32, #tpu.memory_space<vmem>>
        %dma_start3A_258 = arith.constant 0 : i32
        %dma_start3A_259 = arith.constant 0 : i32
        %dma_start3A_260 = tpu.memref_slice %arg10[%dma_start3A_258, %dma_start3A_259] : memref<10240x128xf32, #tpu.memory_space<vmem_shared>> -> memref<10240x128xf32, #tpu.memory_space<vmem_shared>>
        tpu.enqueue_indirect_dma source(%dma_start3A_254 : memref<80x128xf32, #tpu.memory_space<vmem>>) target(%dma_start3A_260 : memref<10240x128xf32, #tpu.memory_space<vmem_shared>>) offsets(%dma_start3A_257 : memref<80xi32, #tpu.memory_space<vmem>>) semaphore(%run_scoped3A_250 : memref<!tpu.dma_semaphore, #tpu.memory_space<semaphore_mem>>) {add = true}
        %dma_wait3A_261 = arith.constant 0 : i32
        %dma_wait3A_262 = arith.constant 0 : i32
        %dma_wait3A_263 = tpu.memref_slice %arg8[%run_scoped3A_240, %dma_wait3A_261, %dma_wait3A_262] : memref<3x80x128xf32, #tpu.memory_space<vmem>> -> memref<1x80x128xf32, #tpu.memory_space<vmem>>
        %dma_wait3A_264 = tpu.memref_squeeze %dma_wait3A_263 : memref<1x80x128xf32, #tpu.memory_space<vmem>> -> memref<80x128xf32, #tpu.memory_space<vmem>>
        %dma_wait3A_265 = arith.constant 0 : i32
        %dma_wait3A_266 = tpu.memref_slice %arg7[%run_scoped3A_241, %dma_wait3A_265] : memref<3x80xi32, #tpu.memory_space<vmem>> -> memref<1x80xi32, #tpu.memory_space<vmem>>
        %dma_wait3A_267 = tpu.memref_squeeze %dma_wait3A_266 : memref<1x80xi32, #tpu.memory_space<vmem>> -> memref<80xi32, #tpu.memory_space<vmem>>
        %dma_wait3A_268 = arith.constant 0 : i32
        %dma_wait3A_269 = arith.constant 0 : i32
        %dma_wait3A_270 = tpu.memref_slice %arg10[%dma_wait3A_268, %dma_wait3A_269] : memref<10240x128xf32, #tpu.memory_space<vmem_shared>> -> memref<10240x128xf32, #tpu.memory_space<vmem_shared>>
        tpu.wait_indirect_dma semaphore(%run_scoped3A_250 : memref<!tpu.dma_semaphore, #tpu.memory_space<semaphore_mem>>) src(%dma_wait3A_264 : memref<80x128xf32, #tpu.memory_space<vmem>>) dst(%dma_wait3A_270 : memref<10240x128xf32, #tpu.memory_space<vmem_shared>>)
        tpu.yield
      }) : () -> ()
      %add3A_242 = arith.constant 3 : i32
      %add3A_243 = arith.addi %add3A_215, %add3A_242 : i32
      %lt3A_244 = arith.constant 125 : i32
      %lt3A_245 = arith.cmpi slt, %add3A_243, %lt3A_244 : i32
      %convert_element_type3A_246 = arith.extui %lt3A_245 : i1 to i32
      %cond3A_247 = arith.constant 0 : i32
      %cond3A_248 = arith.cmpi ne, %convert_element_type3A_246, %cond3A_247 : i32
      scf.if %cond3A_248 {
        %mul3A_250 = arith.constant 80 : i32
        %mul3A_251 = arith.muli %add3A_243, %mul3A_250 : i32
        %add3A_252 = arith.addi %mul3A_2, %mul3A_251 : i32
        %multiple_of3A_253 = tpu.assume_multiple %add3A_252, 8 : i32
        %dma_start3A_254 = arith.constant 2 : i32
        %dma_start3A_255 = arith.constant 0 : i32
        %dma_start3A_256 = tpu.memref_slice %arg7[%dma_start3A_254, %dma_start3A_255] : memref<3x80xi32, #tpu.memory_space<vmem>> -> memref<1x80xi32, #tpu.memory_space<vmem>>
        %dma_start3A_257 = tpu.memref_squeeze %dma_start3A_256 : memref<1x80xi32, #tpu.memory_space<vmem>> -> memref<80xi32, #tpu.memory_space<vmem>>
        %dma_start3A_258 = tpu.memref_slice %arg3[%multiple_of3A_253] : memref<320000xi32, #tpu.memory_space<hbm>> -> memref<80xi32, #tpu.memory_space<hbm>>
        %dma_start3A_259 = arith.constant 0 : i32
        %dma_start3A_260 = tpu.memref_slice %arg7[%dma_start3A_254, %dma_start3A_259] : memref<3x80xi32, #tpu.memory_space<vmem>> -> memref<1x80xi32, #tpu.memory_space<vmem>>
        %dma_start3A_261 = tpu.memref_squeeze %dma_start3A_260 : memref<1x80xi32, #tpu.memory_space<vmem>> -> memref<80xi32, #tpu.memory_space<vmem>>
        %dma_start3A_262 = tpu.memref_slice %arg3[%multiple_of3A_253] : memref<320000xi32, #tpu.memory_space<hbm>> -> memref<80xi32, #tpu.memory_space<hbm>>
        tpu.enqueue_dma source(%dma_start3A_262 : memref<80xi32, #tpu.memory_space<hbm>>) target(%dma_start3A_261 : memref<80xi32, #tpu.memory_space<vmem>>) target_semaphore(%arg13 : memref<!tpu.dma_semaphore, #tpu.memory_space<semaphore_mem>>)
        %mul3A_263 = arith.constant 80 : i32
        %mul3A_264 = arith.muli %add3A_243, %mul3A_263 : i32
        %dma_start3A_265 = arith.constant 2 : i32
        %dma_start3A_266 = arith.constant 0 : i32
        %dma_start3A_267 = arith.constant 0 : i32
        %dma_start3A_268 = tpu.memref_slice %arg8[%dma_start3A_265, %dma_start3A_266, %dma_start3A_267] : memref<3x80x128xf32, #tpu.memory_space<vmem>> -> memref<1x80x128xf32, #tpu.memory_space<vmem>>
        %dma_start3A_269 = tpu.memref_squeeze %dma_start3A_268 : memref<1x80x128xf32, #tpu.memory_space<vmem>> -> memref<80x128xf32, #tpu.memory_space<vmem>>
        %dma_start3A_270 = tpu.memref_slice %arg6[%mul3A_264] : memref<10000xi32, #tpu.memory_space<vmem>> -> memref<80xi32, #tpu.memory_space<vmem>>
        %dma_start3A_271 = arith.constant 0 : i32
        %dma_start3A_272 = arith.constant 0 : i32
        %dma_start3A_273 = tpu.memref_slice %arg4[%dma_start3A_271, %dma_start3A_272] : memref<10000x128xf32, #tpu.memory_space<hbm>> -> memref<10000x128xf32, #tpu.memory_space<hbm>>
        tpu.enqueue_indirect_dma source(%dma_start3A_273 : memref<10000x128xf32, #tpu.memory_space<hbm>>) target(%dma_start3A_269 : memref<80x128xf32, #tpu.memory_space<vmem>>) offsets(%dma_start3A_270 : memref<80xi32, #tpu.memory_space<vmem>>) semaphore(%arg13 : memref<!tpu.dma_semaphore, #tpu.memory_space<semaphore_mem>>)
      } else {
      }
      %scan3A_249 = arith.constant 0 : i32
      scf.yield %scan3A_249 : i32
    }
    %scan3A_87 = arith.constant 41 : i32
    %add3A_88 = arith.constant 9840 : i32
    %add3A_89 = arith.addi %mul3A_2, %add3A_88 : i32
    %multiple_of3A_90 = tpu.assume_multiple %add3A_89, 8 : i32
    %dma_wait3A = arith.constant 0 : i32
    %dma_wait3A_91 = arith.constant 0 : i32
    %dma_wait3A_92 = tpu.memref_slice %arg7[%dma_wait3A, %dma_wait3A_91] : memref<3x80xi32, #tpu.memory_space<vmem>> -> memref<1x80xi32, #tpu.memory_space<vmem>>
    %dma_wait3A_93 = tpu.memref_squeeze %dma_wait3A_92 : memref<1x80xi32, #tpu.memory_space<vmem>> -> memref<80xi32, #tpu.memory_space<vmem>>
    %dma_wait3A_94 = tpu.memref_slice %arg3[%multiple_of3A_90] : memref<320000xi32, #tpu.memory_space<hbm>> -> memref<80xi32, #tpu.memory_space<hbm>>
    %dma_wait3A_95 = arith.constant 0 : i32
    %dma_wait3A_96 = tpu.memref_slice %arg7[%dma_wait3A, %dma_wait3A_95] : memref<3x80xi32, #tpu.memory_space<vmem>> -> memref<1x80xi32, #tpu.memory_space<vmem>>
    %dma_wait3A_97 = tpu.memref_squeeze %dma_wait3A_96 : memref<1x80xi32, #tpu.memory_space<vmem>> -> memref<80xi32, #tpu.memory_space<vmem>>
    %dma_wait3A_98 = tpu.memref_slice %arg3[%multiple_of3A_90] : memref<320000xi32, #tpu.memory_space<hbm>> -> memref<80xi32, #tpu.memory_space<hbm>>
    tpu.wait_dma2 semaphore(%arg11 : memref<!tpu.dma_semaphore, #tpu.memory_space<semaphore_mem>>) src(%dma_wait3A_98 : memref<80xi32, #tpu.memory_space<hbm>>) dst(%dma_wait3A_97 : memref<80xi32, #tpu.memory_space<vmem>>)
    %dma_wait3A_99 = arith.constant 0 : i32
    %dma_wait3A_100 = arith.constant 0 : i32
    %dma_wait3A_101 = arith.constant 0 : i32
    %dma_wait3A_102 = tpu.memref_slice %arg8[%dma_wait3A_99, %dma_wait3A_100, %dma_wait3A_101] : memref<3x80x128xf32, #tpu.memory_space<vmem>> -> memref<1x80x128xf32, #tpu.memory_space<vmem>>
    %dma_wait3A_103 = tpu.memref_squeeze %dma_wait3A_102 : memref<1x80x128xf32, #tpu.memory_space<vmem>> -> memref<80x128xf32, #tpu.memory_space<vmem>>
    %dma_wait3A_104 = arith.constant 9840 : i32
    %dma_wait3A_105 = tpu.memref_slice %arg6[%dma_wait3A_104] : memref<10000xi32, #tpu.memory_space<vmem>> -> memref<80xi32, #tpu.memory_space<vmem>>
    %dma_wait3A_106 = arith.constant 0 : i32
    %dma_wait3A_107 = arith.constant 0 : i32
    %dma_wait3A_108 = tpu.memref_slice %arg4[%dma_wait3A_106, %dma_wait3A_107] : memref<10000x128xf32, #tpu.memory_space<hbm>> -> memref<10000x128xf32, #tpu.memory_space<hbm>>
    tpu.wait_indirect_dma semaphore(%arg11 : memref<!tpu.dma_semaphore, #tpu.memory_space<semaphore_mem>>) src(%dma_wait3A_108 : memref<10000x128xf32, #tpu.memory_space<hbm>>) dst(%dma_wait3A_103 : memref<80x128xf32, #tpu.memory_space<vmem>>)
    %run_scoped3A = arith.constant 0 : i32
    %run_scoped3A_109 = arith.constant 0 : i32
    "tpu.region"() ({
      %run_scoped3A_139 = tpu.sem_alloc : memref<!tpu.dma_semaphore, #tpu.memory_space<semaphore_mem>>
      %dma_start3A_140 = arith.constant 0 : i32
      %dma_start3A_141 = arith.constant 0 : i32
      %dma_start3A_142 = tpu.memref_slice %arg8[%run_scoped3A, %dma_start3A_140, %dma_start3A_141] : memref<3x80x128xf32, #tpu.memory_space<vmem>> -> memref<1x80x128xf32, #tpu.memory_space<vmem>>
      %dma_start3A_143 = tpu.memref_squeeze %dma_start3A_142 : memref<1x80x128xf32, #tpu.memory_space<vmem>> -> memref<80x128xf32, #tpu.memory_space<vmem>>
      %dma_start3A_144 = arith.constant 0 : i32
      %dma_start3A_145 = tpu.memref_slice %arg7[%run_scoped3A_109, %dma_start3A_144] : memref<3x80xi32, #tpu.memory_space<vmem>> -> memref<1x80xi32, #tpu.memory_space<vmem>>
      %dma_start3A_146 = tpu.memref_squeeze %dma_start3A_145 : memref<1x80xi32, #tpu.memory_space<vmem>> -> memref<80xi32, #tpu.memory_space<vmem>>
      %dma_start3A_147 = arith.constant 0 : i32
      %dma_start3A_148 = arith.constant 0 : i32
      %dma_start3A_149 = tpu.memref_slice %arg10[%dma_start3A_147, %dma_start3A_148] : memref<10240x128xf32, #tpu.memory_space<vmem_shared>> -> memref<10240x128xf32, #tpu.memory_space<vmem_shared>>
      tpu.enqueue_indirect_dma source(%dma_start3A_143 : memref<80x128xf32, #tpu.memory_space<vmem>>) target(%dma_start3A_149 : memref<10240x128xf32, #tpu.memory_space<vmem_shared>>) offsets(%dma_start3A_146 : memref<80xi32, #tpu.memory_space<vmem>>) semaphore(%run_scoped3A_139 : memref<!tpu.dma_semaphore, #tpu.memory_space<semaphore_mem>>) {add = true}
      %dma_wait3A_150 = arith.constant 0 : i32
      %dma_wait3A_151 = arith.constant 0 : i32
      %dma_wait3A_152 = tpu.memref_slice %arg8[%run_scoped3A, %dma_wait3A_150, %dma_wait3A_151] : memref<3x80x128xf32, #tpu.memory_space<vmem>> -> memref<1x80x128xf32, #tpu.memory_space<vmem>>
      %dma_wait3A_153 = tpu.memref_squeeze %dma_wait3A_152 : memref<1x80x128xf32, #tpu.memory_space<vmem>> -> memref<80x128xf32, #tpu.memory_space<vmem>>
      %dma_wait3A_154 = arith.constant 0 : i32
      %dma_wait3A_155 = tpu.memref_slice %arg7[%run_scoped3A_109, %dma_wait3A_154] : memref<3x80xi32, #tpu.memory_space<vmem>> -> memref<1x80xi32, #tpu.memory_space<vmem>>
      %dma_wait3A_156 = tpu.memref_squeeze %dma_wait3A_155 : memref<1x80xi32, #tpu.memory_space<vmem>> -> memref<80xi32, #tpu.memory_space<vmem>>
      %dma_wait3A_157 = arith.constant 0 : i32
      %dma_wait3A_158 = arith.constant 0 : i32
      %dma_wait3A_159 = tpu.memref_slice %arg10[%dma_wait3A_157, %dma_wait3A_158] : memref<10240x128xf32, #tpu.memory_space<vmem_shared>> -> memref<10240x128xf32, #tpu.memory_space<vmem_shared>>
      tpu.wait_indirect_dma semaphore(%run_scoped3A_139 : memref<!tpu.dma_semaphore, #tpu.memory_space<semaphore_mem>>) src(%dma_wait3A_153 : memref<80x128xf32, #tpu.memory_space<vmem>>) dst(%dma_wait3A_159 : memref<10240x128xf32, #tpu.memory_space<vmem_shared>>)
      tpu.yield
    }) : () -> ()
    %add3A_110 = arith.constant 9920 : i32
    %add3A_111 = arith.addi %mul3A_2, %add3A_110 : i32
    %multiple_of3A_112 = tpu.assume_multiple %add3A_111, 8 : i32
    %dma_wait3A_113 = arith.constant 1 : i32
    %dma_wait3A_114 = arith.constant 0 : i32
    %dma_wait3A_115 = tpu.memref_slice %arg7[%dma_wait3A_113, %dma_wait3A_114] : memref<3x80xi32, #tpu.memory_space<vmem>> -> memref<1x80xi32, #tpu.memory_space<vmem>>
    %dma_wait3A_116 = tpu.memref_squeeze %dma_wait3A_115 : memref<1x80xi32, #tpu.memory_space<vmem>> -> memref<80xi32, #tpu.memory_space<vmem>>
    %dma_wait3A_117 = tpu.memref_slice %arg3[%multiple_of3A_112] : memref<320000xi32, #tpu.memory_space<hbm>> -> memref<80xi32, #tpu.memory_space<hbm>>
    %dma_wait3A_118 = arith.constant 0 : i32
    %dma_wait3A_119 = tpu.memref_slice %arg7[%dma_wait3A_113, %dma_wait3A_118] : memref<3x80xi32, #tpu.memory_space<vmem>> -> memref<1x80xi32, #tpu.memory_space<vmem>>
    %dma_wait3A_120 = tpu.memref_squeeze %dma_wait3A_119 : memref<1x80xi32, #tpu.memory_space<vmem>> -> memref<80xi32, #tpu.memory_space<vmem>>
    %dma_wait3A_121 = tpu.memref_slice %arg3[%multiple_of3A_112] : memref<320000xi32, #tpu.memory_space<hbm>> -> memref<80xi32, #tpu.memory_space<hbm>>
    tpu.wait_dma2 semaphore(%arg12 : memref<!tpu.dma_semaphore, #tpu.memory_space<semaphore_mem>>) src(%dma_wait3A_121 : memref<80xi32, #tpu.memory_space<hbm>>) dst(%dma_wait3A_120 : memref<80xi32, #tpu.memory_space<vmem>>)
    %dma_wait3A_122 = arith.constant 1 : i32
    %dma_wait3A_123 = arith.constant 0 : i32
    %dma_wait3A_124 = arith.constant 0 : i32
    %dma_wait3A_125 = tpu.memref_slice %arg8[%dma_wait3A_122, %dma_wait3A_123, %dma_wait3A_124] : memref<3x80x128xf32, #tpu.memory_space<vmem>> -> memref<1x80x128xf32, #tpu.memory_space<vmem>>
    %dma_wait3A_126 = tpu.memref_squeeze %dma_wait3A_125 : memref<1x80x128xf32, #tpu.memory_space<vmem>> -> memref<80x128xf32, #tpu.memory_space<vmem>>
    %dma_wait3A_127 = arith.constant 9920 : i32
    %dma_wait3A_128 = tpu.memref_slice %arg6[%dma_wait3A_127] : memref<10000xi32, #tpu.memory_space<vmem>> -> memref<80xi32, #tpu.memory_space<vmem>>
    %dma_wait3A_129 = arith.constant 0 : i32
    %dma_wait3A_130 = arith.constant 0 : i32
    %dma_wait3A_131 = tpu.memref_slice %arg4[%dma_wait3A_129, %dma_wait3A_130] : memref<10000x128xf32, #tpu.memory_space<hbm>> -> memref<10000x128xf32, #tpu.memory_space<hbm>>
    tpu.wait_indirect_dma semaphore(%arg12 : memref<!tpu.dma_semaphore, #tpu.memory_space<semaphore_mem>>) src(%dma_wait3A_131 : memref<10000x128xf32, #tpu.memory_space<hbm>>) dst(%dma_wait3A_126 : memref<80x128xf32, #tpu.memory_space<vmem>>)
    %run_scoped3A_132 = arith.constant 1 : i32
    %run_scoped3A_133 = arith.constant 1 : i32
    "tpu.region"() ({
      %run_scoped3A_139 = tpu.sem_alloc : memref<!tpu.dma_semaphore, #tpu.memory_space<semaphore_mem>>
      %dma_start3A_140 = arith.constant 0 : i32
      %dma_start3A_141 = arith.constant 0 : i32
      %dma_start3A_142 = tpu.memref_slice %arg8[%run_scoped3A_132, %dma_start3A_140, %dma_start3A_141] : memref<3x80x128xf32, #tpu.memory_space<vmem>> -> memref<1x80x128xf32, #tpu.memory_space<vmem>>
      %dma_start3A_143 = tpu.memref_squeeze %dma_start3A_142 : memref<1x80x128xf32, #tpu.memory_space<vmem>> -> memref<80x128xf32, #tpu.memory_space<vmem>>
      %dma_start3A_144 = arith.constant 0 : i32
      %dma_start3A_145 = tpu.memref_slice %arg7[%run_scoped3A_133, %dma_start3A_144] : memref<3x80xi32, #tpu.memory_space<vmem>> -> memref<1x80xi32, #tpu.memory_space<vmem>>
      %dma_start3A_146 = tpu.memref_squeeze %dma_start3A_145 : memref<1x80xi32, #tpu.memory_space<vmem>> -> memref<80xi32, #tpu.memory_space<vmem>>
      %dma_start3A_147 = arith.constant 0 : i32
      %dma_start3A_148 = arith.constant 0 : i32
      %dma_start3A_149 = tpu.memref_slice %arg10[%dma_start3A_147, %dma_start3A_148] : memref<10240x128xf32, #tpu.memory_space<vmem_shared>> -> memref<10240x128xf32, #tpu.memory_space<vmem_shared>>
      tpu.enqueue_indirect_dma source(%dma_start3A_143 : memref<80x128xf32, #tpu.memory_space<vmem>>) target(%dma_start3A_149 : memref<10240x128xf32, #tpu.memory_space<vmem_shared>>) offsets(%dma_start3A_146 : memref<80xi32, #tpu.memory_space<vmem>>) semaphore(%run_scoped3A_139 : memref<!tpu.dma_semaphore, #tpu.memory_space<semaphore_mem>>) {add = true}
      %dma_wait3A_150 = arith.constant 0 : i32
      %dma_wait3A_151 = arith.constant 0 : i32
      %dma_wait3A_152 = tpu.memref_slice %arg8[%run_scoped3A_132, %dma_wait3A_150, %dma_wait3A_151] : memref<3x80x128xf32, #tpu.memory_space<vmem>> -> memref<1x80x128xf32, #tpu.memory_space<vmem>>
      %dma_wait3A_153 = tpu.memref_squeeze %dma_wait3A_152 : memref<1x80x128xf32, #tpu.memory_space<vmem>> -> memref<80x128xf32, #tpu.memory_space<vmem>>
      %dma_wait3A_154 = arith.constant 0 : i32
      %dma_wait3A_155 = tpu.memref_slice %arg7[%run_scoped3A_133, %dma_wait3A_154] : memref<3x80xi32, #tpu.memory_space<vmem>> -> memref<1x80xi32, #tpu.memory_space<vmem>>
      %dma_wait3A_156 = tpu.memref_squeeze %dma_wait3A_155 : memref<1x80xi32, #tpu.memory_space<vmem>> -> memref<80xi32, #tpu.memory_space<vmem>>
      %dma_wait3A_157 = arith.constant 0 : i32
      %dma_wait3A_158 = arith.constant 0 : i32
      %dma_wait3A_159 = tpu.memref_slice %arg10[%dma_wait3A_157, %dma_wait3A_158] : memref<10240x128xf32, #tpu.memory_space<vmem_shared>> -> memref<10240x128xf32, #tpu.memory_space<vmem_shared>>
      tpu.wait_indirect_dma semaphore(%run_scoped3A_139 : memref<!tpu.dma_semaphore, #tpu.memory_space<semaphore_mem>>) src(%dma_wait3A_153 : memref<80x128xf32, #tpu.memory_space<vmem>>) dst(%dma_wait3A_159 : memref<10240x128xf32, #tpu.memory_space<vmem_shared>>)
      tpu.yield
    }) : () -> ()
    %barrier3A_134 = arith.constant 0 : index
    tpu.barrier barrier_id(%barrier3A_134)
    %mul3A_135 = arith.constant 640 : i32
    %mul3A_136 = arith.muli %arg1, %mul3A_135 : i32
    %mul3A_137 = arith.constant 640 : i32
    %mul3A_138 = arith.muli %arg1, %mul3A_137 : i32
    "tpu.region"() ({
      %run_scoped3A_139 = tpu.sem_alloc : memref<!tpu.dma_semaphore, #tpu.memory_space<semaphore_mem>>
      %dma_start3A_140 = arith.constant 0 : i32
      %dma_start3A_141 = tpu.memref_slice %arg5[%arg0, %mul3A_138, %dma_start3A_140] : memref<2x10240x128xf32, #tpu.memory_space<hbm>> -> memref<1x640x128xf32, #tpu.memory_space<hbm>>
      %dma_start3A_142 = tpu.memref_squeeze %dma_start3A_141 : memref<1x640x128xf32, #tpu.memory_space<hbm>> -> memref<640x128xf32, #tpu.memory_space<hbm>>
      %dma_start3A_143 = arith.constant 0 : i32
      %dma_start3A_144 = tpu.memref_slice %arg10[%mul3A_136, %dma_start3A_143] : memref<10240x128xf32, #tpu.memory_space<vmem_shared>> -> memref<640x128xf32, #tpu.memory_space<vmem_shared>>
      tpu.enqueue_dma source(%dma_start3A_144 : memref<640x128xf32, #tpu.memory_space<vmem_shared>>) target(%dma_start3A_142 : memref<640x128xf32, #tpu.memory_space<hbm>>) target_semaphore(%run_scoped3A_139 : memref<!tpu.dma_semaphore, #tpu.memory_space<semaphore_mem>>)
      %dma_wait3A_145 = arith.constant 0 : i32
      %dma_wait3A_146 = tpu.memref_slice %arg5[%arg0, %mul3A_138, %dma_wait3A_145] : memref<2x10240x128xf32, #tpu.memory_space<hbm>> -> memref<1x640x128xf32, #tpu.memory_space<hbm>>
      %dma_wait3A_147 = tpu.memref_squeeze %dma_wait3A_146 : memref<1x640x128xf32, #tpu.memory_space<hbm>> -> memref<640x128xf32, #tpu.memory_space<hbm>>
      %dma_wait3A_148 = arith.constant 0 : i32
      %dma_wait3A_149 = tpu.memref_slice %arg10[%mul3A_136, %dma_wait3A_148] : memref<10240x128xf32, #tpu.memory_space<vmem_shared>> -> memref<640x128xf32, #tpu.memory_space<vmem_shared>>
      tpu.wait_dma2 semaphore(%run_scoped3A_139 : memref<!tpu.dma_semaphore, #tpu.memory_space<semaphore_mem>>) src(%dma_wait3A_149 : memref<640x128xf32, #tpu.memory_space<vmem_shared>>) dst(%dma_wait3A_147 : memref<640x128xf32, #tpu.memory_space<hbm>>)
      tpu.yield
    }) : () -> ()
    return
  }
}

#map = affine_map<(d0, d1) -> (0, 0, 0)>
#map1 = affine_map<(d0, d1) -> (0, 0)>
module attributes {stable_mosaic.version = 14 : i64} {
  func.func @_deg_kernel(%arg0: i32, %arg1: i32, %arg2: memref<32x125x80xi32, #tpu.memory_space<hbm>>, %arg3: memref<2x10240xf32, #tpu.memory_space<hbm>>, %arg4: memref<125x80xi32, #tpu.memory_space<vmem>>, %arg5: memref<80xf32, #tpu.memory_space<vmem>>, %arg6: memref<640xf32, #tpu.memory_space<vmem>>, %arg7: memref<10240xf32, #tpu.memory_space<vmem_shared>>, %arg8: memref<!tpu.dma_semaphore, #tpu.memory_space<semaphore_mem>>) attributes {dimension_semantics = [#tpu.dimension_semantics<core_parallel>, #tpu.dimension_semantics<subcore_parallel>], iteration_bounds = array<i64: 2, 16>, scalar_prefetch = 0 : i64, scratch_operands = 5 : i64, tpu.core_type = #tpu.core_type<sc_vector_subcore>, window_params = [{transform_indices = #map}, {transform_indices = #map1}]} {
    %mul3A = arith.constant 16 : i32
    %mul3A_0 = arith.muli %arg0, %mul3A : i32
    %add3A = arith.addi %mul3A_0, %arg1 : i32
    "tpu.region"() ({
      %run_scoped3A = tpu.sem_alloc : memref<!tpu.dma_semaphore, #tpu.memory_space<semaphore_mem>>
      %dma_start3A = arith.constant 0 : i32
      %dma_start3A_31 = arith.constant 0 : i32
      %dma_start3A_32 = tpu.memref_slice %arg2[%add3A, %dma_start3A, %dma_start3A_31] : memref<32x125x80xi32, #tpu.memory_space<hbm>> -> memref<1x125x80xi32, #tpu.memory_space<hbm>>
      %dma_start3A_33 = tpu.memref_squeeze %dma_start3A_32 : memref<1x125x80xi32, #tpu.memory_space<hbm>> -> memref<125x80xi32, #tpu.memory_space<hbm>>
      %dma_start3A_34 = arith.constant 0 : i32
      %dma_start3A_35 = arith.constant 0 : i32
      %dma_start3A_36 = tpu.memref_slice %arg2[%add3A, %dma_start3A_34, %dma_start3A_35] : memref<32x125x80xi32, #tpu.memory_space<hbm>> -> memref<1x125x80xi32, #tpu.memory_space<hbm>>
      %dma_start3A_37 = tpu.memref_squeeze %dma_start3A_36 : memref<1x125x80xi32, #tpu.memory_space<hbm>> -> memref<125x80xi32, #tpu.memory_space<hbm>>
      tpu.enqueue_dma source(%dma_start3A_37 : memref<125x80xi32, #tpu.memory_space<hbm>>) target(%arg4 : memref<125x80xi32, #tpu.memory_space<vmem>>) target_semaphore(%run_scoped3A : memref<!tpu.dma_semaphore, #tpu.memory_space<semaphore_mem>>)
      %dma_wait3A = arith.constant 0 : i32
      %dma_wait3A_38 = arith.constant 0 : i32
      %dma_wait3A_39 = tpu.memref_slice %arg2[%add3A, %dma_wait3A, %dma_wait3A_38] : memref<32x125x80xi32, #tpu.memory_space<hbm>> -> memref<1x125x80xi32, #tpu.memory_space<hbm>>
      %dma_wait3A_40 = tpu.memref_squeeze %dma_wait3A_39 : memref<1x125x80xi32, #tpu.memory_space<hbm>> -> memref<125x80xi32, #tpu.memory_space<hbm>>
      %dma_wait3A_41 = arith.constant 0 : i32
      %dma_wait3A_42 = arith.constant 0 : i32
      %dma_wait3A_43 = tpu.memref_slice %arg2[%add3A, %dma_wait3A_41, %dma_wait3A_42] : memref<32x125x80xi32, #tpu.memory_space<hbm>> -> memref<1x125x80xi32, #tpu.memory_space<hbm>>
      %dma_wait3A_44 = tpu.memref_squeeze %dma_wait3A_43 : memref<1x125x80xi32, #tpu.memory_space<hbm>> -> memref<125x80xi32, #tpu.memory_space<hbm>>
      tpu.wait_dma2 semaphore(%run_scoped3A : memref<!tpu.dma_semaphore, #tpu.memory_space<semaphore_mem>>) src(%dma_wait3A_44 : memref<125x80xi32, #tpu.memory_space<hbm>>) dst(%arg4 : memref<125x80xi32, #tpu.memory_space<vmem>>)
      tpu.yield
    }) : () -> ()
    %broadcast_in_dim3A = arith.constant 0.000000e+00 : f32
    %broadcast_in_dim3A_1 = vector.broadcast %broadcast_in_dim3A : f32 to vector<16xf32>
    %broadcast_in_dim3A_2 = arith.constant 1.000000e+00 : f32
    %broadcast_in_dim3A_3 = vector.broadcast %broadcast_in_dim3A_2 : f32 to vector<16xf32>
    %scan3A = arith.constant 0 : i32
    %scan3A_4 = arith.constant 0 : i32
    %scan3A_5 = arith.constant 40 : i32
    %scan3A_6 = arith.addi %scan3A_4, %scan3A_5 : i32
    %scan3A_7 = arith.constant 1 : i32
    %scan3A_8 = scf.for %scan3A_31 = %scan3A_4 to %scan3A_6 step %scan3A_7 iter_args(%scan3A_32 = %scan3A) -> (i32)  : i32 {
      %mul3A_33 = arith.constant 16 : i32
      %mul3A_34 = arith.muli %scan3A_31, %mul3A_33 : i32
      %swap3A = arith.index_cast %mul3A_34 : i32 to index
      %swap3A_35 = tpu.vector_load %arg6[%swap3A] {strides = array<i32>} : memref<640xf32, #tpu.memory_space<vmem>>, vector<16xf32>,
      %swap3A_36 = vector.shape_cast %swap3A_35 : vector<16xf32> to vector<16xf32>
      %swap3A_37 = vector.shape_cast %broadcast_in_dim3A_1 : vector<16xf32> to vector<16xf32>
      tpu.vector_store %arg6[%swap3A], %swap3A_37 {strides = array<i32>} : memref<640xf32, #tpu.memory_space<vmem>>, vector<16xf32>,
      %scan3A_38 = arith.constant 0 : i32
      scf.yield %scan3A_38 : i32
    }
    %scan3A_9 = arith.constant 40 : i32
    %scan3A_10 = arith.constant 0 : i32
    %scan3A_11 = arith.constant 0 : i32
    %scan3A_12 = arith.constant 5 : i32
    %scan3A_13 = arith.addi %scan3A_11, %scan3A_12 : i32
    %scan3A_14 = arith.constant 1 : i32
    %scan3A_15 = scf.for %scan3A_31 = %scan3A_11 to %scan3A_13 step %scan3A_14 iter_args(%scan3A_32 = %scan3A_10) -> (i32)  : i32 {
      %mul3A_33 = arith.constant 16 : i32
      %mul3A_34 = arith.muli %scan3A_31, %mul3A_33 : i32
      %swap3A = arith.index_cast %mul3A_34 : i32 to index
      %swap3A_35 = tpu.vector_load %arg5[%swap3A] {strides = array<i32>} : memref<80xf32, #tpu.memory_space<vmem>>, vector<16xf32>,
      %swap3A_36 = vector.shape_cast %swap3A_35 : vector<16xf32> to vector<16xf32>
      %swap3A_37 = vector.shape_cast %broadcast_in_dim3A_3 : vector<16xf32> to vector<16xf32>
      tpu.vector_store %arg5[%swap3A], %swap3A_37 {strides = array<i32>} : memref<80xf32, #tpu.memory_space<vmem>>, vector<16xf32>,
      %scan3A_38 = arith.constant 0 : i32
      scf.yield %scan3A_38 : i32
    }
    %scan3A_16 = arith.constant 5 : i32
    %mul3A_17 = arith.constant 640 : i32
    %mul3A_18 = arith.muli %arg1, %mul3A_17 : i32
    "tpu.region"() ({
      %run_scoped3A = tpu.sem_alloc : memref<!tpu.dma_semaphore, #tpu.memory_space<semaphore_mem>>
      %dma_start3A = tpu.memref_slice %arg7[%mul3A_18] : memref<10240xf32, #tpu.memory_space<vmem_shared>> -> memref<640xf32, #tpu.memory_space<vmem_shared>>
      %dma_start3A_31 = tpu.memref_slice %arg7[%mul3A_18] : memref<10240xf32, #tpu.memory_space<vmem_shared>> -> memref<640xf32, #tpu.memory_space<vmem_shared>>
      tpu.enqueue_dma source(%arg6 : memref<640xf32, #tpu.memory_space<vmem>>) target(%dma_start3A_31 : memref<640xf32, #tpu.memory_space<vmem_shared>>) target_semaphore(%run_scoped3A : memref<!tpu.dma_semaphore, #tpu.memory_space<semaphore_mem>>)
      %dma_wait3A = tpu.memref_slice %arg7[%mul3A_18] : memref<10240xf32, #tpu.memory_space<vmem_shared>> -> memref<640xf32, #tpu.memory_space<vmem_shared>>
      %dma_wait3A_32 = tpu.memref_slice %arg7[%mul3A_18] : memref<10240xf32, #tpu.memory_space<vmem_shared>> -> memref<640xf32, #tpu.memory_space<vmem_shared>>
      tpu.wait_dma2 semaphore(%run_scoped3A : memref<!tpu.dma_semaphore, #tpu.memory_space<semaphore_mem>>) src(%arg6 : memref<640xf32, #tpu.memory_space<vmem>>) dst(%dma_wait3A_32 : memref<640xf32, #tpu.memory_space<vmem_shared>>)
      tpu.yield
    }) : () -> ()
    %barrier3A = arith.constant 0 : index
    tpu.barrier barrier_id(%barrier3A)
    %scan3A_19 = arith.constant 0 : i32
    %scan3A_20 = arith.constant 0 : i32
    %scan3A_21 = arith.constant 25 : i32
    %scan3A_22 = arith.addi %scan3A_20, %scan3A_21 : i32
    %scan3A_23 = arith.constant 1 : i32
    %scan3A_24 = scf.for %scan3A_31 = %scan3A_20 to %scan3A_22 step %scan3A_23 iter_args(%scan3A_32 = %scan3A_19) -> (i32)  : i32 {
      %mul3A_33 = arith.constant 5 : i32
      %mul3A_34 = arith.muli %scan3A_31, %mul3A_33 : i32
      %add3A_35 = arith.constant 0 : i32
      %add3A_36 = arith.addi %mul3A_34, %add3A_35 : i32
      %dma_start3A = arith.constant 0 : i32
      %dma_start3A_37 = tpu.memref_slice %arg4[%add3A_36, %dma_start3A] : memref<125x80xi32, #tpu.memory_space<vmem>> -> memref<1x80xi32, #tpu.memory_space<vmem>>
      %dma_start3A_38 = tpu.memref_squeeze %dma_start3A_37 : memref<1x80xi32, #tpu.memory_space<vmem>> -> memref<80xi32, #tpu.memory_space<vmem>>
      %dma_start3A_39 = arith.constant 0 : i32
      %dma_start3A_40 = tpu.memref_slice %arg7[%dma_start3A_39] : memref<10240xf32, #tpu.memory_space<vmem_shared>> -> memref<10240xf32, #tpu.memory_space<vmem_shared>>
      tpu.enqueue_indirect_dma source(%arg5 : memref<80xf32, #tpu.memory_space<vmem>>) target(%dma_start3A_40 : memref<10240xf32, #tpu.memory_space<vmem_shared>>) offsets(%dma_start3A_38 : memref<80xi32, #tpu.memory_space<vmem>>) semaphore(%arg8 : memref<!tpu.dma_semaphore, #tpu.memory_space<semaphore_mem>>) {add = true}
      %mul3A_41 = arith.constant 5 : i32
      %mul3A_42 = arith.muli %scan3A_31, %mul3A_41 : i32
      %add3A_43 = arith.constant 1 : i32
      %add3A_44 = arith.addi %mul3A_42, %add3A_43 : i32
      %dma_start3A_45 = arith.constant 0 : i32
      %dma_start3A_46 = tpu.memref_slice %arg4[%add3A_44, %dma_start3A_45] : memref<125x80xi32, #tpu.memory_space<vmem>> -> memref<1x80xi32, #tpu.memory_space<vmem>>
      %dma_start3A_47 = tpu.memref_squeeze %dma_start3A_46 : memref<1x80xi32, #tpu.memory_space<vmem>> -> memref<80xi32, #tpu.memory_space<vmem>>
      %dma_start3A_48 = arith.constant 0 : i32
      %dma_start3A_49 = tpu.memref_slice %arg7[%dma_start3A_48] : memref<10240xf32, #tpu.memory_space<vmem_shared>> -> memref<10240xf32, #tpu.memory_space<vmem_shared>>
      tpu.enqueue_indirect_dma source(%arg5 : memref<80xf32, #tpu.memory_space<vmem>>) target(%dma_start3A_49 : memref<10240xf32, #tpu.memory_space<vmem_shared>>) offsets(%dma_start3A_47 : memref<80xi32, #tpu.memory_space<vmem>>) semaphore(%arg8 : memref<!tpu.dma_semaphore, #tpu.memory_space<semaphore_mem>>) {add = true}
      %mul3A_50 = arith.constant 5 : i32
      %mul3A_51 = arith.muli %scan3A_31, %mul3A_50 : i32
      %add3A_52 = arith.constant 2 : i32
      %add3A_53 = arith.addi %mul3A_51, %add3A_52 : i32
      %dma_start3A_54 = arith.constant 0 : i32
      %dma_start3A_55 = tpu.memref_slice %arg4[%add3A_53, %dma_start3A_54] : memref<125x80xi32, #tpu.memory_space<vmem>> -> memref<1x80xi32, #tpu.memory_space<vmem>>
      %dma_start3A_56 = tpu.memref_squeeze %dma_start3A_55 : memref<1x80xi32, #tpu.memory_space<vmem>> -> memref<80xi32, #tpu.memory_space<vmem>>
      %dma_start3A_57 = arith.constant 0 : i32
      %dma_start3A_58 = tpu.memref_slice %arg7[%dma_start3A_57] : memref<10240xf32, #tpu.memory_space<vmem_shared>> -> memref<10240xf32, #tpu.memory_space<vmem_shared>>
      tpu.enqueue_indirect_dma source(%arg5 : memref<80xf32, #tpu.memory_space<vmem>>) target(%dma_start3A_58 : memref<10240xf32, #tpu.memory_space<vmem_shared>>) offsets(%dma_start3A_56 : memref<80xi32, #tpu.memory_space<vmem>>) semaphore(%arg8 : memref<!tpu.dma_semaphore, #tpu.memory_space<semaphore_mem>>) {add = true}
      %mul3A_59 = arith.constant 5 : i32
      %mul3A_60 = arith.muli %scan3A_31, %mul3A_59 : i32
      %add3A_61 = arith.constant 3 : i32
      %add3A_62 = arith.addi %mul3A_60, %add3A_61 : i32
      %dma_start3A_63 = arith.constant 0 : i32
      %dma_start3A_64 = tpu.memref_slice %arg4[%add3A_62, %dma_start3A_63] : memref<125x80xi32, #tpu.memory_space<vmem>> -> memref<1x80xi32, #tpu.memory_space<vmem>>
      %dma_start3A_65 = tpu.memref_squeeze %dma_start3A_64 : memref<1x80xi32, #tpu.memory_space<vmem>> -> memref<80xi32, #tpu.memory_space<vmem>>
      %dma_start3A_66 = arith.constant 0 : i32
      %dma_start3A_67 = tpu.memref_slice %arg7[%dma_start3A_66] : memref<10240xf32, #tpu.memory_space<vmem_shared>> -> memref<10240xf32, #tpu.memory_space<vmem_shared>>
      tpu.enqueue_indirect_dma source(%arg5 : memref<80xf32, #tpu.memory_space<vmem>>) target(%dma_start3A_67 : memref<10240xf32, #tpu.memory_space<vmem_shared>>) offsets(%dma_start3A_65 : memref<80xi32, #tpu.memory_space<vmem>>) semaphore(%arg8 : memref<!tpu.dma_semaphore, #tpu.memory_space<semaphore_mem>>) {add = true}
      %mul3A_68 = arith.constant 5 : i32
      %mul3A_69 = arith.muli %scan3A_31, %mul3A_68 : i32
      %add3A_70 = arith.constant 4 : i32
      %add3A_71 = arith.addi %mul3A_69, %add3A_70 : i32
      %dma_start3A_72 = arith.constant 0 : i32
      %dma_start3A_73 = tpu.memref_slice %arg4[%add3A_71, %dma_start3A_72] : memref<125x80xi32, #tpu.memory_space<vmem>> -> memref<1x80xi32, #tpu.memory_space<vmem>>
      %dma_start3A_74 = tpu.memref_squeeze %dma_start3A_73 : memref<1x80xi32, #tpu.memory_space<vmem>> -> memref<80xi32, #tpu.memory_space<vmem>>
      %dma_start3A_75 = arith.constant 0 : i32
      %dma_start3A_76 = tpu.memref_slice %arg7[%dma_start3A_75] : memref<10240xf32, #tpu.memory_space<vmem_shared>> -> memref<10240xf32, #tpu.memory_space<vmem_shared>>
      tpu.enqueue_indirect_dma source(%arg5 : memref<80xf32, #tpu.memory_space<vmem>>) target(%dma_start3A_76 : memref<10240xf32, #tpu.memory_space<vmem_shared>>) offsets(%dma_start3A_74 : memref<80xi32, #tpu.memory_space<vmem>>) semaphore(%arg8 : memref<!tpu.dma_semaphore, #tpu.memory_space<semaphore_mem>>) {add = true}
      %dma_wait3A = arith.constant 0 : i32
      %dma_wait3A_77 = tpu.memref_slice %arg4[%add3A_36, %dma_wait3A] : memref<125x80xi32, #tpu.memory_space<vmem>> -> memref<1x80xi32, #tpu.memory_space<vmem>>
      %dma_wait3A_78 = tpu.memref_squeeze %dma_wait3A_77 : memref<1x80xi32, #tpu.memory_space<vmem>> -> memref<80xi32, #tpu.memory_space<vmem>>
      %dma_wait3A_79 = arith.constant 0 : i32
      %dma_wait3A_80 = tpu.memref_slice %arg7[%dma_wait3A_79] : memref<10240xf32, #tpu.memory_space<vmem_shared>> -> memref<10240xf32, #tpu.memory_space<vmem_shared>>
      tpu.wait_indirect_dma semaphore(%arg8 : memref<!tpu.dma_semaphore, #tpu.memory_space<semaphore_mem>>) src(%arg5 : memref<80xf32, #tpu.memory_space<vmem>>) dst(%dma_wait3A_80 : memref<10240xf32, #tpu.memory_space<vmem_shared>>)
      %dma_wait3A_81 = arith.constant 0 : i32
      %dma_wait3A_82 = tpu.memref_slice %arg4[%add3A_44, %dma_wait3A_81] : memref<125x80xi32, #tpu.memory_space<vmem>> -> memref<1x80xi32, #tpu.memory_space<vmem>>
      %dma_wait3A_83 = tpu.memref_squeeze %dma_wait3A_82 : memref<1x80xi32, #tpu.memory_space<vmem>> -> memref<80xi32, #tpu.memory_space<vmem>>
      %dma_wait3A_84 = arith.constant 0 : i32
      %dma_wait3A_85 = tpu.memref_slice %arg7[%dma_wait3A_84] : memref<10240xf32, #tpu.memory_space<vmem_shared>> -> memref<10240xf32, #tpu.memory_space<vmem_shared>>
      tpu.wait_indirect_dma semaphore(%arg8 : memref<!tpu.dma_semaphore, #tpu.memory_space<semaphore_mem>>) src(%arg5 : memref<80xf32, #tpu.memory_space<vmem>>) dst(%dma_wait3A_85 : memref<10240xf32, #tpu.memory_space<vmem_shared>>)
      %dma_wait3A_86 = arith.constant 0 : i32
      %dma_wait3A_87 = tpu.memref_slice %arg4[%add3A_53, %dma_wait3A_86] : memref<125x80xi32, #tpu.memory_space<vmem>> -> memref<1x80xi32, #tpu.memory_space<vmem>>
      %dma_wait3A_88 = tpu.memref_squeeze %dma_wait3A_87 : memref<1x80xi32, #tpu.memory_space<vmem>> -> memref<80xi32, #tpu.memory_space<vmem>>
      %dma_wait3A_89 = arith.constant 0 : i32
      %dma_wait3A_90 = tpu.memref_slice %arg7[%dma_wait3A_89] : memref<10240xf32, #tpu.memory_space<vmem_shared>> -> memref<10240xf32, #tpu.memory_space<vmem_shared>>
      tpu.wait_indirect_dma semaphore(%arg8 : memref<!tpu.dma_semaphore, #tpu.memory_space<semaphore_mem>>) src(%arg5 : memref<80xf32, #tpu.memory_space<vmem>>) dst(%dma_wait3A_90 : memref<10240xf32, #tpu.memory_space<vmem_shared>>)
      %dma_wait3A_91 = arith.constant 0 : i32
      %dma_wait3A_92 = tpu.memref_slice %arg4[%add3A_62, %dma_wait3A_91] : memref<125x80xi32, #tpu.memory_space<vmem>> -> memref<1x80xi32, #tpu.memory_space<vmem>>
      %dma_wait3A_93 = tpu.memref_squeeze %dma_wait3A_92 : memref<1x80xi32, #tpu.memory_space<vmem>> -> memref<80xi32, #tpu.memory_space<vmem>>
      %dma_wait3A_94 = arith.constant 0 : i32
      %dma_wait3A_95 = tpu.memref_slice %arg7[%dma_wait3A_94] : memref<10240xf32, #tpu.memory_space<vmem_shared>> -> memref<10240xf32, #tpu.memory_space<vmem_shared>>
      tpu.wait_indirect_dma semaphore(%arg8 : memref<!tpu.dma_semaphore, #tpu.memory_space<semaphore_mem>>) src(%arg5 : memref<80xf32, #tpu.memory_space<vmem>>) dst(%dma_wait3A_95 : memref<10240xf32, #tpu.memory_space<vmem_shared>>)
      %dma_wait3A_96 = arith.constant 0 : i32
      %dma_wait3A_97 = tpu.memref_slice %arg4[%add3A_71, %dma_wait3A_96] : memref<125x80xi32, #tpu.memory_space<vmem>> -> memref<1x80xi32, #tpu.memory_space<vmem>>
      %dma_wait3A_98 = tpu.memref_squeeze %dma_wait3A_97 : memref<1x80xi32, #tpu.memory_space<vmem>> -> memref<80xi32, #tpu.memory_space<vmem>>
      %dma_wait3A_99 = arith.constant 0 : i32
      %dma_wait3A_100 = tpu.memref_slice %arg7[%dma_wait3A_99] : memref<10240xf32, #tpu.memory_space<vmem_shared>> -> memref<10240xf32, #tpu.memory_space<vmem_shared>>
      tpu.wait_indirect_dma semaphore(%arg8 : memref<!tpu.dma_semaphore, #tpu.memory_space<semaphore_mem>>) src(%arg5 : memref<80xf32, #tpu.memory_space<vmem>>) dst(%dma_wait3A_100 : memref<10240xf32, #tpu.memory_space<vmem_shared>>)
      %scan3A_101 = arith.constant 0 : i32
      scf.yield %scan3A_101 : i32
    }
    %scan3A_25 = arith.constant 25 : i32
    %barrier3A_26 = arith.constant 0 : index
    tpu.barrier barrier_id(%barrier3A_26)
    %mul3A_27 = arith.constant 640 : i32
    %mul3A_28 = arith.muli %arg1, %mul3A_27 : i32
    %mul3A_29 = arith.constant 640 : i32
    %mul3A_30 = arith.muli %arg1, %mul3A_29 : i32
    "tpu.region"() ({
      %run_scoped3A = tpu.sem_alloc : memref<!tpu.dma_semaphore, #tpu.memory_space<semaphore_mem>>
      %dma_start3A = tpu.memref_slice %arg3[%arg0, %mul3A_30] : memref<2x10240xf32, #tpu.memory_space<hbm>> -> memref<1x640xf32, #tpu.memory_space<hbm>>
      %dma_start3A_31 = tpu.memref_squeeze %dma_start3A : memref<1x640xf32, #tpu.memory_space<hbm>> -> memref<640xf32, #tpu.memory_space<hbm>>
      %dma_start3A_32 = tpu.memref_slice %arg7[%mul3A_28] : memref<10240xf32, #tpu.memory_space<vmem_shared>> -> memref<640xf32, #tpu.memory_space<vmem_shared>>
      tpu.enqueue_dma source(%dma_start3A_32 : memref<640xf32, #tpu.memory_space<vmem_shared>>) target(%dma_start3A_31 : memref<640xf32, #tpu.memory_space<hbm>>) target_semaphore(%run_scoped3A : memref<!tpu.dma_semaphore, #tpu.memory_space<semaphore_mem>>)
      %dma_wait3A = tpu.memref_slice %arg3[%arg0, %mul3A_30] : memref<2x10240xf32, #tpu.memory_space<hbm>> -> memref<1x640xf32, #tpu.memory_space<hbm>>
      %dma_wait3A_33 = tpu.memref_squeeze %dma_wait3A : memref<1x640xf32, #tpu.memory_space<hbm>> -> memref<640xf32, #tpu.memory_space<hbm>>
      %dma_wait3A_34 = tpu.memref_slice %arg7[%mul3A_28] : memref<10240xf32, #tpu.memory_space<vmem_shared>> -> memref<640xf32, #tpu.memory_space<vmem_shared>>
      tpu.wait_dma2 semaphore(%run_scoped3A : memref<!tpu.dma_semaphore, #tpu.memory_space<semaphore_mem>>) src(%dma_wait3A_34 : memref<640xf32, #tpu.memory_space<vmem_shared>>) dst(%dma_wait3A_33 : memref<640xf32, #tpu.memory_space<hbm>>)
      tpu.yield
    }) : () -> ()
    return
  }
}

#map = affine_map<(d0, d1) -> (0)>
#map1 = affine_map<(d0, d1) -> (0, 0)>
#map2 = affine_map<(d0, d1) -> (0, 0, 0)>
module attributes {stable_mosaic.version = 14 : i64} {
  func.func @_edge_scatter(%arg0: i32, %arg1: i32, %arg2: memref<320000xi32, #tpu.memory_space<hbm>>, %arg3: memref<320000xi32, #tpu.memory_space<hbm>>, %arg4: memref<10000x128xf32, #tpu.memory_space<hbm>>, %arg5: memref<2x10240x128xf32, #tpu.memory_space<hbm>>, %arg6: memref<10000xi32, #tpu.memory_space<vmem>>, %arg7: memref<3x80xi32, #tpu.memory_space<vmem>>, %arg8: memref<3x80x128xf32, #tpu.memory_space<vmem>>, %arg9: memref<32x128xf32, #tpu.memory_space<vmem>>, %arg10: memref<10240x128xf32, #tpu.memory_space<vmem_shared>>, %arg11: memref<!tpu.dma_semaphore, #tpu.memory_space<semaphore_mem>>, %arg12: memref<!tpu.dma_semaphore, #tpu.memory_space<semaphore_mem>>, %arg13: memref<!tpu.dma_semaphore, #tpu.memory_space<semaphore_mem>>) attributes {dimension_semantics = [#tpu.dimension_semantics<core_parallel>, #tpu.dimension_semantics<subcore_parallel>], iteration_bounds = array<i64: 2, 16>, scalar_prefetch = 0 : i64, scratch_operands = 8 : i64, tpu.core_type = #tpu.core_type<sc_vector_subcore>, window_params = [{transform_indices = #map}, {transform_indices = #map}, {transform_indices = #map1}, {transform_indices = #map2}]} {
    %mul3A = arith.constant 16 : i32
    %mul3A_0 = arith.muli %arg0, %mul3A : i32
    %add3A = arith.addi %mul3A_0, %arg1 : i32
    %mul3A_1 = arith.constant 10000 : i32
    %mul3A_2 = arith.muli %add3A, %mul3A_1 : i32
    "tpu.region"() ({
      %run_scoped3A_139 = tpu.sem_alloc : memref<!tpu.dma_semaphore, #tpu.memory_space<semaphore_mem>>
      %dma_start3A_140 = tpu.memref_slice %arg2[%mul3A_2] : memref<320000xi32, #tpu.memory_space<hbm>> -> memref<10000xi32, #tpu.memory_space<hbm>>
      %dma_start3A_141 = tpu.memref_slice %arg2[%mul3A_2] : memref<320000xi32, #tpu.memory_space<hbm>> -> memref<10000xi32, #tpu.memory_space<hbm>>
      tpu.enqueue_dma source(%dma_start3A_141 : memref<10000xi32, #tpu.memory_space<hbm>>) target(%arg6 : memref<10000xi32, #tpu.memory_space<vmem>>) target_semaphore(%run_scoped3A_139 : memref<!tpu.dma_semaphore, #tpu.memory_space<semaphore_mem>>)
      %dma_wait3A_142 = tpu.memref_slice %arg2[%mul3A_2] : memref<320000xi32, #tpu.memory_space<hbm>> -> memref<10000xi32, #tpu.memory_space<hbm>>
      %dma_wait3A_143 = tpu.memref_slice %arg2[%mul3A_2] : memref<320000xi32, #tpu.memory_space<hbm>> -> memref<10000xi32, #tpu.memory_space<hbm>>
      tpu.wait_dma2 semaphore(%run_scoped3A_139 : memref<!tpu.dma_semaphore, #tpu.memory_space<semaphore_mem>>) src(%dma_wait3A_143 : memref<10000xi32, #tpu.memory_space<hbm>>) dst(%arg6 : memref<10000xi32, #tpu.memory_space<vmem>>)
      tpu.yield
    }) : () -> ()
    %broadcast_in_dim3A = arith.constant 0.000000e+00 : f32
    %broadcast_in_dim3A_3 = vector.broadcast %broadcast_in_dim3A : f32 to vector<16xf32>
    %scan3A = arith.constant 0 : i32
    %scan3A_4 = arith.constant 0 : i32
    %scan3A_5 = arith.constant 32 : i32
    %scan3A_6 = arith.addi %scan3A_4, %scan3A_5 : i32
    %scan3A_7 = arith.constant 1 : i32
    %scan3A_8 = scf.for %scan3A_139 = %scan3A_4 to %scan3A_6 step %scan3A_7 iter_args(%scan3A_140 = %scan3A) -> (i32)  : i32 {
      %scan3A_141 = arith.constant 0 : i32
      %scan3A_142 = arith.constant 0 : i32
      %scan3A_143 = arith.constant 8 : i32
      %scan3A_144 = arith.addi %scan3A_142, %scan3A_143 : i32
      %scan3A_145 = arith.constant 1 : i32
      %scan3A_146 = scf.for %scan3A_148 = %scan3A_142 to %scan3A_144 step %scan3A_145 iter_args(%scan3A_149 = %scan3A_141) -> (i32)  : i32 {
        %mul3A_150 = arith.constant 16 : i32
        %mul3A_151 = arith.muli %scan3A_148, %mul3A_150 : i32
        %swap3A = arith.index_cast %scan3A_139 : i32 to index
        %swap3A_152 = arith.index_cast %mul3A_151 : i32 to index
        %swap3A_153 = tpu.vector_load %arg9[%swap3A, %swap3A_152] {strides = array<i32>} : memref<32x128xf32, #tpu.memory_space<vmem>>, vector<1x16xf32>,
        %swap3A_154 = vector.shape_cast %swap3A_153 : vector<1x16xf32> to vector<16xf32>
        %swap3A_155 = vector.shape_cast %broadcast_in_dim3A_3 : vector<16xf32> to vector<1x16xf32>
        tpu.vector_store %arg9[%swap3A, %swap3A_152], %swap3A_155 {strides = array<i32>} : memref<32x128xf32, #tpu.memory_space<vmem>>, vector<1x16xf32>,
        %scan3A_156 = arith.constant 0 : i32
        scf.yield %scan3A_156 : i32
      }
      %scan3A_147 = arith.constant 8 : i32
      scf.yield %scan3A_146 : i32
    }
    %scan3A_9 = arith.constant 32 : i32
    %scan3A_10 = arith.constant 0 : i32
    %scan3A_11 = arith.constant 0 : i32
    %scan3A_12 = arith.constant 20 : i32
    %scan3A_13 = arith.addi %scan3A_11, %scan3A_12 : i32
    %scan3A_14 = arith.constant 1 : i32
    %scan3A_15 = scf.for %scan3A_139 = %scan3A_11 to %scan3A_13 step %scan3A_14 iter_args(%scan3A_140 = %scan3A_10) -> (i32)  : i32 {
      %mul3A_141 = arith.constant 640 : i32
      %mul3A_142 = arith.muli %arg1, %mul3A_141 : i32
      %mul3A_143 = arith.constant 32 : i32
      %mul3A_144 = arith.muli %scan3A_139, %mul3A_143 : i32
      %add3A_145 = arith.addi %mul3A_142, %mul3A_144 : i32
      "tpu.region"() ({
        %run_scoped3A_147 = tpu.sem_alloc : memref<!tpu.dma_semaphore, #tpu.memory_space<semaphore_mem>>
        %dma_start3A_148 = arith.constant 0 : i32
        %dma_start3A_149 = tpu.memref_slice %arg10[%add3A_145, %dma_start3A_148] : memref<10240x128xf32, #tpu.memory_space<vmem_shared>> -> memref<32x128xf32, #tpu.memory_space<vmem_shared>>
        %dma_start3A_150 = arith.constant 0 : i32
        %dma_start3A_151 = tpu.memref_slice %arg10[%add3A_145, %dma_start3A_150] : memref<10240x128xf32, #tpu.memory_space<vmem_shared>> -> memref<32x128xf32, #tpu.memory_space<vmem_shared>>
        tpu.enqueue_dma source(%arg9 : memref<32x128xf32, #tpu.memory_space<vmem>>) target(%dma_start3A_151 : memref<32x128xf32, #tpu.memory_space<vmem_shared>>) target_semaphore(%run_scoped3A_147 : memref<!tpu.dma_semaphore, #tpu.memory_space<semaphore_mem>>)
        %dma_wait3A_152 = arith.constant 0 : i32
        %dma_wait3A_153 = tpu.memref_slice %arg10[%add3A_145, %dma_wait3A_152] : memref<10240x128xf32, #tpu.memory_space<vmem_shared>> -> memref<32x128xf32, #tpu.memory_space<vmem_shared>>
        %dma_wait3A_154 = arith.constant 0 : i32
        %dma_wait3A_155 = tpu.memref_slice %arg10[%add3A_145, %dma_wait3A_154] : memref<10240x128xf32, #tpu.memory_space<vmem_shared>> -> memref<32x128xf32, #tpu.memory_space<vmem_shared>>
        tpu.wait_dma2 semaphore(%run_scoped3A_147 : memref<!tpu.dma_semaphore, #tpu.memory_space<semaphore_mem>>) src(%arg9 : memref<32x128xf32, #tpu.memory_space<vmem>>) dst(%dma_wait3A_155 : memref<32x128xf32, #tpu.memory_space<vmem_shared>>)
        tpu.yield
      }) : () -> ()
      %scan3A_146 = arith.constant 0 : i32
      scf.yield %scan3A_146 : i32
    }
    %scan3A_16 = arith.constant 20 : i32
    %barrier3A = arith.constant 0 : index
    tpu.barrier barrier_id(%barrier3A)
    %add3A_17 = arith.constant 0 : i32
    %add3A_18 = arith.addi %mul3A_2, %add3A_17 : i32
    %multiple_of3A = tpu.assume_multiple %add3A_18, 8 : i32
    %dma_start3A = arith.constant 0 : i32
    %dma_start3A_19 = arith.constant 0 : i32
    %dma_start3A_20 = tpu.memref_slice %arg7[%dma_start3A, %dma_start3A_19] : memref<3x80xi32, #tpu.memory_space<vmem>> -> memref<1x80xi32, #tpu.memory_space<vmem>>
    %dma_start3A_21 = tpu.memref_squeeze %dma_start3A_20 : memref<1x80xi32, #tpu.memory_space<vmem>> -> memref<80xi32, #tpu.memory_space<vmem>>
    %dma_start3A_22 = tpu.memref_slice %arg3[%multiple_of3A] : memref<320000xi32, #tpu.memory_space<hbm>> -> memref<80xi32, #tpu.memory_space<hbm>>
    %dma_start3A_23 = arith.constant 0 : i32
    %dma_start3A_24 = tpu.memref_slice %arg7[%dma_start3A, %dma_start3A_23] : memref<3x80xi32, #tpu.memory_space<vmem>> -> memref<1x80xi32, #tpu.memory_space<vmem>>
    %dma_start3A_25 = tpu.memref_squeeze %dma_start3A_24 : memref<1x80xi32, #tpu.memory_space<vmem>> -> memref<80xi32, #tpu.memory_space<vmem>>
    %dma_start3A_26 = tpu.memref_slice %arg3[%multiple_of3A] : memref<320000xi32, #tpu.memory_space<hbm>> -> memref<80xi32, #tpu.memory_space<hbm>>
    tpu.enqueue_dma source(%dma_start3A_26 : memref<80xi32, #tpu.memory_space<hbm>>) target(%dma_start3A_25 : memref<80xi32, #tpu.memory_space<vmem>>) target_semaphore(%arg11 : memref<!tpu.dma_semaphore, #tpu.memory_space<semaphore_mem>>)
    %dma_start3A_27 = arith.constant 0 : i32
    %dma_start3A_28 = arith.constant 0 : i32
    %dma_start3A_29 = arith.constant 0 : i32
    %dma_start3A_30 = tpu.memref_slice %arg8[%dma_start3A_27, %dma_start3A_28, %dma_start3A_29] : memref<3x80x128xf32, #tpu.memory_space<vmem>> -> memref<1x80x128xf32, #tpu.memory_space<vmem>>
    %dma_start3A_31 = tpu.memref_squeeze %dma_start3A_30 : memref<1x80x128xf32, #tpu.memory_space<vmem>> -> memref<80x128xf32, #tpu.memory_space<vmem>>
    %dma_start3A_32 = arith.constant 0 : i32
    %dma_start3A_33 = tpu.memref_slice %arg6[%dma_start3A_32] : memref<10000xi32, #tpu.memory_space<vmem>> -> memref<80xi32, #tpu.memory_space<vmem>>
    %dma_start3A_34 = arith.constant 0 : i32
    %dma_start3A_35 = arith.constant 0 : i32
    %dma_start3A_36 = tpu.memref_slice %arg4[%dma_start3A_34, %dma_start3A_35] : memref<10000x128xf32, #tpu.memory_space<hbm>> -> memref<10000x128xf32, #tpu.memory_space<hbm>>
    tpu.enqueue_indirect_dma source(%dma_start3A_36 : memref<10000x128xf32, #tpu.memory_space<hbm>>) target(%dma_start3A_31 : memref<80x128xf32, #tpu.memory_space<vmem>>) offsets(%dma_start3A_33 : memref<80xi32, #tpu.memory_space<vmem>>) semaphore(%arg11 : memref<!tpu.dma_semaphore, #tpu.memory_space<semaphore_mem>>)
    %add3A_37 = arith.constant 80 : i32
    %add3A_38 = arith.addi %mul3A_2, %add3A_37 : i32
    %multiple_of3A_39 = tpu.assume_multiple %add3A_38, 8 : i32
    %dma_start3A_40 = arith.constant 1 : i32
    %dma_start3A_41 = arith.constant 0 : i32
    %dma_start3A_42 = tpu.memref_slice %arg7[%dma_start3A_40, %dma_start3A_41] : memref<3x80xi32, #tpu.memory_space<vmem>> -> memref<1x80xi32, #tpu.memory_space<vmem>>
    %dma_start3A_43 = tpu.memref_squeeze %dma_start3A_42 : memref<1x80xi32, #tpu.memory_space<vmem>> -> memref<80xi32, #tpu.memory_space<vmem>>
    %dma_start3A_44 = tpu.memref_slice %arg3[%multiple_of3A_39] : memref<320000xi32, #tpu.memory_space<hbm>> -> memref<80xi32, #tpu.memory_space<hbm>>
    %dma_start3A_45 = arith.constant 0 : i32
    %dma_start3A_46 = tpu.memref_slice %arg7[%dma_start3A_40, %dma_start3A_45] : memref<3x80xi32, #tpu.memory_space<vmem>> -> memref<1x80xi32, #tpu.memory_space<vmem>>
    %dma_start3A_47 = tpu.memref_squeeze %dma_start3A_46 : memref<1x80xi32, #tpu.memory_space<vmem>> -> memref<80xi32, #tpu.memory_space<vmem>>
    %dma_start3A_48 = tpu.memref_slice %arg3[%multiple_of3A_39] : memref<320000xi32, #tpu.memory_space<hbm>> -> memref<80xi32, #tpu.memory_space<hbm>>
    tpu.enqueue_dma source(%dma_start3A_48 : memref<80xi32, #tpu.memory_space<hbm>>) target(%dma_start3A_47 : memref<80xi32, #tpu.memory_space<vmem>>) target_semaphore(%arg12 : memref<!tpu.dma_semaphore, #tpu.memory_space<semaphore_mem>>)
    %dma_start3A_49 = arith.constant 1 : i32
    %dma_start3A_50 = arith.constant 0 : i32
    %dma_start3A_51 = arith.constant 0 : i32
    %dma_start3A_52 = tpu.memref_slice %arg8[%dma_start3A_49, %dma_start3A_50, %dma_start3A_51] : memref<3x80x128xf32, #tpu.memory_space<vmem>> -> memref<1x80x128xf32, #tpu.memory_space<vmem>>
    %dma_start3A_53 = tpu.memref_squeeze %dma_start3A_52 : memref<1x80x128xf32, #tpu.memory_space<vmem>> -> memref<80x128xf32, #tpu.memory_space<vmem>>
    %dma_start3A_54 = arith.constant 80 : i32
    %dma_start3A_55 = tpu.memref_slice %arg6[%dma_start3A_54] : memref<10000xi32, #tpu.memory_space<vmem>> -> memref<80xi32, #tpu.memory_space<vmem>>
    %dma_start3A_56 = arith.constant 0 : i32
    %dma_start3A_57 = arith.constant 0 : i32
    %dma_start3A_58 = tpu.memref_slice %arg4[%dma_start3A_56, %dma_start3A_57] : memref<10000x128xf32, #tpu.memory_space<hbm>> -> memref<10000x128xf32, #tpu.memory_space<hbm>>
    tpu.enqueue_indirect_dma source(%dma_start3A_58 : memref<10000x128xf32, #tpu.memory_space<hbm>>) target(%dma_start3A_53 : memref<80x128xf32, #tpu.memory_space<vmem>>) offsets(%dma_start3A_55 : memref<80xi32, #tpu.memory_space<vmem>>) semaphore(%arg12 : memref<!tpu.dma_semaphore, #tpu.memory_space<semaphore_mem>>)
    %add3A_59 = arith.constant 160 : i32
    %add3A_60 = arith.addi %mul3A_2, %add3A_59 : i32
    %multiple_of3A_61 = tpu.assume_multiple %add3A_60, 8 : i32
    %dma_start3A_62 = arith.constant 2 : i32
    %dma_start3A_63 = arith.constant 0 : i32
    %dma_start3A_64 = tpu.memref_slice %arg7[%dma_start3A_62, %dma_start3A_63] : memref<3x80xi32, #tpu.memory_space<vmem>> -> memref<1x80xi32, #tpu.memory_space<vmem>>
    %dma_start3A_65 = tpu.memref_squeeze %dma_start3A_64 : memref<1x80xi32, #tpu.memory_space<vmem>> -> memref<80xi32, #tpu.memory_space<vmem>>
    %dma_start3A_66 = tpu.memref_slice %arg3[%multiple_of3A_61] : memref<320000xi32, #tpu.memory_space<hbm>> -> memref<80xi32, #tpu.memory_space<hbm>>
    %dma_start3A_67 = arith.constant 0 : i32
    %dma_start3A_68 = tpu.memref_slice %arg7[%dma_start3A_62, %dma_start3A_67] : memref<3x80xi32, #tpu.memory_space<vmem>> -> memref<1x80xi32, #tpu.memory_space<vmem>>
    %dma_start3A_69 = tpu.memref_squeeze %dma_start3A_68 : memref<1x80xi32, #tpu.memory_space<vmem>> -> memref<80xi32, #tpu.memory_space<vmem>>
    %dma_start3A_70 = tpu.memref_slice %arg3[%multiple_of3A_61] : memref<320000xi32, #tpu.memory_space<hbm>> -> memref<80xi32, #tpu.memory_space<hbm>>
    tpu.enqueue_dma source(%dma_start3A_70 : memref<80xi32, #tpu.memory_space<hbm>>) target(%dma_start3A_69 : memref<80xi32, #tpu.memory_space<vmem>>) target_semaphore(%arg13 : memref<!tpu.dma_semaphore, #tpu.memory_space<semaphore_mem>>)
    %dma_start3A_71 = arith.constant 2 : i32
    %dma_start3A_72 = arith.constant 0 : i32
    %dma_start3A_73 = arith.constant 0 : i32
    %dma_start3A_74 = tpu.memref_slice %arg8[%dma_start3A_71, %dma_start3A_72, %dma_start3A_73] : memref<3x80x128xf32, #tpu.memory_space<vmem>> -> memref<1x80x128xf32, #tpu.memory_space<vmem>>
    %dma_start3A_75 = tpu.memref_squeeze %dma_start3A_74 : memref<1x80x128xf32, #tpu.memory_space<vmem>> -> memref<80x128xf32, #tpu.memory_space<vmem>>
    %dma_start3A_76 = arith.constant 160 : i32
    %dma_start3A_77 = tpu.memref_slice %arg6[%dma_start3A_76] : memref<10000xi32, #tpu.memory_space<vmem>> -> memref<80xi32, #tpu.memory_space<vmem>>
    %dma_start3A_78 = arith.constant 0 : i32
    %dma_start3A_79 = arith.constant 0 : i32
    %dma_start3A_80 = tpu.memref_slice %arg4[%dma_start3A_78, %dma_start3A_79] : memref<10000x128xf32, #tpu.memory_space<hbm>> -> memref<10000x128xf32, #tpu.memory_space<hbm>>
    tpu.enqueue_indirect_dma source(%dma_start3A_80 : memref<10000x128xf32, #tpu.memory_space<hbm>>) target(%dma_start3A_75 : memref<80x128xf32, #tpu.memory_space<vmem>>) offsets(%dma_start3A_77 : memref<80xi32, #tpu.memory_space<vmem>>) semaphore(%arg13 : memref<!tpu.dma_semaphore, #tpu.memory_space<semaphore_mem>>)
    %scan3A_81 = arith.constant 0 : i32
    %scan3A_82 = arith.constant 0 : i32
    %scan3A_83 = arith.constant 41 : i32
    %scan3A_84 = arith.addi %scan3A_82, %scan3A_83 : i32
    %scan3A_85 = arith.constant 1 : i32
    %scan3A_86 = scf.for %scan3A_139 = %scan3A_82 to %scan3A_84 step %scan3A_85 iter_args(%scan3A_140 = %scan3A_81) -> (i32)  : i32 {
      %mul3A_141 = arith.constant 3 : i32
      %mul3A_142 = arith.muli %scan3A_139, %mul3A_141 : i32
      %add3A_143 = arith.constant 0 : i32
      %add3A_144 = arith.addi %mul3A_142, %add3A_143 : i32
      %mul3A_145 = arith.constant 80 : i32
      %mul3A_146 = arith.muli %add3A_144, %mul3A_145 : i32
      %add3A_147 = arith.addi %mul3A_2, %mul3A_146 : i32
      %multiple_of3A_148 = tpu.assume_multiple %add3A_147, 8 : i32
      %dma_wait3A_149 = arith.constant 0 : i32
      %dma_wait3A_150 = arith.constant 0 : i32
      %dma_wait3A_151 = tpu.memref_slice %arg7[%dma_wait3A_149, %dma_wait3A_150] : memref<3x80xi32, #tpu.memory_space<vmem>> -> memref<1x80xi32, #tpu.memory_space<vmem>>
      %dma_wait3A_152 = tpu.memref_squeeze %dma_wait3A_151 : memref<1x80xi32, #tpu.memory_space<vmem>> -> memref<80xi32, #tpu.memory_space<vmem>>
      %dma_wait3A_153 = tpu.memref_slice %arg3[%multiple_of3A_148] : memref<320000xi32, #tpu.memory_space<hbm>> -> memref<80xi32, #tpu.memory_space<hbm>>
      %dma_wait3A_154 = arith.constant 0 : i32
      %dma_wait3A_155 = tpu.memref_slice %arg7[%dma_wait3A_149, %dma_wait3A_154] : memref<3x80xi32, #tpu.memory_space<vmem>> -> memref<1x80xi32, #tpu.memory_space<vmem>>
      %dma_wait3A_156 = tpu.memref_squeeze %dma_wait3A_155 : memref<1x80xi32, #tpu.memory_space<vmem>> -> memref<80xi32, #tpu.memory_space<vmem>>
      %dma_wait3A_157 = tpu.memref_slice %arg3[%multiple_of3A_148] : memref<320000xi32, #tpu.memory_space<hbm>> -> memref<80xi32, #tpu.memory_space<hbm>>
      tpu.wait_dma2 semaphore(%arg11 : memref<!tpu.dma_semaphore, #tpu.memory_space<semaphore_mem>>) src(%dma_wait3A_157 : memref<80xi32, #tpu.memory_space<hbm>>) dst(%dma_wait3A_156 : memref<80xi32, #tpu.memory_space<vmem>>)
      %mul3A_158 = arith.constant 80 : i32
      %mul3A_159 = arith.muli %add3A_144, %mul3A_158 : i32
      %dma_wait3A_160 = arith.constant 0 : i32
      %dma_wait3A_161 = arith.constant 0 : i32
      %dma_wait3A_162 = arith.constant 0 : i32
      %dma_wait3A_163 = tpu.memref_slice %arg8[%dma_wait3A_160, %dma_wait3A_161, %dma_wait3A_162] : memref<3x80x128xf32, #tpu.memory_space<vmem>> -> memref<1x80x128xf32, #tpu.memory_space<vmem>>
      %dma_wait3A_164 = tpu.memref_squeeze %dma_wait3A_163 : memref<1x80x128xf32, #tpu.memory_space<vmem>> -> memref<80x128xf32, #tpu.memory_space<vmem>>
      %dma_wait3A_165 = tpu.memref_slice %arg6[%mul3A_159] : memref<10000xi32, #tpu.memory_space<vmem>> -> memref<80xi32, #tpu.memory_space<vmem>>
      %dma_wait3A_166 = arith.constant 0 : i32
      %dma_wait3A_167 = arith.constant 0 : i32
      %dma_wait3A_168 = tpu.memref_slice %arg4[%dma_wait3A_166, %dma_wait3A_167] : memref<10000x128xf32, #tpu.memory_space<hbm>> -> memref<10000x128xf32, #tpu.memory_space<hbm>>
      tpu.wait_indirect_dma semaphore(%arg11 : memref<!tpu.dma_semaphore, #tpu.memory_space<semaphore_mem>>) src(%dma_wait3A_168 : memref<10000x128xf32, #tpu.memory_space<hbm>>) dst(%dma_wait3A_164 : memref<80x128xf32, #tpu.memory_space<vmem>>)
      %run_scoped3A_169 = arith.constant 0 : i32
      %run_scoped3A_170 = arith.constant 0 : i32
      "tpu.region"() ({
        %run_scoped3A_250 = tpu.sem_alloc : memref<!tpu.dma_semaphore, #tpu.memory_space<semaphore_mem>>
        %dma_start3A_251 = arith.constant 0 : i32
        %dma_start3A_252 = arith.constant 0 : i32
        %dma_start3A_253 = tpu.memref_slice %arg8[%run_scoped3A_169, %dma_start3A_251, %dma_start3A_252] : memref<3x80x128xf32, #tpu.memory_space<vmem>> -> memref<1x80x128xf32, #tpu.memory_space<vmem>>
        %dma_start3A_254 = tpu.memref_squeeze %dma_start3A_253 : memref<1x80x128xf32, #tpu.memory_space<vmem>> -> memref<80x128xf32, #tpu.memory_space<vmem>>
        %dma_start3A_255 = arith.constant 0 : i32
        %dma_start3A_256 = tpu.memref_slice %arg7[%run_scoped3A_170, %dma_start3A_255] : memref<3x80xi32, #tpu.memory_space<vmem>> -> memref<1x80xi32, #tpu.memory_space<vmem>>
        %dma_start3A_257 = tpu.memref_squeeze %dma_start3A_256 : memref<1x80xi32, #tpu.memory_space<vmem>> -> memref<80xi32, #tpu.memory_space<vmem>>
        %dma_start3A_258 = arith.constant 0 : i32
        %dma_start3A_259 = arith.constant 0 : i32
        %dma_start3A_260 = tpu.memref_slice %arg10[%dma_start3A_258, %dma_start3A_259] : memref<10240x128xf32, #tpu.memory_space<vmem_shared>> -> memref<10240x128xf32, #tpu.memory_space<vmem_shared>>
        tpu.enqueue_indirect_dma source(%dma_start3A_254 : memref<80x128xf32, #tpu.memory_space<vmem>>) target(%dma_start3A_260 : memref<10240x128xf32, #tpu.memory_space<vmem_shared>>) offsets(%dma_start3A_257 : memref<80xi32, #tpu.memory_space<vmem>>) semaphore(%run_scoped3A_250 : memref<!tpu.dma_semaphore, #tpu.memory_space<semaphore_mem>>) {add = true}
        %dma_wait3A_261 = arith.constant 0 : i32
        %dma_wait3A_262 = arith.constant 0 : i32
        %dma_wait3A_263 = tpu.memref_slice %arg8[%run_scoped3A_169, %dma_wait3A_261, %dma_wait3A_262] : memref<3x80x128xf32, #tpu.memory_space<vmem>> -> memref<1x80x128xf32, #tpu.memory_space<vmem>>
        %dma_wait3A_264 = tpu.memref_squeeze %dma_wait3A_263 : memref<1x80x128xf32, #tpu.memory_space<vmem>> -> memref<80x128xf32, #tpu.memory_space<vmem>>
        %dma_wait3A_265 = arith.constant 0 : i32
        %dma_wait3A_266 = tpu.memref_slice %arg7[%run_scoped3A_170, %dma_wait3A_265] : memref<3x80xi32, #tpu.memory_space<vmem>> -> memref<1x80xi32, #tpu.memory_space<vmem>>
        %dma_wait3A_267 = tpu.memref_squeeze %dma_wait3A_266 : memref<1x80xi32, #tpu.memory_space<vmem>> -> memref<80xi32, #tpu.memory_space<vmem>>
        %dma_wait3A_268 = arith.constant 0 : i32
        %dma_wait3A_269 = arith.constant 0 : i32
        %dma_wait3A_270 = tpu.memref_slice %arg10[%dma_wait3A_268, %dma_wait3A_269] : memref<10240x128xf32, #tpu.memory_space<vmem_shared>> -> memref<10240x128xf32, #tpu.memory_space<vmem_shared>>
        tpu.wait_indirect_dma semaphore(%run_scoped3A_250 : memref<!tpu.dma_semaphore, #tpu.memory_space<semaphore_mem>>) src(%dma_wait3A_264 : memref<80x128xf32, #tpu.memory_space<vmem>>) dst(%dma_wait3A_270 : memref<10240x128xf32, #tpu.memory_space<vmem_shared>>)
        tpu.yield
      }) : () -> ()
      %add3A_171 = arith.constant 3 : i32
      %add3A_172 = arith.addi %add3A_144, %add3A_171 : i32
      %lt3A = arith.constant 125 : i32
      %lt3A_173 = arith.cmpi slt, %add3A_172, %lt3A : i32
      %convert_element_type3A = arith.extui %lt3A_173 : i1 to i32
      %cond3A = arith.constant 0 : i32
      %cond3A_174 = arith.cmpi ne, %convert_element_type3A, %cond3A : i32
      scf.if %cond3A_174 {
        %mul3A_250 = arith.constant 80 : i32
        %mul3A_251 = arith.muli %add3A_172, %mul3A_250 : i32
        %add3A_252 = arith.addi %mul3A_2, %mul3A_251 : i32
        %multiple_of3A_253 = tpu.assume_multiple %add3A_252, 8 : i32
        %dma_start3A_254 = arith.constant 0 : i32
        %dma_start3A_255 = arith.constant 0 : i32
        %dma_start3A_256 = tpu.memref_slice %arg7[%dma_start3A_254, %dma_start3A_255] : memref<3x80xi32, #tpu.memory_space<vmem>> -> memref<1x80xi32, #tpu.memory_space<vmem>>
        %dma_start3A_257 = tpu.memref_squeeze %dma_start3A_256 : memref<1x80xi32, #tpu.memory_space<vmem>> -> memref<80xi32, #tpu.memory_space<vmem>>
        %dma_start3A_258 = tpu.memref_slice %arg3[%multiple_of3A_253] : memref<320000xi32, #tpu.memory_space<hbm>> -> memref<80xi32, #tpu.memory_space<hbm>>
        %dma_start3A_259 = arith.constant 0 : i32
        %dma_start3A_260 = tpu.memref_slice %arg7[%dma_start3A_254, %dma_start3A_259] : memref<3x80xi32, #tpu.memory_space<vmem>> -> memref<1x80xi32, #tpu.memory_space<vmem>>
        %dma_start3A_261 = tpu.memref_squeeze %dma_start3A_260 : memref<1x80xi32, #tpu.memory_space<vmem>> -> memref<80xi32, #tpu.memory_space<vmem>>
        %dma_start3A_262 = tpu.memref_slice %arg3[%multiple_of3A_253] : memref<320000xi32, #tpu.memory_space<hbm>> -> memref<80xi32, #tpu.memory_space<hbm>>
        tpu.enqueue_dma source(%dma_start3A_262 : memref<80xi32, #tpu.memory_space<hbm>>) target(%dma_start3A_261 : memref<80xi32, #tpu.memory_space<vmem>>) target_semaphore(%arg11 : memref<!tpu.dma_semaphore, #tpu.memory_space<semaphore_mem>>)
        %mul3A_263 = arith.constant 80 : i32
        %mul3A_264 = arith.muli %add3A_172, %mul3A_263 : i32
        %dma_start3A_265 = arith.constant 0 : i32
        %dma_start3A_266 = arith.constant 0 : i32
        %dma_start3A_267 = arith.constant 0 : i32
        %dma_start3A_268 = tpu.memref_slice %arg8[%dma_start3A_265, %dma_start3A_266, %dma_start3A_267] : memref<3x80x128xf32, #tpu.memory_space<vmem>> -> memref<1x80x128xf32, #tpu.memory_space<vmem>>
        %dma_start3A_269 = tpu.memref_squeeze %dma_start3A_268 : memref<1x80x128xf32, #tpu.memory_space<vmem>> -> memref<80x128xf32, #tpu.memory_space<vmem>>
        %dma_start3A_270 = tpu.memref_slice %arg6[%mul3A_264] : memref<10000xi32, #tpu.memory_space<vmem>> -> memref<80xi32, #tpu.memory_space<vmem>>
        %dma_start3A_271 = arith.constant 0 : i32
        %dma_start3A_272 = arith.constant 0 : i32
        %dma_start3A_273 = tpu.memref_slice %arg4[%dma_start3A_271, %dma_start3A_272] : memref<10000x128xf32, #tpu.memory_space<hbm>> -> memref<10000x128xf32, #tpu.memory_space<hbm>>
        tpu.enqueue_indirect_dma source(%dma_start3A_273 : memref<10000x128xf32, #tpu.memory_space<hbm>>) target(%dma_start3A_269 : memref<80x128xf32, #tpu.memory_space<vmem>>) offsets(%dma_start3A_270 : memref<80xi32, #tpu.memory_space<vmem>>) semaphore(%arg11 : memref<!tpu.dma_semaphore, #tpu.memory_space<semaphore_mem>>)
      } else {
      }
      %mul3A_175 = arith.constant 3 : i32
      %mul3A_176 = arith.muli %scan3A_139, %mul3A_175 : i32
      %add3A_177 = arith.constant 1 : i32
      %add3A_178 = arith.addi %mul3A_176, %add3A_177 : i32
      %mul3A_179 = arith.constant 80 : i32
      %mul3A_180 = arith.muli %add3A_178, %mul3A_179 : i32
      %add3A_181 = arith.addi %mul3A_2, %mul3A_180 : i32
      %multiple_of3A_182 = tpu.assume_multiple %add3A_181, 8 : i32
      %dma_wait3A_183 = arith.constant 1 : i32
      %dma_wait3A_184 = arith.constant 0 : i32
      %dma_wait3A_185 = tpu.memref_slice %arg7[%dma_wait3A_183, %dma_wait3A_184] : memref<3x80xi32, #tpu.memory_space<vmem>> -> memref<1x80xi32, #tpu.memory_space<vmem>>
      %dma_wait3A_186 = tpu.memref_squeeze %dma_wait3A_185 : memref<1x80xi32, #tpu.memory_space<vmem>> -> memref<80xi32, #tpu.memory_space<vmem>>
      %dma_wait3A_187 = tpu.memref_slice %arg3[%multiple_of3A_182] : memref<320000xi32, #tpu.memory_space<hbm>> -> memref<80xi32, #tpu.memory_space<hbm>>
      %dma_wait3A_188 = arith.constant 0 : i32
      %dma_wait3A_189 = tpu.memref_slice %arg7[%dma_wait3A_183, %dma_wait3A_188] : memref<3x80xi32, #tpu.memory_space<vmem>> -> memref<1x80xi32, #tpu.memory_space<vmem>>
      %dma_wait3A_190 = tpu.memref_squeeze %dma_wait3A_189 : memref<1x80xi32, #tpu.memory_space<vmem>> -> memref<80xi32, #tpu.memory_space<vmem>>
      %dma_wait3A_191 = tpu.memref_slice %arg3[%multiple_of3A_182] : memref<320000xi32, #tpu.memory_space<hbm>> -> memref<80xi32, #tpu.memory_space<hbm>>
      tpu.wait_dma2 semaphore(%arg12 : memref<!tpu.dma_semaphore, #tpu.memory_space<semaphore_mem>>) src(%dma_wait3A_191 : memref<80xi32, #tpu.memory_space<hbm>>) dst(%dma_wait3A_190 : memref<80xi32, #tpu.memory_space<vmem>>)
      %mul3A_192 = arith.constant 80 : i32
      %mul3A_193 = arith.muli %add3A_178, %mul3A_192 : i32
      %dma_wait3A_194 = arith.constant 1 : i32
      %dma_wait3A_195 = arith.constant 0 : i32
      %dma_wait3A_196 = arith.constant 0 : i32
      %dma_wait3A_197 = tpu.memref_slice %arg8[%dma_wait3A_194, %dma_wait3A_195, %dma_wait3A_196] : memref<3x80x128xf32, #tpu.memory_space<vmem>> -> memref<1x80x128xf32, #tpu.memory_space<vmem>>
      %dma_wait3A_198 = tpu.memref_squeeze %dma_wait3A_197 : memref<1x80x128xf32, #tpu.memory_space<vmem>> -> memref<80x128xf32, #tpu.memory_space<vmem>>
      %dma_wait3A_199 = tpu.memref_slice %arg6[%mul3A_193] : memref<10000xi32, #tpu.memory_space<vmem>> -> memref<80xi32, #tpu.memory_space<vmem>>
      %dma_wait3A_200 = arith.constant 0 : i32
      %dma_wait3A_201 = arith.constant 0 : i32
      %dma_wait3A_202 = tpu.memref_slice %arg4[%dma_wait3A_200, %dma_wait3A_201] : memref<10000x128xf32, #tpu.memory_space<hbm>> -> memref<10000x128xf32, #tpu.memory_space<hbm>>
      tpu.wait_indirect_dma semaphore(%arg12 : memref<!tpu.dma_semaphore, #tpu.memory_space<semaphore_mem>>) src(%dma_wait3A_202 : memref<10000x128xf32, #tpu.memory_space<hbm>>) dst(%dma_wait3A_198 : memref<80x128xf32, #tpu.memory_space<vmem>>)
      %run_scoped3A_203 = arith.constant 1 : i32
      %run_scoped3A_204 = arith.constant 1 : i32
      "tpu.region"() ({
        %run_scoped3A_250 = tpu.sem_alloc : memref<!tpu.dma_semaphore, #tpu.memory_space<semaphore_mem>>
        %dma_start3A_251 = arith.constant 0 : i32
        %dma_start3A_252 = arith.constant 0 : i32
        %dma_start3A_253 = tpu.memref_slice %arg8[%run_scoped3A_203, %dma_start3A_251, %dma_start3A_252] : memref<3x80x128xf32, #tpu.memory_space<vmem>> -> memref<1x80x128xf32, #tpu.memory_space<vmem>>
        %dma_start3A_254 = tpu.memref_squeeze %dma_start3A_253 : memref<1x80x128xf32, #tpu.memory_space<vmem>> -> memref<80x128xf32, #tpu.memory_space<vmem>>
        %dma_start3A_255 = arith.constant 0 : i32
        %dma_start3A_256 = tpu.memref_slice %arg7[%run_scoped3A_204, %dma_start3A_255] : memref<3x80xi32, #tpu.memory_space<vmem>> -> memref<1x80xi32, #tpu.memory_space<vmem>>
        %dma_start3A_257 = tpu.memref_squeeze %dma_start3A_256 : memref<1x80xi32, #tpu.memory_space<vmem>> -> memref<80xi32, #tpu.memory_space<vmem>>
        %dma_start3A_258 = arith.constant 0 : i32
        %dma_start3A_259 = arith.constant 0 : i32
        %dma_start3A_260 = tpu.memref_slice %arg10[%dma_start3A_258, %dma_start3A_259] : memref<10240x128xf32, #tpu.memory_space<vmem_shared>> -> memref<10240x128xf32, #tpu.memory_space<vmem_shared>>
        tpu.enqueue_indirect_dma source(%dma_start3A_254 : memref<80x128xf32, #tpu.memory_space<vmem>>) target(%dma_start3A_260 : memref<10240x128xf32, #tpu.memory_space<vmem_shared>>) offsets(%dma_start3A_257 : memref<80xi32, #tpu.memory_space<vmem>>) semaphore(%run_scoped3A_250 : memref<!tpu.dma_semaphore, #tpu.memory_space<semaphore_mem>>) {add = true}
        %dma_wait3A_261 = arith.constant 0 : i32
        %dma_wait3A_262 = arith.constant 0 : i32
        %dma_wait3A_263 = tpu.memref_slice %arg8[%run_scoped3A_203, %dma_wait3A_261, %dma_wait3A_262] : memref<3x80x128xf32, #tpu.memory_space<vmem>> -> memref<1x80x128xf32, #tpu.memory_space<vmem>>
        %dma_wait3A_264 = tpu.memref_squeeze %dma_wait3A_263 : memref<1x80x128xf32, #tpu.memory_space<vmem>> -> memref<80x128xf32, #tpu.memory_space<vmem>>
        %dma_wait3A_265 = arith.constant 0 : i32
        %dma_wait3A_266 = tpu.memref_slice %arg7[%run_scoped3A_204, %dma_wait3A_265] : memref<3x80xi32, #tpu.memory_space<vmem>> -> memref<1x80xi32, #tpu.memory_space<vmem>>
        %dma_wait3A_267 = tpu.memref_squeeze %dma_wait3A_266 : memref<1x80xi32, #tpu.memory_space<vmem>> -> memref<80xi32, #tpu.memory_space<vmem>>
        %dma_wait3A_268 = arith.constant 0 : i32
        %dma_wait3A_269 = arith.constant 0 : i32
        %dma_wait3A_270 = tpu.memref_slice %arg10[%dma_wait3A_268, %dma_wait3A_269] : memref<10240x128xf32, #tpu.memory_space<vmem_shared>> -> memref<10240x128xf32, #tpu.memory_space<vmem_shared>>
        tpu.wait_indirect_dma semaphore(%run_scoped3A_250 : memref<!tpu.dma_semaphore, #tpu.memory_space<semaphore_mem>>) src(%dma_wait3A_264 : memref<80x128xf32, #tpu.memory_space<vmem>>) dst(%dma_wait3A_270 : memref<10240x128xf32, #tpu.memory_space<vmem_shared>>)
        tpu.yield
      }) : () -> ()
      %add3A_205 = arith.constant 3 : i32
      %add3A_206 = arith.addi %add3A_178, %add3A_205 : i32
      %lt3A_207 = arith.constant 125 : i32
      %lt3A_208 = arith.cmpi slt, %add3A_206, %lt3A_207 : i32
      %convert_element_type3A_209 = arith.extui %lt3A_208 : i1 to i32
      %cond3A_210 = arith.constant 0 : i32
      %cond3A_211 = arith.cmpi ne, %convert_element_type3A_209, %cond3A_210 : i32
      scf.if %cond3A_211 {
        %mul3A_250 = arith.constant 80 : i32
        %mul3A_251 = arith.muli %add3A_206, %mul3A_250 : i32
        %add3A_252 = arith.addi %mul3A_2, %mul3A_251 : i32
        %multiple_of3A_253 = tpu.assume_multiple %add3A_252, 8 : i32
        %dma_start3A_254 = arith.constant 1 : i32
        %dma_start3A_255 = arith.constant 0 : i32
        %dma_start3A_256 = tpu.memref_slice %arg7[%dma_start3A_254, %dma_start3A_255] : memref<3x80xi32, #tpu.memory_space<vmem>> -> memref<1x80xi32, #tpu.memory_space<vmem>>
        %dma_start3A_257 = tpu.memref_squeeze %dma_start3A_256 : memref<1x80xi32, #tpu.memory_space<vmem>> -> memref<80xi32, #tpu.memory_space<vmem>>
        %dma_start3A_258 = tpu.memref_slice %arg3[%multiple_of3A_253] : memref<320000xi32, #tpu.memory_space<hbm>> -> memref<80xi32, #tpu.memory_space<hbm>>
        %dma_start3A_259 = arith.constant 0 : i32
        %dma_start3A_260 = tpu.memref_slice %arg7[%dma_start3A_254, %dma_start3A_259] : memref<3x80xi32, #tpu.memory_space<vmem>> -> memref<1x80xi32, #tpu.memory_space<vmem>>
        %dma_start3A_261 = tpu.memref_squeeze %dma_start3A_260 : memref<1x80xi32, #tpu.memory_space<vmem>> -> memref<80xi32, #tpu.memory_space<vmem>>
        %dma_start3A_262 = tpu.memref_slice %arg3[%multiple_of3A_253] : memref<320000xi32, #tpu.memory_space<hbm>> -> memref<80xi32, #tpu.memory_space<hbm>>
        tpu.enqueue_dma source(%dma_start3A_262 : memref<80xi32, #tpu.memory_space<hbm>>) target(%dma_start3A_261 : memref<80xi32, #tpu.memory_space<vmem>>) target_semaphore(%arg12 : memref<!tpu.dma_semaphore, #tpu.memory_space<semaphore_mem>>)
        %mul3A_263 = arith.constant 80 : i32
        %mul3A_264 = arith.muli %add3A_206, %mul3A_263 : i32
        %dma_start3A_265 = arith.constant 1 : i32
        %dma_start3A_266 = arith.constant 0 : i32
        %dma_start3A_267 = arith.constant 0 : i32
        %dma_start3A_268 = tpu.memref_slice %arg8[%dma_start3A_265, %dma_start3A_266, %dma_start3A_267] : memref<3x80x128xf32, #tpu.memory_space<vmem>> -> memref<1x80x128xf32, #tpu.memory_space<vmem>>
        %dma_start3A_269 = tpu.memref_squeeze %dma_start3A_268 : memref<1x80x128xf32, #tpu.memory_space<vmem>> -> memref<80x128xf32, #tpu.memory_space<vmem>>
        %dma_start3A_270 = tpu.memref_slice %arg6[%mul3A_264] : memref<10000xi32, #tpu.memory_space<vmem>> -> memref<80xi32, #tpu.memory_space<vmem>>
        %dma_start3A_271 = arith.constant 0 : i32
        %dma_start3A_272 = arith.constant 0 : i32
        %dma_start3A_273 = tpu.memref_slice %arg4[%dma_start3A_271, %dma_start3A_272] : memref<10000x128xf32, #tpu.memory_space<hbm>> -> memref<10000x128xf32, #tpu.memory_space<hbm>>
        tpu.enqueue_indirect_dma source(%dma_start3A_273 : memref<10000x128xf32, #tpu.memory_space<hbm>>) target(%dma_start3A_269 : memref<80x128xf32, #tpu.memory_space<vmem>>) offsets(%dma_start3A_270 : memref<80xi32, #tpu.memory_space<vmem>>) semaphore(%arg12 : memref<!tpu.dma_semaphore, #tpu.memory_space<semaphore_mem>>)
      } else {
      }
      %mul3A_212 = arith.constant 3 : i32
      %mul3A_213 = arith.muli %scan3A_139, %mul3A_212 : i32
      %add3A_214 = arith.constant 2 : i32
      %add3A_215 = arith.addi %mul3A_213, %add3A_214 : i32
      %mul3A_216 = arith.constant 80 : i32
      %mul3A_217 = arith.muli %add3A_215, %mul3A_216 : i32
      %add3A_218 = arith.addi %mul3A_2, %mul3A_217 : i32
      %multiple_of3A_219 = tpu.assume_multiple %add3A_218, 8 : i32
      %dma_wait3A_220 = arith.constant 2 : i32
      %dma_wait3A_221 = arith.constant 0 : i32
      %dma_wait3A_222 = tpu.memref_slice %arg7[%dma_wait3A_220, %dma_wait3A_221] : memref<3x80xi32, #tpu.memory_space<vmem>> -> memref<1x80xi32, #tpu.memory_space<vmem>>
      %dma_wait3A_223 = tpu.memref_squeeze %dma_wait3A_222 : memref<1x80xi32, #tpu.memory_space<vmem>> -> memref<80xi32, #tpu.memory_space<vmem>>
      %dma_wait3A_224 = tpu.memref_slice %arg3[%multiple_of3A_219] : memref<320000xi32, #tpu.memory_space<hbm>> -> memref<80xi32, #tpu.memory_space<hbm>>
      %dma_wait3A_225 = arith.constant 0 : i32
      %dma_wait3A_226 = tpu.memref_slice %arg7[%dma_wait3A_220, %dma_wait3A_225] : memref<3x80xi32, #tpu.memory_space<vmem>> -> memref<1x80xi32, #tpu.memory_space<vmem>>
      %dma_wait3A_227 = tpu.memref_squeeze %dma_wait3A_226 : memref<1x80xi32, #tpu.memory_space<vmem>> -> memref<80xi32, #tpu.memory_space<vmem>>
      %dma_wait3A_228 = tpu.memref_slice %arg3[%multiple_of3A_219] : memref<320000xi32, #tpu.memory_space<hbm>> -> memref<80xi32, #tpu.memory_space<hbm>>
      tpu.wait_dma2 semaphore(%arg13 : memref<!tpu.dma_semaphore, #tpu.memory_space<semaphore_mem>>) src(%dma_wait3A_228 : memref<80xi32, #tpu.memory_space<hbm>>) dst(%dma_wait3A_227 : memref<80xi32, #tpu.memory_space<vmem>>)
      %mul3A_229 = arith.constant 80 : i32
      %mul3A_230 = arith.muli %add3A_215, %mul3A_229 : i32
      %dma_wait3A_231 = arith.constant 2 : i32
      %dma_wait3A_232 = arith.constant 0 : i32
      %dma_wait3A_233 = arith.constant 0 : i32
      %dma_wait3A_234 = tpu.memref_slice %arg8[%dma_wait3A_231, %dma_wait3A_232, %dma_wait3A_233] : memref<3x80x128xf32, #tpu.memory_space<vmem>> -> memref<1x80x128xf32, #tpu.memory_space<vmem>>
      %dma_wait3A_235 = tpu.memref_squeeze %dma_wait3A_234 : memref<1x80x128xf32, #tpu.memory_space<vmem>> -> memref<80x128xf32, #tpu.memory_space<vmem>>
      %dma_wait3A_236 = tpu.memref_slice %arg6[%mul3A_230] : memref<10000xi32, #tpu.memory_space<vmem>> -> memref<80xi32, #tpu.memory_space<vmem>>
      %dma_wait3A_237 = arith.constant 0 : i32
      %dma_wait3A_238 = arith.constant 0 : i32
      %dma_wait3A_239 = tpu.memref_slice %arg4[%dma_wait3A_237, %dma_wait3A_238] : memref<10000x128xf32, #tpu.memory_space<hbm>> -> memref<10000x128xf32, #tpu.memory_space<hbm>>
      tpu.wait_indirect_dma semaphore(%arg13 : memref<!tpu.dma_semaphore, #tpu.memory_space<semaphore_mem>>) src(%dma_wait3A_239 : memref<10000x128xf32, #tpu.memory_space<hbm>>) dst(%dma_wait3A_235 : memref<80x128xf32, #tpu.memory_space<vmem>>)
      %run_scoped3A_240 = arith.constant 2 : i32
      %run_scoped3A_241 = arith.constant 2 : i32
      "tpu.region"() ({
        %run_scoped3A_250 = tpu.sem_alloc : memref<!tpu.dma_semaphore, #tpu.memory_space<semaphore_mem>>
        %dma_start3A_251 = arith.constant 0 : i32
        %dma_start3A_252 = arith.constant 0 : i32
        %dma_start3A_253 = tpu.memref_slice %arg8[%run_scoped3A_240, %dma_start3A_251, %dma_start3A_252] : memref<3x80x128xf32, #tpu.memory_space<vmem>> -> memref<1x80x128xf32, #tpu.memory_space<vmem>>
        %dma_start3A_254 = tpu.memref_squeeze %dma_start3A_253 : memref<1x80x128xf32, #tpu.memory_space<vmem>> -> memref<80x128xf32, #tpu.memory_space<vmem>>
        %dma_start3A_255 = arith.constant 0 : i32
        %dma_start3A_256 = tpu.memref_slice %arg7[%run_scoped3A_241, %dma_start3A_255] : memref<3x80xi32, #tpu.memory_space<vmem>> -> memref<1x80xi32, #tpu.memory_space<vmem>>
        %dma_start3A_257 = tpu.memref_squeeze %dma_start3A_256 : memref<1x80xi32, #tpu.memory_space<vmem>> -> memref<80xi32, #tpu.memory_space<vmem>>
        %dma_start3A_258 = arith.constant 0 : i32
        %dma_start3A_259 = arith.constant 0 : i32
        %dma_start3A_260 = tpu.memref_slice %arg10[%dma_start3A_258, %dma_start3A_259] : memref<10240x128xf32, #tpu.memory_space<vmem_shared>> -> memref<10240x128xf32, #tpu.memory_space<vmem_shared>>
        tpu.enqueue_indirect_dma source(%dma_start3A_254 : memref<80x128xf32, #tpu.memory_space<vmem>>) target(%dma_start3A_260 : memref<10240x128xf32, #tpu.memory_space<vmem_shared>>) offsets(%dma_start3A_257 : memref<80xi32, #tpu.memory_space<vmem>>) semaphore(%run_scoped3A_250 : memref<!tpu.dma_semaphore, #tpu.memory_space<semaphore_mem>>) {add = true}
        %dma_wait3A_261 = arith.constant 0 : i32
        %dma_wait3A_262 = arith.constant 0 : i32
        %dma_wait3A_263 = tpu.memref_slice %arg8[%run_scoped3A_240, %dma_wait3A_261, %dma_wait3A_262] : memref<3x80x128xf32, #tpu.memory_space<vmem>> -> memref<1x80x128xf32, #tpu.memory_space<vmem>>
        %dma_wait3A_264 = tpu.memref_squeeze %dma_wait3A_263 : memref<1x80x128xf32, #tpu.memory_space<vmem>> -> memref<80x128xf32, #tpu.memory_space<vmem>>
        %dma_wait3A_265 = arith.constant 0 : i32
        %dma_wait3A_266 = tpu.memref_slice %arg7[%run_scoped3A_241, %dma_wait3A_265] : memref<3x80xi32, #tpu.memory_space<vmem>> -> memref<1x80xi32, #tpu.memory_space<vmem>>
        %dma_wait3A_267 = tpu.memref_squeeze %dma_wait3A_266 : memref<1x80xi32, #tpu.memory_space<vmem>> -> memref<80xi32, #tpu.memory_space<vmem>>
        %dma_wait3A_268 = arith.constant 0 : i32
        %dma_wait3A_269 = arith.constant 0 : i32
        %dma_wait3A_270 = tpu.memref_slice %arg10[%dma_wait3A_268, %dma_wait3A_269] : memref<10240x128xf32, #tpu.memory_space<vmem_shared>> -> memref<10240x128xf32, #tpu.memory_space<vmem_shared>>
        tpu.wait_indirect_dma semaphore(%run_scoped3A_250 : memref<!tpu.dma_semaphore, #tpu.memory_space<semaphore_mem>>) src(%dma_wait3A_264 : memref<80x128xf32, #tpu.memory_space<vmem>>) dst(%dma_wait3A_270 : memref<10240x128xf32, #tpu.memory_space<vmem_shared>>)
        tpu.yield
      }) : () -> ()
      %add3A_242 = arith.constant 3 : i32
      %add3A_243 = arith.addi %add3A_215, %add3A_242 : i32
      %lt3A_244 = arith.constant 125 : i32
      %lt3A_245 = arith.cmpi slt, %add3A_243, %lt3A_244 : i32
      %convert_element_type3A_246 = arith.extui %lt3A_245 : i1 to i32
      %cond3A_247 = arith.constant 0 : i32
      %cond3A_248 = arith.cmpi ne, %convert_element_type3A_246, %cond3A_247 : i32
      scf.if %cond3A_248 {
        %mul3A_250 = arith.constant 80 : i32
        %mul3A_251 = arith.muli %add3A_243, %mul3A_250 : i32
        %add3A_252 = arith.addi %mul3A_2, %mul3A_251 : i32
        %multiple_of3A_253 = tpu.assume_multiple %add3A_252, 8 : i32
        %dma_start3A_254 = arith.constant 2 : i32
        %dma_start3A_255 = arith.constant 0 : i32
        %dma_start3A_256 = tpu.memref_slice %arg7[%dma_start3A_254, %dma_start3A_255] : memref<3x80xi32, #tpu.memory_space<vmem>> -> memref<1x80xi32, #tpu.memory_space<vmem>>
        %dma_start3A_257 = tpu.memref_squeeze %dma_start3A_256 : memref<1x80xi32, #tpu.memory_space<vmem>> -> memref<80xi32, #tpu.memory_space<vmem>>
        %dma_start3A_258 = tpu.memref_slice %arg3[%multiple_of3A_253] : memref<320000xi32, #tpu.memory_space<hbm>> -> memref<80xi32, #tpu.memory_space<hbm>>
        %dma_start3A_259 = arith.constant 0 : i32
        %dma_start3A_260 = tpu.memref_slice %arg7[%dma_start3A_254, %dma_start3A_259] : memref<3x80xi32, #tpu.memory_space<vmem>> -> memref<1x80xi32, #tpu.memory_space<vmem>>
        %dma_start3A_261 = tpu.memref_squeeze %dma_start3A_260 : memref<1x80xi32, #tpu.memory_space<vmem>> -> memref<80xi32, #tpu.memory_space<vmem>>
        %dma_start3A_262 = tpu.memref_slice %arg3[%multiple_of3A_253] : memref<320000xi32, #tpu.memory_space<hbm>> -> memref<80xi32, #tpu.memory_space<hbm>>
        tpu.enqueue_dma source(%dma_start3A_262 : memref<80xi32, #tpu.memory_space<hbm>>) target(%dma_start3A_261 : memref<80xi32, #tpu.memory_space<vmem>>) target_semaphore(%arg13 : memref<!tpu.dma_semaphore, #tpu.memory_space<semaphore_mem>>)
        %mul3A_263 = arith.constant 80 : i32
        %mul3A_264 = arith.muli %add3A_243, %mul3A_263 : i32
        %dma_start3A_265 = arith.constant 2 : i32
        %dma_start3A_266 = arith.constant 0 : i32
        %dma_start3A_267 = arith.constant 0 : i32
        %dma_start3A_268 = tpu.memref_slice %arg8[%dma_start3A_265, %dma_start3A_266, %dma_start3A_267] : memref<3x80x128xf32, #tpu.memory_space<vmem>> -> memref<1x80x128xf32, #tpu.memory_space<vmem>>
        %dma_start3A_269 = tpu.memref_squeeze %dma_start3A_268 : memref<1x80x128xf32, #tpu.memory_space<vmem>> -> memref<80x128xf32, #tpu.memory_space<vmem>>
        %dma_start3A_270 = tpu.memref_slice %arg6[%mul3A_264] : memref<10000xi32, #tpu.memory_space<vmem>> -> memref<80xi32, #tpu.memory_space<vmem>>
        %dma_start3A_271 = arith.constant 0 : i32
        %dma_start3A_272 = arith.constant 0 : i32
        %dma_start3A_273 = tpu.memref_slice %arg4[%dma_start3A_271, %dma_start3A_272] : memref<10000x128xf32, #tpu.memory_space<hbm>> -> memref<10000x128xf32, #tpu.memory_space<hbm>>
        tpu.enqueue_indirect_dma source(%dma_start3A_273 : memref<10000x128xf32, #tpu.memory_space<hbm>>) target(%dma_start3A_269 : memref<80x128xf32, #tpu.memory_space<vmem>>) offsets(%dma_start3A_270 : memref<80xi32, #tpu.memory_space<vmem>>) semaphore(%arg13 : memref<!tpu.dma_semaphore, #tpu.memory_space<semaphore_mem>>)
      } else {
      }
      %scan3A_249 = arith.constant 0 : i32
      scf.yield %scan3A_249 : i32
    }
    %scan3A_87 = arith.constant 41 : i32
    %add3A_88 = arith.constant 9840 : i32
    %add3A_89 = arith.addi %mul3A_2, %add3A_88 : i32
    %multiple_of3A_90 = tpu.assume_multiple %add3A_89, 8 : i32
    %dma_wait3A = arith.constant 0 : i32
    %dma_wait3A_91 = arith.constant 0 : i32
    %dma_wait3A_92 = tpu.memref_slice %arg7[%dma_wait3A, %dma_wait3A_91] : memref<3x80xi32, #tpu.memory_space<vmem>> -> memref<1x80xi32, #tpu.memory_space<vmem>>
    %dma_wait3A_93 = tpu.memref_squeeze %dma_wait3A_92 : memref<1x80xi32, #tpu.memory_space<vmem>> -> memref<80xi32, #tpu.memory_space<vmem>>
    %dma_wait3A_94 = tpu.memref_slice %arg3[%multiple_of3A_90] : memref<320000xi32, #tpu.memory_space<hbm>> -> memref<80xi32, #tpu.memory_space<hbm>>
    %dma_wait3A_95 = arith.constant 0 : i32
    %dma_wait3A_96 = tpu.memref_slice %arg7[%dma_wait3A, %dma_wait3A_95] : memref<3x80xi32, #tpu.memory_space<vmem>> -> memref<1x80xi32, #tpu.memory_space<vmem>>
    %dma_wait3A_97 = tpu.memref_squeeze %dma_wait3A_96 : memref<1x80xi32, #tpu.memory_space<vmem>> -> memref<80xi32, #tpu.memory_space<vmem>>
    %dma_wait3A_98 = tpu.memref_slice %arg3[%multiple_of3A_90] : memref<320000xi32, #tpu.memory_space<hbm>> -> memref<80xi32, #tpu.memory_space<hbm>>
    tpu.wait_dma2 semaphore(%arg11 : memref<!tpu.dma_semaphore, #tpu.memory_space<semaphore_mem>>) src(%dma_wait3A_98 : memref<80xi32, #tpu.memory_space<hbm>>) dst(%dma_wait3A_97 : memref<80xi32, #tpu.memory_space<vmem>>)
    %dma_wait3A_99 = arith.constant 0 : i32
    %dma_wait3A_100 = arith.constant 0 : i32
    %dma_wait3A_101 = arith.constant 0 : i32
    %dma_wait3A_102 = tpu.memref_slice %arg8[%dma_wait3A_99, %dma_wait3A_100, %dma_wait3A_101] : memref<3x80x128xf32, #tpu.memory_space<vmem>> -> memref<1x80x128xf32, #tpu.memory_space<vmem>>
    %dma_wait3A_103 = tpu.memref_squeeze %dma_wait3A_102 : memref<1x80x128xf32, #tpu.memory_space<vmem>> -> memref<80x128xf32, #tpu.memory_space<vmem>>
    %dma_wait3A_104 = arith.constant 9840 : i32
    %dma_wait3A_105 = tpu.memref_slice %arg6[%dma_wait3A_104] : memref<10000xi32, #tpu.memory_space<vmem>> -> memref<80xi32, #tpu.memory_space<vmem>>
    %dma_wait3A_106 = arith.constant 0 : i32
    %dma_wait3A_107 = arith.constant 0 : i32
    %dma_wait3A_108 = tpu.memref_slice %arg4[%dma_wait3A_106, %dma_wait3A_107] : memref<10000x128xf32, #tpu.memory_space<hbm>> -> memref<10000x128xf32, #tpu.memory_space<hbm>>
    tpu.wait_indirect_dma semaphore(%arg11 : memref<!tpu.dma_semaphore, #tpu.memory_space<semaphore_mem>>) src(%dma_wait3A_108 : memref<10000x128xf32, #tpu.memory_space<hbm>>) dst(%dma_wait3A_103 : memref<80x128xf32, #tpu.memory_space<vmem>>)
    %run_scoped3A = arith.constant 0 : i32
    %run_scoped3A_109 = arith.constant 0 : i32
    "tpu.region"() ({
      %run_scoped3A_139 = tpu.sem_alloc : memref<!tpu.dma_semaphore, #tpu.memory_space<semaphore_mem>>
      %dma_start3A_140 = arith.constant 0 : i32
      %dma_start3A_141 = arith.constant 0 : i32
      %dma_start3A_142 = tpu.memref_slice %arg8[%run_scoped3A, %dma_start3A_140, %dma_start3A_141] : memref<3x80x128xf32, #tpu.memory_space<vmem>> -> memref<1x80x128xf32, #tpu.memory_space<vmem>>
      %dma_start3A_143 = tpu.memref_squeeze %dma_start3A_142 : memref<1x80x128xf32, #tpu.memory_space<vmem>> -> memref<80x128xf32, #tpu.memory_space<vmem>>
      %dma_start3A_144 = arith.constant 0 : i32
      %dma_start3A_145 = tpu.memref_slice %arg7[%run_scoped3A_109, %dma_start3A_144] : memref<3x80xi32, #tpu.memory_space<vmem>> -> memref<1x80xi32, #tpu.memory_space<vmem>>
      %dma_start3A_146 = tpu.memref_squeeze %dma_start3A_145 : memref<1x80xi32, #tpu.memory_space<vmem>> -> memref<80xi32, #tpu.memory_space<vmem>>
      %dma_start3A_147 = arith.constant 0 : i32
      %dma_start3A_148 = arith.constant 0 : i32
      %dma_start3A_149 = tpu.memref_slice %arg10[%dma_start3A_147, %dma_start3A_148] : memref<10240x128xf32, #tpu.memory_space<vmem_shared>> -> memref<10240x128xf32, #tpu.memory_space<vmem_shared>>
      tpu.enqueue_indirect_dma source(%dma_start3A_143 : memref<80x128xf32, #tpu.memory_space<vmem>>) target(%dma_start3A_149 : memref<10240x128xf32, #tpu.memory_space<vmem_shared>>) offsets(%dma_start3A_146 : memref<80xi32, #tpu.memory_space<vmem>>) semaphore(%run_scoped3A_139 : memref<!tpu.dma_semaphore, #tpu.memory_space<semaphore_mem>>) {add = true}
      %dma_wait3A_150 = arith.constant 0 : i32
      %dma_wait3A_151 = arith.constant 0 : i32
      %dma_wait3A_152 = tpu.memref_slice %arg8[%run_scoped3A, %dma_wait3A_150, %dma_wait3A_151] : memref<3x80x128xf32, #tpu.memory_space<vmem>> -> memref<1x80x128xf32, #tpu.memory_space<vmem>>
      %dma_wait3A_153 = tpu.memref_squeeze %dma_wait3A_152 : memref<1x80x128xf32, #tpu.memory_space<vmem>> -> memref<80x128xf32, #tpu.memory_space<vmem>>
      %dma_wait3A_154 = arith.constant 0 : i32
      %dma_wait3A_155 = tpu.memref_slice %arg7[%run_scoped3A_109, %dma_wait3A_154] : memref<3x80xi32, #tpu.memory_space<vmem>> -> memref<1x80xi32, #tpu.memory_space<vmem>>
      %dma_wait3A_156 = tpu.memref_squeeze %dma_wait3A_155 : memref<1x80xi32, #tpu.memory_space<vmem>> -> memref<80xi32, #tpu.memory_space<vmem>>
      %dma_wait3A_157 = arith.constant 0 : i32
      %dma_wait3A_158 = arith.constant 0 : i32
      %dma_wait3A_159 = tpu.memref_slice %arg10[%dma_wait3A_157, %dma_wait3A_158] : memref<10240x128xf32, #tpu.memory_space<vmem_shared>> -> memref<10240x128xf32, #tpu.memory_space<vmem_shared>>
      tpu.wait_indirect_dma semaphore(%run_scoped3A_139 : memref<!tpu.dma_semaphore, #tpu.memory_space<semaphore_mem>>) src(%dma_wait3A_153 : memref<80x128xf32, #tpu.memory_space<vmem>>) dst(%dma_wait3A_159 : memref<10240x128xf32, #tpu.memory_space<vmem_shared>>)
      tpu.yield
    }) : () -> ()
    %add3A_110 = arith.constant 9920 : i32
    %add3A_111 = arith.addi %mul3A_2, %add3A_110 : i32
    %multiple_of3A_112 = tpu.assume_multiple %add3A_111, 8 : i32
    %dma_wait3A_113 = arith.constant 1 : i32
    %dma_wait3A_114 = arith.constant 0 : i32
    %dma_wait3A_115 = tpu.memref_slice %arg7[%dma_wait3A_113, %dma_wait3A_114] : memref<3x80xi32, #tpu.memory_space<vmem>> -> memref<1x80xi32, #tpu.memory_space<vmem>>
    %dma_wait3A_116 = tpu.memref_squeeze %dma_wait3A_115 : memref<1x80xi32, #tpu.memory_space<vmem>> -> memref<80xi32, #tpu.memory_space<vmem>>
    %dma_wait3A_117 = tpu.memref_slice %arg3[%multiple_of3A_112] : memref<320000xi32, #tpu.memory_space<hbm>> -> memref<80xi32, #tpu.memory_space<hbm>>
    %dma_wait3A_118 = arith.constant 0 : i32
    %dma_wait3A_119 = tpu.memref_slice %arg7[%dma_wait3A_113, %dma_wait3A_118] : memref<3x80xi32, #tpu.memory_space<vmem>> -> memref<1x80xi32, #tpu.memory_space<vmem>>
    %dma_wait3A_120 = tpu.memref_squeeze %dma_wait3A_119 : memref<1x80xi32, #tpu.memory_space<vmem>> -> memref<80xi32, #tpu.memory_space<vmem>>
    %dma_wait3A_121 = tpu.memref_slice %arg3[%multiple_of3A_112] : memref<320000xi32, #tpu.memory_space<hbm>> -> memref<80xi32, #tpu.memory_space<hbm>>
    tpu.wait_dma2 semaphore(%arg12 : memref<!tpu.dma_semaphore, #tpu.memory_space<semaphore_mem>>) src(%dma_wait3A_121 : memref<80xi32, #tpu.memory_space<hbm>>) dst(%dma_wait3A_120 : memref<80xi32, #tpu.memory_space<vmem>>)
    %dma_wait3A_122 = arith.constant 1 : i32
    %dma_wait3A_123 = arith.constant 0 : i32
    %dma_wait3A_124 = arith.constant 0 : i32
    %dma_wait3A_125 = tpu.memref_slice %arg8[%dma_wait3A_122, %dma_wait3A_123, %dma_wait3A_124] : memref<3x80x128xf32, #tpu.memory_space<vmem>> -> memref<1x80x128xf32, #tpu.memory_space<vmem>>
    %dma_wait3A_126 = tpu.memref_squeeze %dma_wait3A_125 : memref<1x80x128xf32, #tpu.memory_space<vmem>> -> memref<80x128xf32, #tpu.memory_space<vmem>>
    %dma_wait3A_127 = arith.constant 9920 : i32
    %dma_wait3A_128 = tpu.memref_slice %arg6[%dma_wait3A_127] : memref<10000xi32, #tpu.memory_space<vmem>> -> memref<80xi32, #tpu.memory_space<vmem>>
    %dma_wait3A_129 = arith.constant 0 : i32
    %dma_wait3A_130 = arith.constant 0 : i32
    %dma_wait3A_131 = tpu.memref_slice %arg4[%dma_wait3A_129, %dma_wait3A_130] : memref<10000x128xf32, #tpu.memory_space<hbm>> -> memref<10000x128xf32, #tpu.memory_space<hbm>>
    tpu.wait_indirect_dma semaphore(%arg12 : memref<!tpu.dma_semaphore, #tpu.memory_space<semaphore_mem>>) src(%dma_wait3A_131 : memref<10000x128xf32, #tpu.memory_space<hbm>>) dst(%dma_wait3A_126 : memref<80x128xf32, #tpu.memory_space<vmem>>)
    %run_scoped3A_132 = arith.constant 1 : i32
    %run_scoped3A_133 = arith.constant 1 : i32
    "tpu.region"() ({
      %run_scoped3A_139 = tpu.sem_alloc : memref<!tpu.dma_semaphore, #tpu.memory_space<semaphore_mem>>
      %dma_start3A_140 = arith.constant 0 : i32
      %dma_start3A_141 = arith.constant 0 : i32
      %dma_start3A_142 = tpu.memref_slice %arg8[%run_scoped3A_132, %dma_start3A_140, %dma_start3A_141] : memref<3x80x128xf32, #tpu.memory_space<vmem>> -> memref<1x80x128xf32, #tpu.memory_space<vmem>>
      %dma_start3A_143 = tpu.memref_squeeze %dma_start3A_142 : memref<1x80x128xf32, #tpu.memory_space<vmem>> -> memref<80x128xf32, #tpu.memory_space<vmem>>
      %dma_start3A_144 = arith.constant 0 : i32
      %dma_start3A_145 = tpu.memref_slice %arg7[%run_scoped3A_133, %dma_start3A_144] : memref<3x80xi32, #tpu.memory_space<vmem>> -> memref<1x80xi32, #tpu.memory_space<vmem>>
      %dma_start3A_146 = tpu.memref_squeeze %dma_start3A_145 : memref<1x80xi32, #tpu.memory_space<vmem>> -> memref<80xi32, #tpu.memory_space<vmem>>
      %dma_start3A_147 = arith.constant 0 : i32
      %dma_start3A_148 = arith.constant 0 : i32
      %dma_start3A_149 = tpu.memref_slice %arg10[%dma_start3A_147, %dma_start3A_148] : memref<10240x128xf32, #tpu.memory_space<vmem_shared>> -> memref<10240x128xf32, #tpu.memory_space<vmem_shared>>
      tpu.enqueue_indirect_dma source(%dma_start3A_143 : memref<80x128xf32, #tpu.memory_space<vmem>>) target(%dma_start3A_149 : memref<10240x128xf32, #tpu.memory_space<vmem_shared>>) offsets(%dma_start3A_146 : memref<80xi32, #tpu.memory_space<vmem>>) semaphore(%run_scoped3A_139 : memref<!tpu.dma_semaphore, #tpu.memory_space<semaphore_mem>>) {add = true}
      %dma_wait3A_150 = arith.constant 0 : i32
      %dma_wait3A_151 = arith.constant 0 : i32
      %dma_wait3A_152 = tpu.memref_slice %arg8[%run_scoped3A_132, %dma_wait3A_150, %dma_wait3A_151] : memref<3x80x128xf32, #tpu.memory_space<vmem>> -> memref<1x80x128xf32, #tpu.memory_space<vmem>>
      %dma_wait3A_153 = tpu.memref_squeeze %dma_wait3A_152 : memref<1x80x128xf32, #tpu.memory_space<vmem>> -> memref<80x128xf32, #tpu.memory_space<vmem>>
      %dma_wait3A_154 = arith.constant 0 : i32
      %dma_wait3A_155 = tpu.memref_slice %arg7[%run_scoped3A_133, %dma_wait3A_154] : memref<3x80xi32, #tpu.memory_space<vmem>> -> memref<1x80xi32, #tpu.memory_space<vmem>>
      %dma_wait3A_156 = tpu.memref_squeeze %dma_wait3A_155 : memref<1x80xi32, #tpu.memory_space<vmem>> -> memref<80xi32, #tpu.memory_space<vmem>>
      %dma_wait3A_157 = arith.constant 0 : i32
      %dma_wait3A_158 = arith.constant 0 : i32
      %dma_wait3A_159 = tpu.memref_slice %arg10[%dma_wait3A_157, %dma_wait3A_158] : memref<10240x128xf32, #tpu.memory_space<vmem_shared>> -> memref<10240x128xf32, #tpu.memory_space<vmem_shared>>
      tpu.wait_indirect_dma semaphore(%run_scoped3A_139 : memref<!tpu.dma_semaphore, #tpu.memory_space<semaphore_mem>>) src(%dma_wait3A_153 : memref<80x128xf32, #tpu.memory_space<vmem>>) dst(%dma_wait3A_159 : memref<10240x128xf32, #tpu.memory_space<vmem_shared>>)
      tpu.yield
    }) : () -> ()
    %barrier3A_134 = arith.constant 0 : index
    tpu.barrier barrier_id(%barrier3A_134)
    %mul3A_135 = arith.constant 640 : i32
    %mul3A_136 = arith.muli %arg1, %mul3A_135 : i32
    %mul3A_137 = arith.constant 640 : i32
    %mul3A_138 = arith.muli %arg1, %mul3A_137 : i32
    "tpu.region"() ({
      %run_scoped3A_139 = tpu.sem_alloc : memref<!tpu.dma_semaphore, #tpu.memory_space<semaphore_mem>>
      %dma_start3A_140 = arith.constant 0 : i32
      %dma_start3A_141 = tpu.memref_slice %arg5[%arg0, %mul3A_138, %dma_start3A_140] : memref<2x10240x128xf32, #tpu.memory_space<hbm>> -> memref<1x640x128xf32, #tpu.memory_space<hbm>>
      %dma_start3A_142 = tpu.memref_squeeze %dma_start3A_141 : memref<1x640x128xf32, #tpu.memory_space<hbm>> -> memref<640x128xf32, #tpu.memory_space<hbm>>
      %dma_start3A_143 = arith.constant 0 : i32
      %dma_start3A_144 = tpu.memref_slice %arg10[%mul3A_136, %dma_start3A_143] : memref<10240x128xf32, #tpu.memory_space<vmem_shared>> -> memref<640x128xf32, #tpu.memory_space<vmem_shared>>
      tpu.enqueue_dma source(%dma_start3A_144 : memref<640x128xf32, #tpu.memory_space<vmem_shared>>) target(%dma_start3A_142 : memref<640x128xf32, #tpu.memory_space<hbm>>) target_semaphore(%run_scoped3A_139 : memref<!tpu.dma_semaphore, #tpu.memory_space<semaphore_mem>>)
      %dma_wait3A_145 = arith.constant 0 : i32
      %dma_wait3A_146 = tpu.memref_slice %arg5[%arg0, %mul3A_138, %dma_wait3A_145] : memref<2x10240x128xf32, #tpu.memory_space<hbm>> -> memref<1x640x128xf32, #tpu.memory_space<hbm>>
      %dma_wait3A_147 = tpu.memref_squeeze %dma_wait3A_146 : memref<1x640x128xf32, #tpu.memory_space<hbm>> -> memref<640x128xf32, #tpu.memory_space<hbm>>
      %dma_wait3A_148 = arith.constant 0 : i32
      %dma_wait3A_149 = tpu.memref_slice %arg10[%mul3A_136, %dma_wait3A_148] : memref<10240x128xf32, #tpu.memory_space<vmem_shared>> -> memref<640x128xf32, #tpu.memory_space<vmem_shared>>
      tpu.wait_dma2 semaphore(%run_scoped3A_139 : memref<!tpu.dma_semaphore, #tpu.memory_space<semaphore_mem>>) src(%dma_wait3A_149 : memref<640x128xf32, #tpu.memory_space<vmem_shared>>) dst(%dma_wait3A_147 : memref<640x128xf32, #tpu.memory_space<hbm>>)
      tpu.yield
    }) : () -> ()
    return
  }
}

module attributes {stable_mosaic.version = 14 : i64} {
  func.func @_mm1_body(%arg0: i32, %arg1: memref<10000x128xf32, #tpu.memory_space<vmem>>, %arg2: memref<10000x2xf32, #tpu.memory_space<vmem>>, %arg3: memref<128x128xf32, #tpu.memory_space<vmem>>, %arg4: memref<10000x128xf32, #tpu.memory_space<vmem>>) attributes {dimension_semantics = [#tpu.dimension_semantics<arbitrary>], iteration_bounds = array<i64: 1>, scalar_prefetch = 0 : i64, scratch_operands = 0 : i64, tpu.core_type = #tpu.core_type<tc>, window_params = [{transform_indices = @transform_0, window_bounds = array<i64: 10000, 128>}, {transform_indices = @transform_1, window_bounds = array<i64: 10000, 2>}, {pipeline_mode = #tpu.pipeline_mode<synchronous>, transform_indices = @transform_2, window_bounds = array<i64: 128, 128>}, {transform_indices = @transform_3, window_bounds = array<i64: 10000, 128>}]} {
    %get3A = arith.constant 0 : index
    %get3A_0 = arith.constant 0 : index
    %get3A_1 = vector.load %arg2[%get3A, %get3A_0] : memref<10000x2xf32, #tpu.memory_space<vmem>>, vector<10000x2xf32>
    %slice3A = vector.extract_strided_slice %get3A_1 {offsets = [0, 0], sizes = [10000, 1], strides = [1, 1]} : vector<10000x2xf32> to vector<10000x1xf32>
    %slice3A_2 = vector.extract_strided_slice %get3A_1 {offsets = [0, 1], sizes = [10000, 1], strides = [1, 1]} : vector<10000x2xf32> to vector<10000x1xf32>
    %add3A = arith.addf %slice3A, %slice3A_2 : vector<10000x1xf32>
    %add3A_3 = arith.constant 1.000000e+00 : f32
    %add3A_4 = vector.broadcast %add3A_3 : f32 to vector<10000x1xf32>
    %add3A_5 = arith.addf %add3A, %add3A_4 : vector<10000x1xf32>
    %rsqrt3A = math.rsqrt %add3A_5 : vector<10000x1xf32>
    %get3A_6 = arith.constant 0 : index
    %get3A_7 = arith.constant 0 : index
    %get3A_8 = vector.load %arg1[%get3A_6, %get3A_7] : memref<10000x128xf32, #tpu.memory_space<vmem>>, vector<10000x128xf32>
    %get3A_9 = arith.constant 0 : index
    %get3A_10 = arith.constant 0 : index
    %get3A_11 = vector.load %arg3[%get3A_9, %get3A_10] : memref<128x128xf32, #tpu.memory_space<vmem>>, vector<128x128xf32>
    %dot_general3A = arith.constant dense<0.000000e+00> : vector<10000x128xf32>
    %dot_general3A_12 = tpu.matmul %get3A_8, %get3A_11, %dot_general3A {dimension_numbers = #tpu.dot_dimension_numbers<[1], [0], [0], [1], [0, 0, 1, 1], [], []>, transpose_lhs_hint = false} : vector<10000x128xf32>, vector<128x128xf32>, vector<10000x128xf32> -> vector<10000x128xf32>
    %mul3A = vector.broadcast %rsqrt3A : vector<10000x1xf32> to vector<10000x128xf32>
    %mul3A_13 = arith.mulf %dot_general3A_12, %mul3A : vector<10000x128xf32>
    %swap3A = arith.constant 0 : index
    %swap3A_14 = arith.constant 0 : index
    %swap3A_15 = vector.load %arg4[%swap3A, %swap3A_14] : memref<10000x128xf32, #tpu.memory_space<vmem>>, vector<10000x128xf32>
    tpu.vector_store %arg4[%swap3A, %swap3A_14], %mul3A_13 {strides = array<i32>} : memref<10000x128xf32, #tpu.memory_space<vmem>>, vector<10000x128xf32>,
    return
  }
  func.func @transform_0(%arg0: i32) -> (i32, i32) {
    %c0_i32 = arith.constant 0 : i32
    %c0_i32_0 = arith.constant 0 : i32
    return %arg0, %c0_i32 : i32, i32
  }
  func.func @transform_1(%arg0: i32) -> (i32, i32) {
    %c0_i32 = arith.constant 0 : i32
    %c0_i32_0 = arith.constant 0 : i32
    return %arg0, %c0_i32 : i32, i32
  }
  func.func @transform_2(%arg0: i32) -> (i32, i32) {
    %c0_i32 = arith.constant 0 : i32
    %c0_i32_0 = arith.constant 0 : i32
    %c0_i32_1 = arith.constant 0 : i32
    return %c0_i32, %c0_i32_0 : i32, i32
  }
  func.func @transform_3(%arg0: i32) -> (i32, i32) {
    %c0_i32 = arith.constant 0 : i32
    %c0_i32_0 = arith.constant 0 : i32
    return %arg0, %c0_i32 : i32, i32
  }
}

module attributes {stable_mosaic.version = 14 : i64} {
  func.func @_mm2_body(%arg0: i32, %arg1: memref<2x10000x128xf32, #tpu.memory_space<vmem>>, %arg2: memref<10000x2xf32, #tpu.memory_space<vmem>>, %arg3: memref<10000x128xf32, #tpu.memory_space<vmem>>, %arg4: memref<1x128xf32, #tpu.memory_space<vmem>>, %arg5: memref<128x128xf32, #tpu.memory_space<vmem>>, %arg6: memref<10000x128xf32, #tpu.memory_space<vmem>>) attributes {dimension_semantics = [#tpu.dimension_semantics<arbitrary>], iteration_bounds = array<i64: 1>, scalar_prefetch = 0 : i64, scratch_operands = 0 : i64, tpu.core_type = #tpu.core_type<tc>, window_params = [{transform_indices = @transform_0, window_bounds = array<i64: 2, 10000, 128>}, {transform_indices = @transform_1, window_bounds = array<i64: 10000, 2>}, {transform_indices = @transform_2, window_bounds = array<i64: 10000, 128>}, {pipeline_mode = #tpu.pipeline_mode<synchronous>, transform_indices = @transform_3, window_bounds = array<i64: 1, 128>}, {pipeline_mode = #tpu.pipeline_mode<synchronous>, transform_indices = @transform_4, window_bounds = array<i64: 128, 128>}, {transform_indices = @transform_5, window_bounds = array<i64: 10000, 128>}]} {
    %get3A = arith.constant 0 : index
    %get3A_0 = arith.constant 0 : index
    %get3A_1 = vector.load %arg2[%get3A, %get3A_0] : memref<10000x2xf32, #tpu.memory_space<vmem>>, vector<10000x2xf32>
    %slice3A = vector.extract_strided_slice %get3A_1 {offsets = [0, 0], sizes = [10000, 1], strides = [1, 1]} : vector<10000x2xf32> to vector<10000x1xf32>
    %slice3A_2 = vector.extract_strided_slice %get3A_1 {offsets = [0, 1], sizes = [10000, 1], strides = [1, 1]} : vector<10000x2xf32> to vector<10000x1xf32>
    %add3A = arith.addf %slice3A, %slice3A_2 : vector<10000x1xf32>
    %add3A_3 = arith.constant 1.000000e+00 : f32
    %add3A_4 = vector.broadcast %add3A_3 : f32 to vector<10000x1xf32>
    %add3A_5 = arith.addf %add3A, %add3A_4 : vector<10000x1xf32>
    %rsqrt3A = math.rsqrt %add3A_5 : vector<10000x1xf32>
    %get3A_6 = arith.constant 0 : index
    %get3A_7 = arith.constant 0 : index
    %get3A_8 = arith.constant 0 : index
    %get3A_9 = vector.load %arg1[%get3A_6, %get3A_7, %get3A_8] : memref<2x10000x128xf32, #tpu.memory_space<vmem>>, vector<1x10000x128xf32>
    %get3A_10 = vector.shape_cast %get3A_9 : vector<1x10000x128xf32> to vector<10000x128xf32>
    %get3A_11 = arith.constant 1 : index
    %get3A_12 = arith.constant 0 : index
    %get3A_13 = arith.constant 0 : index
    %get3A_14 = vector.load %arg1[%get3A_11, %get3A_12, %get3A_13] : memref<2x10000x128xf32, #tpu.memory_space<vmem>>, vector<1x10000x128xf32>
    %get3A_15 = vector.shape_cast %get3A_14 : vector<1x10000x128xf32> to vector<10000x128xf32>
    %add3A_16 = arith.addf %get3A_10, %get3A_15 : vector<10000x128xf32>
    %get3A_17 = arith.constant 0 : index
    %get3A_18 = arith.constant 0 : index
    %get3A_19 = vector.load %arg3[%get3A_17, %get3A_18] : memref<10000x128xf32, #tpu.memory_space<vmem>>, vector<10000x128xf32>
    %add3A_20 = arith.addf %add3A_16, %get3A_19 : vector<10000x128xf32>
    %mul3A = vector.broadcast %rsqrt3A : vector<10000x1xf32> to vector<10000x128xf32>
    %mul3A_21 = arith.mulf %mul3A, %add3A_20 : vector<10000x128xf32>
    %get3A_22 = arith.constant 0 : index
    %get3A_23 = arith.constant 0 : index
    %get3A_24 = vector.load %arg4[%get3A_22, %get3A_23] : memref<1x128xf32, #tpu.memory_space<vmem>>, vector<1x128xf32>
    %add3A_25 = vector.broadcast %get3A_24 : vector<1x128xf32> to vector<10000x128xf32>
    %add3A_26 = arith.addf %mul3A_21, %add3A_25 : vector<10000x128xf32>
    %max3A = arith.constant 0.000000e+00 : f32
    %max3A_27 = vector.broadcast %max3A : f32 to vector<10000x128xf32>
    %max3A_28 = arith.maximumf %add3A_26, %max3A_27 : vector<10000x128xf32>
    %get3A_29 = arith.constant 0 : index
    %get3A_30 = arith.constant 0 : index
    %get3A_31 = vector.load %arg5[%get3A_29, %get3A_30] : memref<128x128xf32, #tpu.memory_space<vmem>>, vector<128x128xf32>
    %dot_general3A = arith.constant dense<0.000000e+00> : vector<10000x128xf32>
    %dot_general3A_32 = tpu.matmul %max3A_28, %get3A_31, %dot_general3A {dimension_numbers = #tpu.dot_dimension_numbers<[1], [0], [0], [1], [0, 0, 1, 1], [], []>, transpose_lhs_hint = false} : vector<10000x128xf32>, vector<128x128xf32>, vector<10000x128xf32> -> vector<10000x128xf32>
    %mul3A_33 = vector.broadcast %rsqrt3A : vector<10000x1xf32> to vector<10000x128xf32>
    %mul3A_34 = arith.mulf %dot_general3A_32, %mul3A_33 : vector<10000x128xf32>
    %swap3A = arith.constant 0 : index
    %swap3A_35 = arith.constant 0 : index
    %swap3A_36 = vector.load %arg6[%swap3A, %swap3A_35] : memref<10000x128xf32, #tpu.memory_space<vmem>>, vector<10000x128xf32>
    tpu.vector_store %arg6[%swap3A, %swap3A_35], %mul3A_34 {strides = array<i32>} : memref<10000x128xf32, #tpu.memory_space<vmem>>, vector<10000x128xf32>,
    return
  }
  func.func @transform_0(%arg0: i32) -> (i32, i32, i32) {
    %c0_i32 = arith.constant 0 : i32
    %c0_i32_0 = arith.constant 0 : i32
    %c0_i32_1 = arith.constant 0 : i32
    return %c0_i32, %arg0, %c0_i32_0 : i32, i32, i32
  }
  func.func @transform_1(%arg0: i32) -> (i32, i32) {
    %c0_i32 = arith.constant 0 : i32
    %c0_i32_0 = arith.constant 0 : i32
    return %arg0, %c0_i32 : i32, i32
  }
  func.func @transform_2(%arg0: i32) -> (i32, i32) {
    %c0_i32 = arith.constant 0 : i32
    %c0_i32_0 = arith.constant 0 : i32
    return %arg0, %c0_i32 : i32, i32
  }
  func.func @transform_3(%arg0: i32) -> (i32, i32) {
    %c0_i32 = arith.constant 0 : i32
    %c0_i32_0 = arith.constant 0 : i32
    %c0_i32_1 = arith.constant 0 : i32
    return %c0_i32, %c0_i32_0 : i32, i32
  }
  func.func @transform_4(%arg0: i32) -> (i32, i32) {
    %c0_i32 = arith.constant 0 : i32
    %c0_i32_0 = arith.constant 0 : i32
    %c0_i32_1 = arith.constant 0 : i32
    return %c0_i32, %c0_i32_0 : i32, i32
  }
  func.func @transform_5(%arg0: i32) -> (i32, i32) {
    %c0_i32 = arith.constant 0 : i32
    %c0_i32_0 = arith.constant 0 : i32
    return %arg0, %c0_i32 : i32, i32
  }
}

module attributes {stable_mosaic.version = 14 : i64} {
  func.func @_final_body(%arg0: i32, %arg1: memref<2x10000x128xf32, #tpu.memory_space<vmem>>, %arg2: memref<10000x2xf32, #tpu.memory_space<vmem>>, %arg3: memref<10000x128xf32, #tpu.memory_space<vmem>>, %arg4: memref<1x128xf32, #tpu.memory_space<vmem>>, %arg5: memref<10000x1xi32, #tpu.memory_space<vmem>>, %arg6: memref<128x20xf32, #tpu.memory_space<vmem>>, %arg7: memref<1x20xf32, #tpu.memory_space<vmem>>, %arg8: memref<128x1280xf32, #tpu.memory_space<vmem>>, %arg9: memref<1x1280xf32, #tpu.memory_space<vmem>>, %arg10: memref<128x5xf32, #tpu.memory_space<vmem>>, %arg11: memref<1x5xf32, #tpu.memory_space<vmem>>, %arg12: memref<8x20xf32, #tpu.memory_space<vmem>>, %arg13: memref<8x1280xf32, #tpu.memory_space<vmem>>, %arg14: memref<8x5xf32, #tpu.memory_space<vmem>>, %arg15: memref<8x128xf32, #tpu.memory_space<vmem>>, %arg16: memref<8x128xf32, #tpu.memory_space<vmem>>) attributes {dimension_semantics = [#tpu.dimension_semantics<arbitrary>], iteration_bounds = array<i64: 1>, scalar_prefetch = 0 : i64, scratch_operands = 2 : i64, tpu.core_type = #tpu.core_type<tc>, window_params = [{transform_indices = @transform_0, window_bounds = array<i64: 2, 10000, 128>}, {transform_indices = @transform_1, window_bounds = array<i64: 10000, 2>}, {transform_indices = @transform_2, window_bounds = array<i64: 10000, 128>}, {pipeline_mode = #tpu.pipeline_mode<synchronous>, transform_indices = @transform_3, window_bounds = array<i64: 1, 128>}, {transform_indices = @transform_4, window_bounds = array<i64: 10000, 1>}, {pipeline_mode = #tpu.pipeline_mode<synchronous>, transform_indices = @transform_5, window_bounds = array<i64: 128, 20>}, {pipeline_mode = #tpu.pipeline_mode<synchronous>, transform_indices = @transform_6, window_bounds = array<i64: 1, 20>}, {pipeline_mode = #tpu.pipeline_mode<synchronous>, transform_indices = @transform_7, window_bounds = array<i64: 128, 1280>}, {pipeline_mode = #tpu.pipeline_mode<synchronous>, transform_indices = @transform_8, window_bounds = array<i64: 1, 1280>}, {pipeline_mode = #tpu.pipeline_mode<synchronous>, transform_indices = @transform_9, window_bounds = array<i64: 128, 5>}, {pipeline_mode = #tpu.pipeline_mode<synchronous>, transform_indices = @transform_10, window_bounds = array<i64: 1, 5>}, {pipeline_mode = #tpu.pipeline_mode<synchronous>, transform_indices = @transform_11, window_bounds = array<i64: 8, 20>}, {pipeline_mode = #tpu.pipeline_mode<synchronous>, transform_indices = @transform_12, window_bounds = array<i64: 8, 1280>}, {pipeline_mode = #tpu.pipeline_mode<synchronous>, transform_indices = @transform_13, window_bounds = array<i64: 8, 5>}]} {
    %eq3A = arith.constant 0 : i32
    %eq3A_0 = arith.cmpi eq, %arg0, %eq3A : i32
    %convert_element_type3A = arith.extui %eq3A_0 : i1 to i32
    %cond3A = arith.constant 0 : i32
    %cond3A_1 = arith.cmpi ne, %convert_element_type3A, %cond3A : i32
    scf.if %cond3A_1 {
      %broadcast_in_dim3A_60 = arith.constant 0.000000e+00 : f32
      %broadcast_in_dim3A_61 = vector.broadcast %broadcast_in_dim3A_60 : f32 to vector<8x128xf32>
      %swap3A_62 = arith.constant 0 : index
      %swap3A_63 = arith.constant 0 : index
      %swap3A_64 = vector.load %arg15[%swap3A_62, %swap3A_63] : memref<8x128xf32, #tpu.memory_space<vmem>>, vector<8x128xf32>
      tpu.vector_store %arg15[%swap3A_62, %swap3A_63], %broadcast_in_dim3A_61 {strides = array<i32>} : memref<8x128xf32, #tpu.memory_space<vmem>>, vector<8x128xf32>,
      %broadcast_in_dim3A_65 = arith.constant 0.000000e+00 : f32
      %broadcast_in_dim3A_66 = vector.broadcast %broadcast_in_dim3A_65 : f32 to vector<8x128xf32>
      %swap3A_67 = arith.constant 0 : index
      %swap3A_68 = arith.constant 0 : index
      %swap3A_69 = vector.load %arg16[%swap3A_67, %swap3A_68] : memref<8x128xf32, #tpu.memory_space<vmem>>, vector<8x128xf32>
      tpu.vector_store %arg16[%swap3A_67, %swap3A_68], %broadcast_in_dim3A_66 {strides = array<i32>} : memref<8x128xf32, #tpu.memory_space<vmem>>, vector<8x128xf32>,
    } else {
    }
    %get3A = arith.constant 0 : index
    %get3A_2 = arith.constant 0 : index
    %get3A_3 = vector.load %arg2[%get3A, %get3A_2] : memref<10000x2xf32, #tpu.memory_space<vmem>>, vector<10000x2xf32>
    %slice3A = vector.extract_strided_slice %get3A_3 {offsets = [0, 0], sizes = [10000, 1], strides = [1, 1]} : vector<10000x2xf32> to vector<10000x1xf32>
    %slice3A_4 = vector.extract_strided_slice %get3A_3 {offsets = [0, 1], sizes = [10000, 1], strides = [1, 1]} : vector<10000x2xf32> to vector<10000x1xf32>
    %add3A = arith.addf %slice3A, %slice3A_4 : vector<10000x1xf32>
    %add3A_5 = arith.constant 1.000000e+00 : f32
    %add3A_6 = vector.broadcast %add3A_5 : f32 to vector<10000x1xf32>
    %add3A_7 = arith.addf %add3A, %add3A_6 : vector<10000x1xf32>
    %rsqrt3A = math.rsqrt %add3A_7 : vector<10000x1xf32>
    %get3A_8 = arith.constant 0 : index
    %get3A_9 = arith.constant 0 : index
    %get3A_10 = arith.constant 0 : index
    %get3A_11 = vector.load %arg1[%get3A_8, %get3A_9, %get3A_10] : memref<2x10000x128xf32, #tpu.memory_space<vmem>>, vector<1x10000x128xf32>
    %get3A_12 = vector.shape_cast %get3A_11 : vector<1x10000x128xf32> to vector<10000x128xf32>
    %get3A_13 = arith.constant 1 : index
    %get3A_14 = arith.constant 0 : index
    %get3A_15 = arith.constant 0 : index
    %get3A_16 = vector.load %arg1[%get3A_13, %get3A_14, %get3A_15] : memref<2x10000x128xf32, #tpu.memory_space<vmem>>, vector<1x10000x128xf32>
    %get3A_17 = vector.shape_cast %get3A_16 : vector<1x10000x128xf32> to vector<10000x128xf32>
    %add3A_18 = arith.addf %get3A_12, %get3A_17 : vector<10000x128xf32>
    %get3A_19 = arith.constant 0 : index
    %get3A_20 = arith.constant 0 : index
    %get3A_21 = vector.load %arg3[%get3A_19, %get3A_20] : memref<10000x128xf32, #tpu.memory_space<vmem>>, vector<10000x128xf32>
    %add3A_22 = arith.addf %add3A_18, %get3A_21 : vector<10000x128xf32>
    %mul3A = vector.broadcast %rsqrt3A : vector<10000x1xf32> to vector<10000x128xf32>
    %mul3A_23 = arith.mulf %mul3A, %add3A_22 : vector<10000x128xf32>
    %get3A_24 = arith.constant 0 : index
    %get3A_25 = arith.constant 0 : index
    %get3A_26 = vector.load %arg4[%get3A_24, %get3A_25] : memref<1x128xf32, #tpu.memory_space<vmem>>, vector<1x128xf32>
    %add3A_27 = vector.broadcast %get3A_26 : vector<1x128xf32> to vector<10000x128xf32>
    %add3A_28 = arith.addf %mul3A_23, %add3A_27 : vector<10000x128xf32>
    %max3A = arith.constant 0.000000e+00 : f32
    %max3A_29 = vector.broadcast %max3A : f32 to vector<10000x128xf32>
    %max3A_30 = arith.maximumf %add3A_28, %max3A_29 : vector<10000x128xf32>
    %iota3A = tpu.iota {dimensions = array<i32: 1>} : vector<10000x8xi32>
    %get3A_31 = arith.constant 0 : index
    %get3A_32 = arith.constant 0 : index
    %get3A_33 = vector.load %arg5[%get3A_31, %get3A_32] : memref<10000x1xi32, #tpu.memory_space<vmem>>, vector<10000x1xi32>
    %eq3A_34 = vector.broadcast %get3A_33 : vector<10000x1xi32> to vector<10000x8xi32>
    %eq3A_35 = arith.cmpi eq, %eq3A_34, %iota3A : vector<10000x8xi32>
    %convert_element_type3A_36 = arith.extui %eq3A_35 : vector<10000x8xi1> to vector<10000x8xi32>
    %convert_element_type3A_37 = arith.sitofp %convert_element_type3A_36 : vector<10000x8xi32> to vector<10000x8xf32>
    %get3A_38 = arith.constant 0 : index
    %get3A_39 = arith.constant 0 : index
    %get3A_40 = vector.load %arg15[%get3A_38, %get3A_39] : memref<8x128xf32, #tpu.memory_space<vmem>>, vector<8x128xf32>
    %dot_general3A = arith.constant dense<0.000000e+00> : vector<8x128xf32>
    %dot_general3A_41 = tpu.matmul %convert_element_type3A_37, %max3A_30, %dot_general3A {dimension_numbers = #tpu.dot_dimension_numbers<[0], [0], [1], [1], [0, 1, 1, 1], [], []>, transpose_lhs_hint = false} : vector<10000x8xf32>, vector<10000x128xf32>, vector<8x128xf32> -> vector<8x128xf32>
    %add3A_42 = arith.addf %get3A_40, %dot_general3A_41 : vector<8x128xf32>
    %swap3A = arith.constant 0 : index
    %swap3A_43 = arith.constant 0 : index
    %swap3A_44 = vector.load %arg15[%swap3A, %swap3A_43] : memref<8x128xf32, #tpu.memory_space<vmem>>, vector<8x128xf32>
    tpu.vector_store %arg15[%swap3A, %swap3A_43], %add3A_42 {strides = array<i32>} : memref<8x128xf32, #tpu.memory_space<vmem>>, vector<8x128xf32>,
    %reduce_sum3A = arith.constant dense<0.000000e+00> : vector<8xf32>
    %reduce_sum3A_45 = vector.multi_reduction <add>, %convert_element_type3A_37, %reduce_sum3A [0] : vector<10000x8xf32> to vector<8xf32>
    %get3A_46 = arith.constant 0 : index
    %get3A_47 = arith.constant 0 : index
    %get3A_48 = vector.load %arg16[%get3A_46, %get3A_47] : memref<8x128xf32, #tpu.memory_space<vmem>>, vector<8x128xf32>
    %broadcast_in_dim3A = vector.shape_cast %reduce_sum3A_45 : vector<8xf32> to vector<8x1xf32>
    %broadcast_in_dim3A_49 = vector.shape_cast %broadcast_in_dim3A : vector<8x1xf32> to vector<8x1xf32>
    %broadcast_in_dim3A_50 = vector.broadcast %broadcast_in_dim3A_49 : vector<8x1xf32> to vector<8x128xf32>
    %add3A_51 = arith.addf %get3A_48, %broadcast_in_dim3A_50 : vector<8x128xf32>
    %swap3A_52 = arith.constant 0 : index
    %swap3A_53 = arith.constant 0 : index
    %swap3A_54 = vector.load %arg16[%swap3A_52, %swap3A_53] : memref<8x128xf32, #tpu.memory_space<vmem>>, vector<8x128xf32>
    tpu.vector_store %arg16[%swap3A_52, %swap3A_53], %add3A_51 {strides = array<i32>} : memref<8x128xf32, #tpu.memory_space<vmem>>, vector<8x128xf32>,
    %eq3A_55 = arith.constant 0 : i32
    %eq3A_56 = arith.cmpi eq, %arg0, %eq3A_55 : i32
    %convert_element_type3A_57 = arith.extui %eq3A_56 : i1 to i32
    %cond3A_58 = arith.constant 0 : i32
    %cond3A_59 = arith.cmpi ne, %convert_element_type3A_57, %cond3A_58 : i32
    scf.if %cond3A_59 {
      %get3A_60 = arith.constant 0 : index
      %get3A_61 = arith.constant 0 : index
      %get3A_62 = vector.load %arg15[%get3A_60, %get3A_61] : memref<8x128xf32, #tpu.memory_space<vmem>>, vector<8x128xf32>
      %get3A_63 = arith.constant 0 : index
      %get3A_64 = arith.constant 0 : index
      %get3A_65 = vector.load %arg16[%get3A_63, %get3A_64] : memref<8x128xf32, #tpu.memory_space<vmem>>, vector<8x128xf32>
      %max3A_66 = arith.constant 1.000000e+00 : f32
      %max3A_67 = vector.broadcast %max3A_66 : f32 to vector<8x128xf32>
      %max3A_68 = arith.maximumf %get3A_65, %max3A_67 : vector<8x128xf32>
      %div3A = arith.divf %get3A_62, %max3A_68 : vector<8x128xf32>
      %get3A_69 = arith.constant 0 : index
      %get3A_70 = arith.constant 0 : index
      %get3A_71 = vector.load %arg6[%get3A_69, %get3A_70] : memref<128x20xf32, #tpu.memory_space<vmem>>, vector<128x20xf32>
      %dot_general3A_72 = arith.constant dense<0.000000e+00> : vector<8x20xf32>
      %dot_general3A_73 = tpu.matmul %div3A, %get3A_71, %dot_general3A_72 {dimension_numbers = #tpu.dot_dimension_numbers<[1], [0], [0], [1], [0, 0, 1, 1], [], []>, transpose_lhs_hint = false} : vector<8x128xf32>, vector<128x20xf32>, vector<8x20xf32> -> vector<8x20xf32>
      %get3A_74 = arith.constant 0 : index
      %get3A_75 = arith.constant 0 : index
      %get3A_76 = vector.load %arg7[%get3A_74, %get3A_75] : memref<1x20xf32, #tpu.memory_space<vmem>>, vector<1x20xf32>
      %add3A_77 = vector.broadcast %get3A_76 : vector<1x20xf32> to vector<8x20xf32>
      %add3A_78 = arith.addf %dot_general3A_73, %add3A_77 : vector<8x20xf32>
      %logistic3A = arith.negf %add3A_78 : vector<8x20xf32>
      %logistic3A_79 = math.exp %logistic3A : vector<8x20xf32>
      %logistic3A_80 = arith.constant 1.000000e+00 : f32
      %logistic3A_81 = vector.broadcast %logistic3A_80 : f32 to vector<8x20xf32>
      %logistic3A_82 = arith.addf %logistic3A_81, %logistic3A_79 : vector<8x20xf32>
      %logistic3A_83 = arith.divf %logistic3A_81, %logistic3A_82 : vector<8x20xf32>
      %swap3A_84 = arith.constant 0 : index
      %swap3A_85 = arith.constant 0 : index
      %swap3A_86 = vector.load %arg12[%swap3A_84, %swap3A_85] : memref<8x20xf32, #tpu.memory_space<vmem>>, vector<8x20xf32>
      tpu.vector_store %arg12[%swap3A_84, %swap3A_85], %logistic3A_83 {strides = array<i32>} : memref<8x20xf32, #tpu.memory_space<vmem>>, vector<8x20xf32>,
      %get3A_87 = arith.constant 0 : index
      %get3A_88 = arith.constant 0 : index
      %get3A_89 = vector.load %arg8[%get3A_87, %get3A_88] : memref<128x1280xf32, #tpu.memory_space<vmem>>, vector<128x1280xf32>
      %dot_general3A_90 = arith.constant dense<0.000000e+00> : vector<8x1280xf32>
      %dot_general3A_91 = tpu.matmul %div3A, %get3A_89, %dot_general3A_90 {dimension_numbers = #tpu.dot_dimension_numbers<[1], [0], [0], [1], [0, 0, 1, 1], [], []>, transpose_lhs_hint = false} : vector<8x128xf32>, vector<128x1280xf32>, vector<8x1280xf32> -> vector<8x1280xf32>
      %get3A_92 = arith.constant 0 : index
      %get3A_93 = arith.constant 0 : index
      %get3A_94 = vector.load %arg9[%get3A_92, %get3A_93] : memref<1x1280xf32, #tpu.memory_space<vmem>>, vector<1x1280xf32>
      %add3A_95 = vector.broadcast %get3A_94 : vector<1x1280xf32> to vector<8x1280xf32>
      %add3A_96 = arith.addf %dot_general3A_91, %add3A_95 : vector<8x1280xf32>
      %swap3A_97 = arith.constant 0 : index
      %swap3A_98 = arith.constant 0 : index
      %swap3A_99 = vector.load %arg13[%swap3A_97, %swap3A_98] : memref<8x1280xf32, #tpu.memory_space<vmem>>, vector<8x1280xf32>
      tpu.vector_store %arg13[%swap3A_97, %swap3A_98], %add3A_96 {strides = array<i32>} : memref<8x1280xf32, #tpu.memory_space<vmem>>, vector<8x1280xf32>,
      %get3A_100 = arith.constant 0 : index
      %get3A_101 = arith.constant 0 : index
      %get3A_102 = vector.load %arg10[%get3A_100, %get3A_101] : memref<128x5xf32, #tpu.memory_space<vmem>>, vector<128x5xf32>
      %dot_general3A_103 = arith.constant dense<0.000000e+00> : vector<8x5xf32>
      %dot_general3A_104 = tpu.matmul %div3A, %get3A_102, %dot_general3A_103 {dimension_numbers = #tpu.dot_dimension_numbers<[1], [0], [0], [1], [0, 0, 1, 1], [], []>, transpose_lhs_hint = false} : vector<8x128xf32>, vector<128x5xf32>, vector<8x5xf32> -> vector<8x5xf32>
      %get3A_105 = arith.constant 0 : index
      %get3A_106 = arith.constant 0 : index
      %get3A_107 = vector.load %arg11[%get3A_105, %get3A_106] : memref<1x5xf32, #tpu.memory_space<vmem>>, vector<1x5xf32>
      %add3A_108 = vector.broadcast %get3A_107 : vector<1x5xf32> to vector<8x5xf32>
      %add3A_109 = arith.addf %dot_general3A_104, %add3A_108 : vector<8x5xf32>
      %swap3A_110 = arith.constant 0 : index
      %swap3A_111 = arith.constant 0 : index
      %swap3A_112 = vector.load %arg14[%swap3A_110, %swap3A_111] : memref<8x5xf32, #tpu.memory_space<vmem>>, vector<8x5xf32>
      tpu.vector_store %arg14[%swap3A_110, %swap3A_111], %add3A_109 {strides = array<i32>} : memref<8x5xf32, #tpu.memory_space<vmem>>, vector<8x5xf32>,
    } else {
    }
    return
  }
  func.func @transform_0(%arg0: i32) -> (i32, i32, i32) {
    %c0_i32 = arith.constant 0 : i32
    %c0_i32_0 = arith.constant 0 : i32
    %c0_i32_1 = arith.constant 0 : i32
    return %c0_i32, %arg0, %c0_i32_0 : i32, i32, i32
  }
  func.func @transform_1(%arg0: i32) -> (i32, i32) {
    %c0_i32 = arith.constant 0 : i32
    %c0_i32_0 = arith.constant 0 : i32
    return %arg0, %c0_i32 : i32, i32
  }
  func.func @transform_2(%arg0: i32) -> (i32, i32) {
    %c0_i32 = arith.constant 0 : i32
    %c0_i32_0 = arith.constant 0 : i32
    return %arg0, %c0_i32 : i32, i32
  }
  func.func @transform_3(%arg0: i32) -> (i32, i32) {
    %c0_i32 = arith.constant 0 : i32
    %c0_i32_0 = arith.constant 0 : i32
    %c0_i32_1 = arith.constant 0 : i32
    return %c0_i32, %c0_i32_0 : i32, i32
  }
  func.func @transform_4(%arg0: i32) -> (i32, i32) {
    %c0_i32 = arith.constant 0 : i32
    %c0_i32_0 = arith.constant 0 : i32
    return %arg0, %c0_i32 : i32, i32
  }
  func.func @transform_5(%arg0: i32) -> (i32, i32) {
    %c0_i32 = arith.constant 0 : i32
    %c0_i32_0 = arith.constant 0 : i32
    %c0_i32_1 = arith.constant 0 : i32
    return %c0_i32, %c0_i32_0 : i32, i32
  }
  func.func @transform_6(%arg0: i32) -> (i32, i32) {
    %c0_i32 = arith.constant 0 : i32
    %c0_i32_0 = arith.constant 0 : i32
    %c0_i32_1 = arith.constant 0 : i32
    return %c0_i32, %c0_i32_0 : i32, i32
  }
  func.func @transform_7(%arg0: i32) -> (i32, i32) {
    %c0_i32 = arith.constant 0 : i32
    %c0_i32_0 = arith.constant 0 : i32
    %c0_i32_1 = arith.constant 0 : i32
    return %c0_i32, %c0_i32_0 : i32, i32
  }
  func.func @transform_8(%arg0: i32) -> (i32, i32) {
    %c0_i32 = arith.constant 0 : i32
    %c0_i32_0 = arith.constant 0 : i32
    %c0_i32_1 = arith.constant 0 : i32
    return %c0_i32, %c0_i32_0 : i32, i32
  }
  func.func @transform_9(%arg0: i32) -> (i32, i32) {
    %c0_i32 = arith.constant 0 : i32
    %c0_i32_0 = arith.constant 0 : i32
    %c0_i32_1 = arith.constant 0 : i32
    return %c0_i32, %c0_i32_0 : i32, i32
  }
  func.func @transform_10(%arg0: i32) -> (i32, i32) {
    %c0_i32 = arith.constant 0 : i32
    %c0_i32_0 = arith.constant 0 : i32
    %c0_i32_1 = arith.constant 0 : i32
    return %c0_i32, %c0_i32_0 : i32, i32
  }
  func.func @transform_11(%arg0: i32) -> (i32, i32) {
    %c0_i32 = arith.constant 0 : i32
    %c0_i32_0 = arith.constant 0 : i32
    %c0_i32_1 = arith.constant 0 : i32
    return %c0_i32, %c0_i32_0 : i32, i32
  }
  func.func @transform_12(%arg0: i32) -> (i32, i32) {
    %c0_i32 = arith.constant 0 : i32
    %c0_i32_0 = arith.constant 0 : i32
    %c0_i32_1 = arith.constant 0 : i32
    return %c0_i32, %c0_i32_0 : i32, i32
  }
  func.func @transform_13(%arg0: i32) -> (i32, i32) {
    %c0_i32 = arith.constant 0 : i32
    %c0_i32_0 = arith.constant 0 : i32
    %c0_i32_1 = arith.constant 0 : i32
    return %c0_i32, %c0_i32_0 : i32, i32
  }
}

</mosaic_0001>

<sc_bundles>
// kernel: kernel.11.cloned.1.call-start
scs
__scs_entry_jumppad:
0x0: {  	(pc) =	sbr.rel $0x88, $3  }
0x1: {  	(tag) =	ssettag $0x0;
	lr =	simm.s32 $0x1  }
0x2: {  	[smem:$0x3F94] =	sst lr;
	_ =	strace $0xD0000000  }
0x3: {  	_ = 	snop  }
0x4: {  	_ = 	snop  }
0x5: {  	_ = 	snop  }
0x6: {  	_ = 	snop  }
0x7: {  	_ = 	snop  }
__scs_overlays_trampoline_lowered:
0x8: {  	[smem:$0x3FA3] =	sst s0  }
0x9: {  	[smem:$0x3FA4] =	sst s1  }
0xa: {  	[smem:$0x3FA5] =	sst s2  }
0xb: {  	[smem:$0x3FA6] =	sst s3  }
0xc: {  	[smem:$0x3FA7] =	sst s4  }
0xd: {  	[smem:$0x3FA8] =	sst s5  }
0xe: {  	[smem:$0x3FA9] =	sst s6  }
0xf: {  	[smem:$0x3FAA] =	sst s7  }
0x10: {  	[smem:$0x3FAB] =	sst s8  }
0x11: {  	[smem:$0x3FAC] =	sst s9;
	s0 =	simm.s32 @!p0 $0x0  }
0x12: {  	s1 =	sld [smem:$0x3F92];
	s0 =	simm.s32 @p0 $0x1  }
0x13: {  	[smem:$0x3FAD] =	sst s0;
	s0 =	simm.s32 @!p1 $0x0  }
0x14: {  	s2 =	sld [smem:$0x3F91];
	s0 =	simm.s32 @p1 $0x1  }
0x15: {  	[smem:$0x3FAE] =	sst s0;
	s0 =	simm.s32 @!p2 $0x0  }
0x16: {  	s3 =	sld [smem:$0x3FDB];
	s0 =	simm.s32 @p2 $0x1  }
0x17: {  	s4 =	simm.s32 $0x1BF5;
	[smem:$0x3FB0] =	sst s0  }
0x18: {  	s0 =	sld [smem:$0x3F93];
	_ =	swait.ge [sflag:s4], $0x0  }
0x19: {  	s7 =	sld [smem:$0x3F94]  }
0x1a: {  	s8 =	sadd.s32 $0xFFFFE003, lr  }
0x1b: {  	s9 =	sadd.s32 $0xFFFFFEF7, lr;
	s5 =	simm.s32 $0xFFFFFFFF;
	p2 =	slt.u32 s8, $0xFFFFF086  }
0x1c: {  	p1 =	slt.u32 s9, $0xF7A;
	s5 =	simm.s32 @!p2 $0x0  }
0x1d: {  	s5 =	simm.s32 @p1 $0x1;
	p0 =	seq.s32 s7, s2  }
0x1e: {  	s7 =	smul.u32 @!p0 $0xF7A, s2;
	p2 =	seq.s32 @!p0 s5, $0x0  }
0x1f: {  	s9 =	smul.u32 $0xF7A, s1;
	s8 =	simm.s32 @!p0 $0x1BF5;
	p2 =	por !p2, p0  }
0x20: {  	[sflag:s8] =	ssyncset.s32 @!p0 $0xFFFFF086;
	s6 =	sadd.s32 @!p0 s3, s7;
	s7 =	simm.s32 @!p0 $0x108  }
0x21: {  	s3 =	sadd.s32 s3, s9;
	s6 =	sadd.s32 @!p0 $0x88, s6;
	s7 =	simm.s32 @p2 $0x1082  }
0x22: {  	[simem:s7], [sflag:s8] =	dma.local @!p0 [hbm:s6], $0xF7A  }
0x23: {  	s9 =	sor.u32 $0xD0000000, s2;
	s6 =	simm.s32 $0x108;
	_ =	swait.ge @!p0 [sflag:s8], $0x0  }
0x24: {  	s3 =	sadd.s32 $0x88, s3;
	s6 =	simm.s32 @!p1 $0x1082;
	[sflag:s4] =	ssyncset.s32 $0xFFFFF086  }
0x25: {  	[simem:s6], [sflag:s4] =	dma.local [hbm:s3], $0xF7A  }
0x26: {  	[smem:$0x3F94] =	sst s1;
	(tag) =	ssettag s2;
	_ =	strace s9  }
0x27: {  	s1 =	sld [smem:$0x3FA4]  }
0x28: {  	s2 =	sld [smem:$0x3FA5]  }
0x29: {  	s4 =	sld [smem:$0x3FA7]  }
0x2a: {  	p0 =	seq.s32 s5, $0x0;
	s5 =	sld [smem:$0x3FA8]  }
0x2b: {  	s6 =	sld [smem:$0x3FA9]  }
0x2c: {  	s7 =	sld [smem:$0x3FAA]  }
0x2d: {  	s3 =	simm.s32 $0x108;
	s8 =	sld [smem:$0x3FAB]  }
0x2e: {  	s3 =	simm.s32 @!p0 $0x1082;
	s9 =	sld [smem:$0x3FAC]  }
0x2f: {  	lr =	sadd.s32 s0, s3;
	s0 =	sld [smem:$0x3FA3]  }
0x30: {  	s3 =	sld [smem:$0x3FA6]  }
0x31: {  	[smem:$0x3FAF] =	sst s10  }
0x32: {  	s10 =	sld [smem:$0x3FAD];
	_ =	sdelay $0x3  }
0x33: {  	p0 =	seq.s32 s10, $0x1;
	s10 =	sld [smem:$0x3FAF];
	_ =	sdelay $0x3  }
0x34: {  	[smem:$0x3FAF] =	sst s10  }
0x35: {  	s10 =	sld [smem:$0x3FAE];
	_ =	sdelay $0x3  }
0x36: {  	p1 =	seq.s32 s10, $0x1;
	s10 =	sld [smem:$0x3FAF];
	_ =	sdelay $0x3  }
0x37: {  	[smem:$0x3FAF] =	sst s10  }
0x38: {  	s10 =	sld [smem:$0x3FB0]  }
0x39: {  	_ = 	snop;
	(pc) =	sbr.ind lr, $3  }
0x3a: {  	_ = 	snop  }
0x3b: {  	_ = 	snop  }
0x3c: {  	p2 =	seq.s32 s10, $0x1;
	s10 =	sld [smem:$0x3FAF]  }
0x3d: {  	_ =	shalt  }
0x3e: {  	_ =	shalt  }
0x3f: {  	_ =	shalt  }
0x40: {  	_ =	shalt  }
0x41: {  	_ =	shalt  }
0x42: {  	_ =	shalt  }
0x43: {  	_ =	shalt  }
0x44: {  	_ =	shalt  }
0x45: {  	_ =	shalt  }
0x46: {  	_ =	shalt  }
0x47: {  	_ =	shalt  }
0x48: {  	_ =	shalt  }
0x49: {  	_ =	shalt  }
0x4a: {  	_ =	shalt  }
0x4b: {  	_ =	shalt  }
0x4c: {  	_ =	shalt  }
0x4d: {  	_ =	shalt  }
0x4e: {  	_ =	shalt  }
0x4f: {  	_ =	shalt  }
0x50: {  	_ =	shalt  }
0x51: {  	_ =	shalt  }
0x52: {  	_ =	shalt  }
0x53: {  	_ =	shalt  }
0x54: {  	_ =	shalt  }
0x55: {  	_ =	shalt  }
0x56: {  	_ =	shalt  }
0x57: {  	_ =	shalt  }
0x58: {  	_ =	shalt  }
0x59: {  	_ =	shalt  }
0x5a: {  	_ =	shalt  }
0x5b: {  	_ =	shalt  }
0x5c: {  	_ =	shalt  }
0x5d: {  	_ =	shalt  }
0x5e: {  	_ =	shalt  }
0x5f: {  	_ =	shalt  }
0x60: {  	_ =	shalt  }
0x61: {  	_ =	shalt  }
0x62: {  	_ =	shalt  }
0x63: {  	_ =	shalt  }
0x64: {  	_ =	shalt  }
0x65: {  	_ =	shalt  }
0x66: {  	_ =	shalt  }
0x67: {  	_ =	shalt  }
0x68: {  	_ =	shalt  }
0x69: {  	_ =	shalt  }
0x6a: {  	_ =	shalt  }
0x6b: {  	_ =	shalt  }
0x6c: {  	_ =	shalt  }
0x6d: {  	_ =	shalt  }
0x6e: {  	_ =	shalt  }
0x6f: {  	_ =	shalt  }
0x70: {  	_ =	shalt  }
0x71: {  	_ =	shalt  }
0x72: {  	_ =	shalt  }
0x73: {  	_ =	shalt  }
0x74: {  	_ =	shalt  }
0x75: {  	_ =	shalt  }
0x76: {  	_ =	shalt  }
0x77: {  	_ =	shalt  }
0x78: {  	_ =	shalt  }
0x79: {  	_ =	shalt  }
0x7a: {  	_ =	shalt  }
0x7b: {  	_ =	shalt  }
0x7c: {  	_ =	shalt  }
0x7d: {  	_ =	shalt  }
0x7e: {  	_ =	shalt  }
0x7f: {  	_ =	shalt  }
0x80: {  	_ =	shalt  }
0x81: {  	_ =	shalt  }
0x82: {  	_ =	shalt  }
0x83: {  	_ =	shalt  }
0x84: {  	_ =	shalt  }
0x85: {  	_ =	shalt  }
0x86: {  	_ =	shalt  }
0x87: {  	_ =	shalt  }
.Lfunc_end0:
.L_simem_size_0:
called_computation.1_lowered:
.L_overlay_start_0:
0x88: {  	s2 =	sld [smem:$0x3FD9]  }
0x89: {  	s3 =	sld [smem:$0x3FFE];
	_ =	sdelay $0x1  }
0x8a: {  	s1 =	srdreg.scid  }
0x8b: {  	s0 =	sand.u32 $0x1, s1  }
0x8c: {  	s16 =	sshll.u32 s0, $0xA;
	s2 =	sadd.s32 s3, s2  }
0x8d: {  	s2 =	sadd.s32 s2, s16  }
0x8e: {  	[smem:$0x3FBB] =	sst s2  }
0x8f: {  	_ = 	snop  }
0x90: {  	(tm) =	ssettm $0x1  }
0x91: {  	s17 =	sld [smem:$0x3FFB];
	_ =	sdelay $0x3  }
0x92: {  	_ =	strace s17  }
0x93: {  	s2 =	sld [smem:$0x3FFC];
	_ =	sdelay $0x3  }
0x94: {  	_ =	strace s2  }
0x95: {  	s2 =	sld [smem:$0x3FFD];
	_ =	sdelay $0x3  }
0x96: {  	_ =	strace s2  }
0x97: {  	_ =	strace $0x8FFFFFFF  }
0x98: {  	s18 =	sld [smem:$0x3FDB];
	_ =	sdelay $0x1  }
0x99: {  	s19 =	simm.s32 $_scs_section_size  }
0x9a: {  	s4 =	simm.s32 $_size__tile_overlayer_lowered;
	s5 =	simm.s32 $_tile_overlayer_lowered  }
0x9b: {  	s22 =	simm.s32 $0x1BFF;
	s21 =	sshll.u32 s5, $0x1;
	s2 =	sadd.s32 s19, s18  }
0x9c: {  	s6 =	simm.s32 $0x0;
	s20 =	sshll.u32 s4, $0x1;
	s4 =	sadd.s32 s21, s2  }
0x9d: {  	[timem:s6], [sflag:s22] =	dma.local [hbm:s4], s20  }
0x9e: {  	_ =	swait.ge [sflag:s22], s20  }
0x9f: {  	s3 =	ssub.s32 $0x0, s20;
	[sflag:s22] =	ssyncset.done $0x0  }
0xa0: {  	[sflag:s22] =	ssyncadd.s32 s3;
	_ =	sdelay $0x1  }
0xa1: {  	s23 =	simm.s32 $0x1B8B  }
0xa2: {  	_ =	swait.ge [sflag:s23], $0x1  }
0xa3: {  	[sflag:s23] =	ssyncset.done $0x0  }
0xa4: {  	s25 =	simm.s32 $0x1B8E;
	s24 =	sld [smem:$0x3FFE];
	[sflag:s23] =	ssyncadd.s32 $0xFFFFFFFF  }
0xa5: {  	s26 =	simm.s32 $execute0_lowered;
	[smem:$0x3FD2] =	sst s25  }
0xa6: {  	s4 =	sshll.u32 s26, $0x1;
	_ =	strace $0x80000049;
	[dreg:$0x1] =	wrdreg $0xFFFFFFFF  }
0xa7: {  	s28 =	simm.s32 $_size_execute0_lowered;
	s2 =	sadd.s32 s2, s4;
	[dreg:$0x0] =	wrdreg $0x0  }
0xa8: {  	s4 =	sshll.u32 s28, $0x1;
	[dreg:$0x2] =	wrdreg s2  }
0xa9: {  	[dreg:$0x3] =	wrdreg s4  }
0xaa: {  	[dreg:$0x4] =	wrdreg $0xC0  }
0xab: {  	_ =	task [dreg:s6], $0x5FFFF  }
0xac: {  	[dreg:$0x1] =	wrdreg $0xFFFFFFFF  }
0xad: {  	[dreg:$0x0] =	wrdreg $0x60  }
0xae: {  	[dreg:$0x2] =	wrdreg s24  }
0xaf: {  	[dreg:$0x3] =	wrdreg $0xB1800  }
0xb0: {  	[dreg:$0x4] =	wrdreg $0x9  }
0xb1: {  	_ =	task.clear_ibuf [dreg:s6], $0x5FFFF;
	_ =	strace $0x90000049  }
0xb2: {  	s29 =	simm.s32 $0x9;
	_ =	strace $0x8000004B  }
0xb3: {  	_ =	swait.ge [sflag:s29], $0x1  }
0xb4: {  	[sflag:s29] =	ssyncadd.s32 $0xFFFFFFFF  }
0xb5: {  	_ =	strace $0x9000004B  }
0xb6: {  	_ =	sfence  }
0xb7: {  	s30 =	sld [smem:$0x0];
	_ =	sdelay $0x2  }
0xb8: {  	s31 =	sshll.u32 s1, $0xD;
	s1 =	sshrl.u32 s1, $0x2  }
0xb9: {  	s3 =	sand.u32 $0x4000, s31;
	s1 =	sadd.s32 s1, s30  }
0xba: {  	s0 =	sor.u32 s3, s0;
	s1 =	sshll.u32 s1, $0x11  }
0xbb: {  	s0 =	sor.u32 s1, s0  }
0xbc: {  	s0 =	sadd.s32 $0x8F2B, s0  }
0xbd: {  	[sflag:s0] =	ssyncadd.remote.s32 $0x1  }
0xbe: {  	_ =	sfence.sel $0xFFFF  }
0xbf: {  	[dreg:$0x0] =	wrdreg $0xFFFFFFFF;
	(pc) =	sbr.abs _section_cstart, $3  }
0xc0: {  	[dreg:$0x1] =	wrdreg $0xFFFFFFFF  }
0xc1: {  	_ =	task.clear_ibuf [dreg:s6], $0x2FFFF;
	_ =	strace $0x9FFFFFFF  }
0xc2: {  	(tm) =	ssettm $0x7FFFFFFF  }
0xc3: {  	_ =	shalt  }
tec
execute0_lowered:
.L_overlay_start_1:
0x0: {  	(tag) =	ssettag $0x1  }
0x1: {  	s0 =	srdreg.scid;
	s6 =	rddreg [dreg:$0x0]  }
0x2: {  	s12 =	stileid.u32;
	s2 =	rddreg [dreg:$0x1]  }
0x3: {  	s3 =	simm.s32 $0x0;
	s0 =	sand.u32 $0x1, s0;
	s7 =	smul.u32 $0x14000, s12  }
0x4: {  	[smem:$0x7FF] =	sst s3;
	s10 =	smul.u32 $0x50000, s12;
	s1 =	sshll.u32 s0, $0x4  }
0x5: {  	s4 =	sadd.s32 $0xD200, s6;
	s5 =	smul.u32 $0x140000, s0;
	s1 =	sor.u32 s12, s1  }
0x6: {  	_ =	strace $0x8000004A;
	s9 =	ssub.s32 $0x2, s0;
	s1 =	smul.u32 $0x2710, s1  }
0x7: {  	s11 =	sshrl.u32 s9, $0x1;
	s24 =	sshrl.u32 s10, $0x2;
	s7 =	sadd.s32 s7, s5  }
0x8: {  	s5 =	sadd.s32 $0x17000, s6;
	s9 =	ssub.s32 s9, s11;
	s1 =	sshrl.u32 s1, $0x3  }
0x9: {  	s7 =	sshrl.u32 s7, $0x3;
	s29 =	smax.u32 s9, $0x1;
	s8 =	sadd.s32 s1, s6  }
0xa: {  	[dreg:$0x7] =	wrdreg s29;
	s6 =	sadd.s32 s7, s6;
	s8 =	sadd.s32 $0x3400, s8  }
0xb: {  	s7 =	sadd.s32 s24, s2;
	s26 =	sadd.s32 $0x3E200, s6;
	[dreg:$0x3] =	wrdreg s8  }
0xc: {  	s30 =	sadd.s32 $0x1000, s7;
	[dreg:$0x6] =	wrdreg s26  }
0xd: {  	s31 =	sadd.s32 $0x2000, s7;
	[dreg:$0x8] =	wrdreg s30  }
0xe: {  	s6 =	sadd.s32 $0x3000, s7;
	[dreg:$0x9] =	wrdreg s31  }
0xf: {  	s10 =	sadd.s32 $0x4000, s7;
	[dreg:$0xa] =	wrdreg s6  }
0x10: {  	s11 =	sadd.s32 $0x5000, s7;
	[dreg:$0xb] =	wrdreg s10  }
0x11: {  	s9 =	smul.u32 $0x2710, s12;
	s12 =	sadd.s32 $0x6000, s7;
	[dreg:$0xc] =	wrdreg s11  }
0x12: {  	s13 =	sadd.s32 $0x7000, s7;
	[dreg:$0xd] =	wrdreg s12  }
0x13: {  	s14 =	sadd.s32 $0x8000, s7;
	[dreg:$0xe] =	wrdreg s13  }
0x14: {  	s0 =	smul.u32 $0x27100, s0;
	s15 =	sadd.s32 $0x9000, s7;
	[dreg:$0xf] =	wrdreg s14  }
0x15: {  	s28 =	simm.s32 $0x0;
	s18 =	sadd.s32 $0xA000, s7;
	[dreg:$0x10] =	wrdreg s15  }
0x16: {  	s0 =	sadd.s32 s9, s0;
	s19 =	sadd.s32 $0xB000, s7;
	[dreg:$0x11] =	wrdreg s18  }
0x17: {  	s16 =	sadd.s32 $0x190, s0;
	s20 =	sadd.s32 $0xC000, s7;
	[dreg:$0x12] =	wrdreg s19  }
0x18: {  	s17 =	sadd.s32 $0x140, s0;
	s21 =	sadd.s32 $0xD000, s7;
	[dreg:$0x13] =	wrdreg s20  }
0x19: {  	s22 =	sadd.s32 $0xE000, s7;
	s29 =	sadd.s32 $0x10000, s7;
	[dreg:$0x14] =	wrdreg s21  }
0x1a: {  	s9 =	sadd.s32 $0x13000, s7;
	s8 =	sadd.s32 s4, s1;
	[dreg:$0x15] =	wrdreg s22  }
0x1b: {  	s6 =	sshrl.u32 s17, $0x3;
	s26 =	sadd.s32 $0xF000, s7;
	[dreg:$0x17] =	wrdreg s29  }
0x1c: {  	s30 =	sadd.s32 $0x11000, s7;
	s31 =	sadd.s32 $0x12000, s7;
	s12 =	simm.s32 $0x4  }
0x1d: {  	s13 =	simm.s32 $0xA180;
	s14 =	simm.s32 $0x2780;
	s15 =	simm.s32 $0x50  }
0x1e: {  	s17 =	simm.s32 $0x2800;
	s18 =	simm.s32 $0x5180;
	s19 =	simm.s32 $0x2880  }
0x1f: {  	s20 =	simm.s32 $0x7980;
	s21 =	simm.s32 $0x1;
	[dreg:$0x16] =	wrdreg s26  }
0x20: {  	s22 =	simm.s32 $0x2;
	s1 =	sadd.s32 $0xA, s8;
	[dreg:$0x18] =	wrdreg s30  }
0x21: {  	s25 =	sadd.s32 $0x14, s8;
	s24 =	sadd.s32 s6, s4;
	[dreg:$0x19] =	wrdreg s31  }
0x22: {  	s10 =	sadd.s32 $0x4CE, s8;
	s11 =	sadd.s32 $0x4D8, s8;
	[dreg:$0x4] =	wrdreg s1  }
0x23: {  	s26 =	simm.s32 $0x3;
	[dreg:$0x5] =	wrdreg s25;
	s1 =	sshrl.u32 s16, $0x3  }
0x24: {  	v0 =	vimm.f32 $0.0e+00;
	s25 =	sadd.s32 $0xF0, s0;
	s16 =	simm.s32 $0x2980;
	s23 =	sadd.s32 s1, s4  }
.LBB2_1:
0x25: {  	s0 =	rddreg [dreg:$0x3]  }
0x26: {  	[tilespmem:s3], [sflag:$0x4] =	stream.linear.gather [hbm4b:s0+s3], $0x2710, $0x38;
	[tilespmem:$0x1F180] =	vst v63  }
0x27: {  	_ =	swait.ge [sflag:s12], $0x2710  }
0x28: {  	[sflag:s12] =	ssyncset.done $0x0  }
0x29: {  	s1 =	simm.s32 $0x0;
	s29 =	simm.s32 $0x200;
	[sflag:s12] =	ssyncadd.s32 $0xFFFFD8F0  }
.LBB2_2:
0x2a: {  	p0 =	sne.s32 s29, $0x3E00;
	[tilespmem:s1+$0xA1F0] =	vst v0  }
0x2b: {  	[tilespmem:s1+$0xA180] =	vst v0  }
0x2c: {  	[tilespmem:s1+$0xA190] =	vst v0  }
.Ltmp0:
0x2d: {  	[tilespmem:s1+$0xA1A0] =	vst v0;
	(pc) =	sbr.rel @p0 .LBB2_2-.Ltmp0, $4  }
0x2e: {  	[tilespmem:s1+$0xA1B0] =	vst v0  }
0x2f: {  	[tilespmem:s1+$0xA1C0] =	vst v0  }
0x30: {  	[tilespmem:s1+$0xA1D0] =	vst v0  }
0x31: {  	[tilespmem:s1+$0xA1E0] =	vst v0;
	s1 =	sshra.s32 s29, $0x2;
	s29 =	sadd.s32 $0x200, s29  }
0x32: {  	[tilespmem:s1+$0xA1F0] =	vst v0  }
0x33: {  	[tilespmem:s1+$0xA180] =	vst v0  }
0x34: {  	[tilespmem:s1+$0xA190] =	vst v0  }
0x35: {  	[tilespmem:s1+$0xA1A0] =	vst v0  }
0x36: {  	[tilespmem:s1+$0xA1B0] =	vst v0  }
0x37: {  	[tilespmem:s1+$0xA1C0] =	vst v0  }
0x38: {  	[tilespmem:s1+$0xA1D0] =	vst v0  }
0x39: {  	[tilespmem:s1+$0xA1E0] =	vst v0  }
0x3a: {  	[spmem:s7] =	stream.linear.scatter [tilespmem:s13], [sflag:$0x4], $0x1000, $0x38;
	[tilespmem:$0x1F180] =	vst v63  }
0x3b: {  	_ =	swait.ge [sflag:s12], $0x1000  }
0x3c: {  	[sflag:s12] =	ssyncset.done $0x0  }
0x3d: {  	s0 =	rddreg [dreg:$0x8];
	[sflag:s12] =	ssyncadd.s32 $0xFFFFF000  }
0x3e: {  	[spmem:s0] =	stream.linear.scatter [tilespmem:s13], [sflag:$0x4], $0x1000, $0x38;
	[tilespmem:$0x1F180] =	vst v63  }
0x3f: {  	_ =	swait.ge [sflag:s12], $0x1000  }
0x40: {  	[sflag:s12] =	ssyncset.done $0x0  }
0x41: {  	s1 =	rddreg [dreg:$0x9];
	[sflag:s12] =	ssyncadd.s32 $0xFFFFF000  }
0x42: {  	[spmem:s1] =	stream.linear.scatter [tilespmem:s13], [sflag:$0x4], $0x1000, $0x38;
	[tilespmem:$0x1F180] =	vst v63  }
0x43: {  	_ =	swait.ge [sflag:s12], $0x1000  }
0x44: {  	[sflag:s12] =	ssyncset.done $0x0  }
0x45: {  	s6 =	rddreg [dreg:$0xa];
	[sflag:s12] =	ssyncadd.s32 $0xFFFFF000  }
0x46: {  	[spmem:s6] =	stream.linear.scatter [tilespmem:s13], [sflag:$0x4], $0x1000, $0x38;
	[tilespmem:$0x1F180] =	vst v63  }
0x47: {  	_ =	swait.ge [sflag:s12], $0x1000  }
0x48: {  	[sflag:s12] =	ssyncset.done $0x0  }
0x49: {  	s1 =	rddreg [dreg:$0xb];
	[sflag:s12] =	ssyncadd.s32 $0xFFFFF000  }
0x4a: {  	[spmem:s1] =	stream.linear.scatter [tilespmem:s13], [sflag:$0x4], $0x1000, $0x38;
	[tilespmem:$0x1F180] =	vst v63  }
0x4b: {  	_ =	swait.ge [sflag:s12], $0x1000  }
0x4c: {  	[sflag:s12] =	ssyncset.done $0x0  }
0x4d: {  	s6 =	rddreg [dreg:$0xc];
	[sflag:s12] =	ssyncadd.s32 $0xFFFFF000  }
0x4e: {  	[spmem:s6] =	stream.linear.scatter [tilespmem:s13], [sflag:$0x4], $0x1000, $0x38;
	[tilespmem:$0x1F180] =	vst v63  }
0x4f: {  	_ =	swait.ge [sflag:s12], $0x1000  }
0x50: {  	[sflag:s12] =	ssyncset.done $0x0  }
0x51: {  	s1 =	rddreg [dreg:$0xd];
	[sflag:s12] =	ssyncadd.s32 $0xFFFFF000  }
0x52: {  	[spmem:s1] =	stream.linear.scatter [tilespmem:s13], [sflag:$0x4], $0x1000, $0x38;
	[tilespmem:$0x1F180] =	vst v63  }
0x53: {  	_ =	swait.ge [sflag:s12], $0x1000  }
0x54: {  	[sflag:s12] =	ssyncset.done $0x0  }
0x55: {  	s6 =	rddreg [dreg:$0xe];
	[sflag:s12] =	ssyncadd.s32 $0xFFFFF000  }
0x56: {  	[spmem:s6] =	stream.linear.scatter [tilespmem:s13], [sflag:$0x4], $0x1000, $0x38;
	[tilespmem:$0x1F180] =	vst v63  }
0x57: {  	_ =	swait.ge [sflag:s12], $0x1000  }
0x58: {  	[sflag:s12] =	ssyncset.done $0x0  }
0x59: {  	s1 =	rddreg [dreg:$0xf];
	[sflag:s12] =	ssyncadd.s32 $0xFFFFF000  }
0x5a: {  	[spmem:s1] =	stream.linear.scatter [tilespmem:s13], [sflag:$0x4], $0x1000, $0x38;
	[tilespmem:$0x1F180] =	vst v63  }
0x5b: {  	_ =	swait.ge [sflag:s12], $0x1000  }
0x5c: {  	[sflag:s12] =	ssyncset.done $0x0  }
0x5d: {  	s6 =	rddreg [dreg:$0x10];
	[sflag:s12] =	ssyncadd.s32 $0xFFFFF000  }
0x5e: {  	[spmem:s6] =	stream.linear.scatter [tilespmem:s13], [sflag:$0x4], $0x1000, $0x38;
	[tilespmem:$0x1F180] =	vst v63  }
0x5f: {  	_ =	swait.ge [sflag:s12], $0x1000  }
0x60: {  	[sflag:s12] =	ssyncset.done $0x0  }
0x61: {  	s1 =	rddreg [dreg:$0x11];
	[sflag:s12] =	ssyncadd.s32 $0xFFFFF000  }
0x62: {  	[spmem:s1] =	stream.linear.scatter [tilespmem:s13], [sflag:$0x4], $0x1000, $0x38;
	[tilespmem:$0x1F180] =	vst v63  }
0x63: {  	_ =	swait.ge [sflag:s12], $0x1000  }
0x64: {  	[sflag:s12] =	ssyncset.done $0x0  }
0x65: {  	s6 =	rddreg [dreg:$0x12];
	[sflag:s12] =	ssyncadd.s32 $0xFFFFF000  }
0x66: {  	[spmem:s6] =	stream.linear.scatter [tilespmem:s13], [sflag:$0x4], $0x1000, $0x38;
	[tilespmem:$0x1F180] =	vst v63  }
0x67: {  	_ =	swait.ge [sflag:s12], $0x1000  }
0x68: {  	[sflag:s12] =	ssyncset.done $0x0  }
0x69: {  	s1 =	rddreg [dreg:$0x13];
	[sflag:s12] =	ssyncadd.s32 $0xFFFFF000  }
0x6a: {  	[spmem:s1] =	stream.linear.scatter [tilespmem:s13], [sflag:$0x4], $0x1000, $0x38;
	[tilespmem:$0x1F180] =	vst v63  }
0x6b: {  	_ =	swait.ge [sflag:s12], $0x1000  }
0x6c: {  	[sflag:s12] =	ssyncset.done $0x0  }
0x6d: {  	s6 =	rddreg [dreg:$0x14];
	[sflag:s12] =	ssyncadd.s32 $0xFFFFF000  }
0x6e: {  	[spmem:s6] =	stream.linear.scatter [tilespmem:s13], [sflag:$0x4], $0x1000, $0x38;
	[tilespmem:$0x1F180] =	vst v63  }
0x6f: {  	_ =	swait.ge [sflag:s12], $0x1000  }
0x70: {  	[sflag:s12] =	ssyncset.done $0x0  }
0x71: {  	s1 =	rddreg [dreg:$0x15];
	[sflag:s12] =	ssyncadd.s32 $0xFFFFF000  }
0x72: {  	[spmem:s1] =	stream.linear.scatter [tilespmem:s13], [sflag:$0x4], $0x1000, $0x38;
	[tilespmem:$0x1F180] =	vst v63  }
0x73: {  	_ =	swait.ge [sflag:s12], $0x1000  }
0x74: {  	[sflag:s12] =	ssyncset.done $0x0  }
0x75: {  	s6 =	rddreg [dreg:$0x16];
	[sflag:s12] =	ssyncadd.s32 $0xFFFFF000  }
0x76: {  	[spmem:s6] =	stream.linear.scatter [tilespmem:s13], [sflag:$0x4], $0x1000, $0x38;
	[tilespmem:$0x1F180] =	vst v63  }
0x77: {  	_ =	swait.ge [sflag:s12], $0x1000  }
0x78: {  	[sflag:s12] =	ssyncset.done $0x0  }
0x79: {  	s1 =	rddreg [dreg:$0x17];
	[sflag:s12] =	ssyncadd.s32 $0xFFFFF000  }
0x7a: {  	[spmem:s1] =	stream.linear.scatter [tilespmem:s13], [sflag:$0x4], $0x1000, $0x38;
	[tilespmem:$0x1F180] =	vst v63  }
0x7b: {  	_ =	swait.ge [sflag:s12], $0x1000  }
0x7c: {  	[sflag:s12] =	ssyncset.done $0x0  }
0x7d: {  	s6 =	rddreg [dreg:$0x18];
	[sflag:s12] =	ssyncadd.s32 $0xFFFFF000  }
0x7e: {  	[spmem:s6] =	stream.linear.scatter [tilespmem:s13], [sflag:$0x4], $0x1000, $0x38;
	[tilespmem:$0x1F180] =	vst v63  }
0x7f: {  	_ =	swait.ge [sflag:s12], $0x1000  }
0x80: {  	[sflag:s12] =	ssyncset.done $0x0  }
0x81: {  	s1 =	rddreg [dreg:$0x19];
	[sflag:s12] =	ssyncadd.s32 $0xFFFFF000  }
0x82: {  	[spmem:s1] =	stream.linear.scatter [tilespmem:s13], [sflag:$0x4], $0x1000, $0x38;
	[tilespmem:$0x1F180] =	vst v63  }
0x83: {  	_ =	swait.ge [sflag:s12], $0x1000  }
0x84: {  	[sflag:s12] =	ssyncset.done $0x0  }
0x85: {  	[sflag:s12] =	ssyncadd.s32 $0xFFFFF000  }
0x86: {  	[spmem:s9] =	stream.linear.scatter [tilespmem:s13], [sflag:$0x4], $0x1000, $0x38;
	[tilespmem:$0x1F180] =	vst v63  }
0x87: {  	_ =	swait.ge [sflag:s12], $0x1000  }
0x88: {  	[sflag:s12] =	ssyncset.done $0x0  }
0x89: {  	[sflag:s12] =	ssyncadd.s32 $0xFFFFF000  }
0x8a: {  	s0 =	simm.s32 $0x0;
	[bflag:$0x0] =	sbarrier.arrive $0xFFFF  }
0x8b: {  	[tilespmem:s14], [sflag:$0x1] =	stream.linear.gather [hbm4b:s8+s0], $0x50, $0x38;
	[tilespmem:$0x1F180] =	vst v63  }
0x8c: {  	_ = 	snop  }
0x8d: {  	[tilespmem:s16], [sflag:$0x1] =	stream.indirect.gather [hbm4b:s5+s15], $0x80, s0, s15, $0xb8;
	[tilespmem:$0x1F180] =	vst v63  }
0x8e: {  	s6 =	rddreg [dreg:$0x4]  }
0x8f: {  	[tilespmem:s17], [sflag:$0x2] =	stream.linear.gather [hbm4b:s6+s0], $0x50, $0x38;
	[tilespmem:$0x1F180] =	vst v63  }
0x90: {  	_ = 	snop  }
0x91: {  	[tilespmem:s18], [sflag:$0x2] =	stream.indirect.gather [hbm4b:s5+s15], $0x80, s15, s15, $0xb8;
	[tilespmem:$0x1F180] =	vst v63  }
0x92: {  	s6 =	rddreg [dreg:$0x5]  }
0x93: {  	[tilespmem:s19], [sflag:$0x3] =	stream.linear.gather [hbm4b:s6+s0], $0x50, $0x38;
	[tilespmem:$0x1F180] =	vst v63  }
0x94: {  	s1 =	simm.s32 $0xA0  }
0x95: {  	[tilespmem:s20], [sflag:$0x3] =	stream.indirect.gather [hbm4b:s5+s15], $0x80, s1, s15, $0xb8;
	[tilespmem:$0x1F180] =	vst v63  }
0x96: {  	_ =	swait.ge [sflag:s21], $0x50  }
0x97: {  	[sflag:s21] =	ssyncset.done $0x0  }
0x98: {  	[sflag:s21] =	ssyncadd.s32 $0xFFFFFFB0  }
0x99: {  	_ =	swait.ge [sflag:s21], $0x2800  }
0x9a: {  	[sflag:s21] =	ssyncset.done $0x0  }
0x9b: {  	[sflag:s21] =	ssyncadd.s32 $0xFFFFD800  }
0x9c: {  	[spmem:s2] =	stream.indirect.scatter.add.f32 [tilespmem:s16], [sflag:$0x4], $0x80, s14, s15, $0xb8;
	[tilespmem:$0x1F180] =	vst v63  }
0x9d: {  	_ =	swait.ge [sflag:s12], $0x2800  }
0x9e: {  	s6 =	sshrl.u32 s25, $0x3;
	[sflag:s12] =	ssyncset.done $0x0  }
0x9f: {  	s0 =	sadd.s32 s4, s6;
	[sflag:s12] =	ssyncadd.s32 $0xFFFFD800  }
0xa0: {  	[tilespmem:s14], [sflag:$0x1] =	stream.linear.gather [hbm4b:s0+s3], $0x50, $0x38;
	[tilespmem:$0x1F180] =	vst v63  }
0xa1: {  	s1 =	simm.s32 $0xF0  }
0xa2: {  	[tilespmem:s16], [sflag:$0x1] =	stream.indirect.gather [hbm4b:s5+s15], $0x80, s1, s15, $0xb8;
	[tilespmem:$0x1F180] =	vst v63  }
0xa3: {  	_ =	swait.ge [sflag:s22], $0x50  }
0xa4: {  	[sflag:s22] =	ssyncset.done $0x0  }
0xa5: {  	[sflag:s22] =	ssyncadd.s32 $0xFFFFFFB0  }
0xa6: {  	_ =	swait.ge [sflag:s22], $0x2800  }
0xa7: {  	[sflag:s22] =	ssyncset.done $0x0  }
0xa8: {  	[sflag:s22] =	ssyncadd.s32 $0xFFFFD800  }
0xa9: {  	[spmem:s2] =	stream.indirect.scatter.add.f32 [tilespmem:s18], [sflag:$0x4], $0x80, s17, s15, $0xb8;
	[tilespmem:$0x1F180] =	vst v63  }
0xaa: {  	_ =	swait.ge [sflag:s12], $0x2800  }
0xab: {  	[sflag:s12] =	ssyncset.done $0x0  }
0xac: {  	[sflag:s12] =	ssyncadd.s32 $0xFFFFD800  }
0xad: {  	[tilespmem:s17], [sflag:$0x2] =	stream.linear.gather [hbm4b:s24+s3], $0x50, $0x38;
	[tilespmem:$0x1F180] =	vst v63  }
0xae: {  	s6 =	simm.s32 $0x140  }
0xaf: {  	[tilespmem:s18], [sflag:$0x2] =	stream.indirect.gather [hbm4b:s5+s15], $0x80, s6, s15, $0xb8;
	[tilespmem:$0x1F180] =	vst v63  }
0xb0: {  	_ =	swait.ge [sflag:s26], $0x50  }
0xb1: {  	[sflag:s26] =	ssyncset.done $0x0  }
0xb2: {  	[sflag:s26] =	ssyncadd.s32 $0xFFFFFFB0  }
0xb3: {  	_ =	swait.ge [sflag:s26], $0x2800  }
0xb4: {  	[sflag:s26] =	ssyncset.done $0x0  }
0xb5: {  	[sflag:s26] =	ssyncadd.s32 $0xFFFFD800  }
0xb6: {  	[spmem:s2] =	stream.indirect.scatter.add.f32 [tilespmem:s20], [sflag:$0x4], $0x80, s19, s15, $0xb8;
	[tilespmem:$0x1F180] =	vst v63  }
0xb7: {  	s29 =	simm.s32 $0x3C0;
	_ =	swait.ge [sflag:s12], $0x2800  }
0xb8: {  	s30 =	sadd.s32 $0xF0, s25;
	s31 =	sadd.s32 $0x1E, s23;
	[sflag:s12] =	ssyncset.done $0x0  }
0xb9: {  	s0 =	simm.s32 $0x190;
	s1 =	sadd.s32 $0x1E, s24;
	[sflag:s12] =	ssyncadd.s32 $0xFFFFD800  }
0xba: {  	[tilespmem:s19], [sflag:$0x3] =	stream.linear.gather [hbm4b:s23+s3], $0x50, $0x38;
	[tilespmem:$0x1F180] =	vst v63  }
.LBB2_4:
0xbb: {  	[tilespmem:s20], [sflag:$0x3] =	stream.indirect.gather [hbm4b:s5+s15], $0x80, s0, s15, $0xb8;
	[tilespmem:$0x1F180] =	vst v63  }
0xbc: {  	s0 =	smov.u32 s29  }
0xbd: {  	p0 =	sne.s32 s29, $0x9240;
	s29 =	sadd.s32 $0x3C0, s29;
	_ =	swait.ge [sflag:s21], $0x50  }
0xbe: {  	[sflag:s21] =	ssyncset.done $0x0  }
0xbf: {  	[sflag:s21] =	ssyncadd.s32 $0xFFFFFFB0  }
0xc0: {  	_ =	swait.ge [sflag:s21], $0x2800  }
0xc1: {  	[sflag:s21] =	ssyncset.done $0x0  }
0xc2: {  	[sflag:s21] =	ssyncadd.s32 $0xFFFFD800  }
0xc3: {  	[spmem:s2] =	stream.indirect.scatter.add.f32 [tilespmem:s16], [sflag:$0x4], $0x80, s14, s15, $0xb8;
	[tilespmem:$0x1F180] =	vst v63  }
0xc4: {  	_ =	swait.ge [sflag:s12], $0x2800  }
0xc5: {  	s6 =	sshrl.u32 s30, $0x3;
	[sflag:s12] =	ssyncset.done $0x0  }
0xc6: {  	s6 =	sadd.s32 s4, s6;
	s0 =	sshra.s32 s0, $0x2;
	[sflag:s12] =	ssyncadd.s32 $0xFFFFD800  }
0xc7: {  	[tilespmem:s14], [sflag:$0x1] =	stream.linear.gather [hbm4b:s6+s3], $0x50, $0x38;
	[tilespmem:$0x1F180] =	vst v63  }
0xc8: {  	s6 =	sadd.s32 $0xF0, s0  }
0xc9: {  	[tilespmem:s16], [sflag:$0x1] =	stream.indirect.gather [hbm4b:s5+s15], $0x80, s6, s15, $0xb8;
	[tilespmem:$0x1F180] =	vst v63  }
0xca: {  	_ =	swait.ge [sflag:s22], $0x50  }
0xcb: {  	[sflag:s22] =	ssyncset.done $0x0  }
0xcc: {  	[sflag:s22] =	ssyncadd.s32 $0xFFFFFFB0  }
0xcd: {  	_ =	swait.ge [sflag:s22], $0x2800  }
0xce: {  	[sflag:s22] =	ssyncset.done $0x0  }
0xcf: {  	[sflag:s22] =	ssyncadd.s32 $0xFFFFD800  }
0xd0: {  	[spmem:s2] =	stream.indirect.scatter.add.f32 [tilespmem:s18], [sflag:$0x4], $0x80, s17, s15, $0xb8;
	[tilespmem:$0x1F180] =	vst v63  }
0xd1: {  	_ =	swait.ge [sflag:s12], $0x2800  }
0xd2: {  	[sflag:s12] =	ssyncset.done $0x0  }
0xd3: {  	[sflag:s12] =	ssyncadd.s32 $0xFFFFD800  }
0xd4: {  	[tilespmem:s17], [sflag:$0x2] =	stream.linear.gather [hbm4b:s1+s3], $0x50, $0x38;
	[tilespmem:$0x1F180] =	vst v63  }
0xd5: {  	s6 =	sadd.s32 $0x140, s0  }
0xd6: {  	[tilespmem:s18], [sflag:$0x2] =	stream.indirect.gather [hbm4b:s5+s15], $0x80, s6, s15, $0xb8;
	[tilespmem:$0x1F180] =	vst v63  }
0xd7: {  	_ =	swait.ge [sflag:s26], $0x50  }
0xd8: {  	[sflag:s26] =	ssyncset.done $0x0  }
0xd9: {  	[sflag:s26] =	ssyncadd.s32 $0xFFFFFFB0  }
0xda: {  	_ =	swait.ge [sflag:s26], $0x2800  }
0xdb: {  	[sflag:s26] =	ssyncset.done $0x0  }
0xdc: {  	[sflag:s26] =	ssyncadd.s32 $0xFFFFD800  }
0xdd: {  	[spmem:s2] =	stream.indirect.scatter.add.f32 [tilespmem:s20], [sflag:$0x4], $0x80, s19, s15, $0xb8;
	[tilespmem:$0x1F180] =	vst v63  }
.Ltmp1:
0xde: {  	_ =	swait.ge [sflag:s12], $0x2800;
	(pc) =	sbr.rel @p0 .LBB2_4-.Ltmp1, $4  }
0xdf: {  	[sflag:s12] =	ssyncset.done $0x0  }
0xe0: {  	s30 =	sadd.s32 $0xF0, s30;
	[sflag:s12] =	ssyncadd.s32 $0xFFFFD800  }
0xe1: {  	[tilespmem:s19], [sflag:$0x3] =	stream.linear.gather [hbm4b:s31+s3], $0x50, $0x38;
	[tilespmem:$0x1F180] =	vst v63  }
0xe2: {  	s0 =	sadd.s32 $0x190, s0;
	s1 =	sadd.s32 $0x1E, s1;
	s31 =	sadd.s32 $0x1E, s31  }
0xe3: {  	[tilespmem:s20], [sflag:$0x3] =	stream.indirect.gather [hbm4b:s5+s15], $0x80, s0, s15, $0xb8;
	[tilespmem:$0x1F180] =	vst v63  }
0xe4: {  	_ =	swait.ge [sflag:s21], $0x50  }
0xe5: {  	[sflag:s21] =	ssyncset.done $0x0  }
0xe6: {  	[sflag:s21] =	ssyncadd.s32 $0xFFFFFFB0  }
0xe7: {  	_ =	swait.ge [sflag:s21], $0x2800  }
0xe8: {  	[sflag:s21] =	ssyncset.done $0x0  }
0xe9: {  	[sflag:s21] =	ssyncadd.s32 $0xFFFFD800  }
0xea: {  	[spmem:s2] =	stream.indirect.scatter.add.f32 [tilespmem:s16], [sflag:$0x4], $0x80, s14, s15, $0xb8;
	[tilespmem:$0x1F180] =	vst v63  }
0xeb: {  	_ =	swait.ge [sflag:s12], $0x2800  }
0xec: {  	[sflag:s12] =	ssyncset.done $0x0  }
0xed: {  	[sflag:s12] =	ssyncadd.s32 $0xFFFFD800  }
0xee: {  	[tilespmem:s14], [sflag:$0x1] =	stream.linear.gather [hbm4b:s10+s3], $0x50, $0x38;
	[tilespmem:$0x1F180] =	vst v63  }
0xef: {  	s6 =	simm.s32 $0x2670  }
0xf0: {  	[tilespmem:s16], [sflag:$0x1] =	stream.indirect.gather [hbm4b:s5+s15], $0x80, s6, s15, $0xb8;
	[tilespmem:$0x1F180] =	vst v63  }
0xf1: {  	_ =	swait.ge [sflag:s22], $0x50  }
0xf2: {  	[sflag:s22] =	ssyncset.done $0x0  }
0xf3: {  	[sflag:s22] =	ssyncadd.s32 $0xFFFFFFB0  }
0xf4: {  	_ =	swait.ge [sflag:s22], $0x2800  }
0xf5: {  	[sflag:s22] =	ssyncset.done $0x0  }
0xf6: {  	[sflag:s22] =	ssyncadd.s32 $0xFFFFD800  }
0xf7: {  	[spmem:s2] =	stream.indirect.scatter.add.f32 [tilespmem:s18], [sflag:$0x4], $0x80, s17, s15, $0xb8;
	[tilespmem:$0x1F180] =	vst v63  }
0xf8: {  	_ =	swait.ge [sflag:s12], $0x2800  }
0xf9: {  	[sflag:s12] =	ssyncset.done $0x0  }
0xfa: {  	[sflag:s12] =	ssyncadd.s32 $0xFFFFD800  }
0xfb: {  	[tilespmem:s17], [sflag:$0x2] =	stream.linear.gather [hbm4b:s11+s3], $0x50, $0x38;
	[tilespmem:$0x1F180] =	vst v63  }
0xfc: {  	s29 =	simm.s32 $0x26C0  }
0xfd: {  	[tilespmem:s18], [sflag:$0x2] =	stream.indirect.gather [hbm4b:s5+s15], $0x80, s29, s15, $0xb8;
	[tilespmem:$0x1F180] =	vst v63  }
0xfe: {  	_ =	swait.ge [sflag:s26], $0x50  }
0xff: {  	[sflag:s26] =	ssyncset.done $0x0  }
0x100: {  	[sflag:s26] =	ssyncadd.s32 $0xFFFFFFB0  }
0x101: {  	_ =	swait.ge [sflag:s26], $0x2800  }
0x102: {  	[sflag:s26] =	ssyncset.done $0x0  }
0x103: {  	[sflag:s26] =	ssyncadd.s32 $0xFFFFD800  }
0x104: {  	[spmem:s2] =	stream.indirect.scatter.add.f32 [tilespmem:s20], [sflag:$0x4], $0x80, s19, s15, $0xb8;
	[tilespmem:$0x1F180] =	vst v63  }
0x105: {  	_ =	swait.ge [sflag:s12], $0x2800  }
0x106: {  	[sflag:s12] =	ssyncset.done $0x0  }
0x107: {  	[sflag:s12] =	ssyncadd.s32 $0xFFFFD800  }
0x108: {  	_ =	swait.ge [sflag:s21], $0x50  }
0x109: {  	[sflag:s21] =	ssyncset.done $0x0  }
0x10a: {  	[sflag:s21] =	ssyncadd.s32 $0xFFFFFFB0  }
0x10b: {  	_ =	swait.ge [sflag:s21], $0x2800  }
0x10c: {  	[sflag:s21] =	ssyncset.done $0x0  }
0x10d: {  	[sflag:s21] =	ssyncadd.s32 $0xFFFFD800  }
0x10e: {  	[spmem:s2] =	stream.indirect.scatter.add.f32 [tilespmem:s16], [sflag:$0x4], $0x80, s14, s15, $0xb8;
	[tilespmem:$0x1F180] =	vst v63  }
0x10f: {  	_ =	swait.ge [sflag:s12], $0x2800  }
0x110: {  	[sflag:s12] =	ssyncset.done $0x0  }
0x111: {  	[sflag:s12] =	ssyncadd.s32 $0xFFFFD800  }
0x112: {  	_ =	swait.ge [sflag:s22], $0x50  }
0x113: {  	[sflag:s22] =	ssyncset.done $0x0  }
0x114: {  	[sflag:s22] =	ssyncadd.s32 $0xFFFFFFB0  }
0x115: {  	_ =	swait.ge [sflag:s22], $0x2800  }
0x116: {  	[sflag:s22] =	ssyncset.done $0x0  }
0x117: {  	[sflag:s22] =	ssyncadd.s32 $0xFFFFD800  }
0x118: {  	[spmem:s2] =	stream.indirect.scatter.add.f32 [tilespmem:s18], [sflag:$0x4], $0x80, s17, s15, $0xb8;
	[tilespmem:$0x1F180] =	vst v63  }
0x119: {  	_ =	swait.ge [sflag:s12], $0x2800  }
0x11a: {  	[sflag:s12] =	ssyncset.done $0x0  }
0x11b: {  	s30 =	stileid.u32;
	[sflag:s12] =	ssyncadd.s32 $0xFFFFD800  }
0x11c: {  	s0 =	sshll.u32 s30, $0x6;
	[bflag:$0x0] =	sbarrier.arrive $0xFFFF  }
0x11d: {  	s1 =	sshrl.u32 s7, $0x3;
	s0 =	sor.u32 $0x1C04, s0;
	s6 =	rddreg [dreg:$0x6]  }
0x11e: {  	[hbm:s6], [sflag:s0] =	dma.local [spmem:s1], $0x2800  }
0x11f: {  	_ =	swait.ge [sflag:s12], $0x2800  }
0x120: {  	s28 =	sadd.s32 $0x1, s28;
	s31 =	rddreg [dreg:$0x7]  }
0x121: {  	p0 =	sne.s32 s28, s31  }
.Ltmp2:
0x122: {  	_ = 	snop;
	(pc) =	sbr.rel @p0 .LBB2_1-.Ltmp2, $3  }
0x123: {  	_ =	sdelay $0x1  }
0x124: {  	[sflag:s12] =	ssyncset.done $0x0  }
0x125: {  	[sflag:s12] =	ssyncadd.s32 $0xFFFFD800  }
0x126: {  	_ =	sfence.sel $0x180000  }
0x127: {  	[bflag:$0x0] =	sbarrier.arrive $0xFFFF  }
0x128: {  	_ =	strace $0x9000004A  }
0x129: {  	s0 =	stileid.u32;
	[bflag:$0x2] =	sbarrier.arrive $0xFFFF  }
0x12a: {  	p0 =	sne.s32 s0, $0x0;
	s0 =	rddreg [dreg:$0x2]  }
0x12b: {  	s0 =	sadd.s32 @!p0 $0x100000, s0  }
0x12c: {  	[sflag:s0] =	ssyncadd.tile.s32 @!p0 $0x1;
	_ =	shalt  }
.Lfunc_end2:
_tile_overlayer_lowered:
.L_overlay_start_2:
0x12d: {  	(tag) =	ssettag $0x2  }
0x12e: {  	s0 =	rddreg [dreg:$0x0];
	s2 =	stileid.u32  }
0x12f: {  	s1 =	rddreg [dreg:$0x1];
	p0 =	sne.s32 s2, $0x0  }
0x130: {  	s3 =	rddreg [dreg:$0x2];
	[bflag:$0x3] =	sbarrier.arrive $0xFFFF;
	s2 =	simm.s32 @!p0 $0x1C04  }
0x131: {  	[timem:s3], [sflag:s2] =	dma.local @!p0 [hbm:s0], s1  }
0x132: {  	s0 =	simm.s32 @!p0 $0x4  }
0x133: {  	_ =	swait.ge @!p0 [sflag:s0], s1  }
0x134: {  	s1 =	ssub.s32 @!p0 $0x0, s1;
	[sflag:s0] =	ssyncset.done @!p0 $0x0  }
0x135: {  	[sflag:s0] =	ssyncadd.s32 @!p0 s1  }
0x136: {  	[bflag:$0x3] =	sbarrier.arrive $0xFFFF  }
0x137: {  	_ =	shalt  }

// kernel: kernel.14.cloned.1.call-start
scs
__scs_entry_jumppad:
0x0: {  	(pc) =	sbr.rel $0x88, $3  }
0x1: {  	(tag) =	ssettag $0x0;
	lr =	simm.s32 $0x1  }
0x2: {  	[smem:$0x3F94] =	sst lr;
	_ =	strace $0xD0000000  }
0x3: {  	_ = 	snop  }
0x4: {  	_ = 	snop  }
0x5: {  	_ = 	snop  }
0x6: {  	_ = 	snop  }
0x7: {  	_ = 	snop  }
__scs_overlays_trampoline_lowered:
0x8: {  	[smem:$0x3FA3] =	sst s0  }
0x9: {  	[smem:$0x3FA4] =	sst s1  }
0xa: {  	[smem:$0x3FA5] =	sst s2  }
0xb: {  	[smem:$0x3FA6] =	sst s3  }
0xc: {  	[smem:$0x3FA7] =	sst s4  }
0xd: {  	[smem:$0x3FA8] =	sst s5  }
0xe: {  	[smem:$0x3FA9] =	sst s6  }
0xf: {  	[smem:$0x3FAA] =	sst s7  }
0x10: {  	[smem:$0x3FAB] =	sst s8  }
0x11: {  	[smem:$0x3FAC] =	sst s9;
	s0 =	simm.s32 @!p0 $0x0  }
0x12: {  	s1 =	sld [smem:$0x3F92];
	s0 =	simm.s32 @p0 $0x1  }
0x13: {  	[smem:$0x3FAD] =	sst s0;
	s0 =	simm.s32 @!p1 $0x0  }
0x14: {  	s2 =	sld [smem:$0x3F91];
	s0 =	simm.s32 @p1 $0x1  }
0x15: {  	[smem:$0x3FAE] =	sst s0;
	s0 =	simm.s32 @!p2 $0x0  }
0x16: {  	s3 =	sld [smem:$0x3FDB];
	s0 =	simm.s32 @p2 $0x1  }
0x17: {  	s4 =	simm.s32 $0x1BF5;
	[smem:$0x3FB0] =	sst s0  }
0x18: {  	s0 =	sld [smem:$0x3F93];
	_ =	swait.ge [sflag:s4], $0x0  }
0x19: {  	s7 =	sld [smem:$0x3F94]  }
0x1a: {  	s8 =	sadd.s32 $0xFFFFE003, lr  }
0x1b: {  	s9 =	sadd.s32 $0xFFFFFEF7, lr;
	s5 =	simm.s32 $0xFFFFFFFF;
	p2 =	slt.u32 s8, $0xFFFFF086  }
0x1c: {  	p1 =	slt.u32 s9, $0xF7A;
	s5 =	simm.s32 @!p2 $0x0  }
0x1d: {  	s5 =	simm.s32 @p1 $0x1;
	p0 =	seq.s32 s7, s2  }
0x1e: {  	s7 =	smul.u32 @!p0 $0xF7A, s2;
	p2 =	seq.s32 @!p0 s5, $0x0  }
0x1f: {  	s9 =	smul.u32 $0xF7A, s1;
	s8 =	simm.s32 @!p0 $0x1BF5;
	p2 =	por !p2, p0  }
0x20: {  	[sflag:s8] =	ssyncset.s32 @!p0 $0xFFFFF086;
	s6 =	sadd.s32 @!p0 s3, s7;
	s7 =	simm.s32 @!p0 $0x108  }
0x21: {  	s3 =	sadd.s32 s3, s9;
	s6 =	sadd.s32 @!p0 $0x88, s6;
	s7 =	simm.s32 @p2 $0x1082  }
0x22: {  	[simem:s7], [sflag:s8] =	dma.local @!p0 [hbm:s6], $0xF7A  }
0x23: {  	s9 =	sor.u32 $0xD0000000, s2;
	s6 =	simm.s32 $0x108;
	_ =	swait.ge @!p0 [sflag:s8], $0x0  }
0x24: {  	s3 =	sadd.s32 $0x88, s3;
	s6 =	simm.s32 @!p1 $0x1082;
	[sflag:s4] =	ssyncset.s32 $0xFFFFF086  }
0x25: {  	[simem:s6], [sflag:s4] =	dma.local [hbm:s3], $0xF7A  }
0x26: {  	[smem:$0x3F94] =	sst s1;
	(tag) =	ssettag s2;
	_ =	strace s9  }
0x27: {  	s1 =	sld [smem:$0x3FA4]  }
0x28: {  	s2 =	sld [smem:$0x3FA5]  }
0x29: {  	s4 =	sld [smem:$0x3FA7]  }
0x2a: {  	p0 =	seq.s32 s5, $0x0;
	s5 =	sld [smem:$0x3FA8]  }
0x2b: {  	s6 =	sld [smem:$0x3FA9]  }
0x2c: {  	s7 =	sld [smem:$0x3FAA]  }
0x2d: {  	s3 =	simm.s32 $0x108;
	s8 =	sld [smem:$0x3FAB]  }
0x2e: {  	s3 =	simm.s32 @!p0 $0x1082;
	s9 =	sld [smem:$0x3FAC]  }
0x2f: {  	lr =	sadd.s32 s0, s3;
	s0 =	sld [smem:$0x3FA3]  }
0x30: {  	s3 =	sld [smem:$0x3FA6]  }
0x31: {  	[smem:$0x3FAF] =	sst s10  }
0x32: {  	s10 =	sld [smem:$0x3FAD];
	_ =	sdelay $0x3  }
0x33: {  	p0 =	seq.s32 s10, $0x1;
	s10 =	sld [smem:$0x3FAF];
	_ =	sdelay $0x3  }
0x34: {  	[smem:$0x3FAF] =	sst s10  }
0x35: {  	s10 =	sld [smem:$0x3FAE];
	_ =	sdelay $0x3  }
0x36: {  	p1 =	seq.s32 s10, $0x1;
	s10 =	sld [smem:$0x3FAF];
	_ =	sdelay $0x3  }
0x37: {  	[smem:$0x3FAF] =	sst s10  }
0x38: {  	s10 =	sld [smem:$0x3FB0]  }
0x39: {  	_ = 	snop;
	(pc) =	sbr.ind lr, $3  }
0x3a: {  	_ = 	snop  }
0x3b: {  	_ = 	snop  }
0x3c: {  	p2 =	seq.s32 s10, $0x1;
	s10 =	sld [smem:$0x3FAF]  }
0x3d: {  	_ =	shalt  }
0x3e: {  	_ =	shalt  }
0x3f: {  	_ =	shalt  }
0x40: {  	_ =	shalt  }
0x41: {  	_ =	shalt  }
0x42: {  	_ =	shalt  }
0x43: {  	_ =	shalt  }
0x44: {  	_ =	shalt  }
0x45: {  	_ =	shalt  }
0x46: {  	_ =	shalt  }
0x47: {  	_ =	shalt  }
0x48: {  	_ =	shalt  }
0x49: {  	_ =	shalt  }
0x4a: {  	_ =	shalt  }
0x4b: {  	_ =	shalt  }
0x4c: {  	_ =	shalt  }
0x4d: {  	_ =	shalt  }
0x4e: {  	_ =	shalt  }
0x4f: {  	_ =	shalt  }
0x50: {  	_ =	shalt  }
0x51: {  	_ =	shalt  }
0x52: {  	_ =	shalt  }
0x53: {  	_ =	shalt  }
0x54: {  	_ =	shalt  }
0x55: {  	_ =	shalt  }
0x56: {  	_ =	shalt  }
0x57: {  	_ =	shalt  }
0x58: {  	_ =	shalt  }
0x59: {  	_ =	shalt  }
0x5a: {  	_ =	shalt  }
0x5b: {  	_ =	shalt  }
0x5c: {  	_ =	shalt  }
0x5d: {  	_ =	shalt  }
0x5e: {  	_ =	shalt  }
0x5f: {  	_ =	shalt  }
0x60: {  	_ =	shalt  }
0x61: {  	_ =	shalt  }
0x62: {  	_ =	shalt  }
0x63: {  	_ =	shalt  }
0x64: {  	_ =	shalt  }
0x65: {  	_ =	shalt  }
0x66: {  	_ =	shalt  }
0x67: {  	_ =	shalt  }
0x68: {  	_ =	shalt  }
0x69: {  	_ =	shalt  }
0x6a: {  	_ =	shalt  }
0x6b: {  	_ =	shalt  }
0x6c: {  	_ =	shalt  }
0x6d: {  	_ =	shalt  }
0x6e: {  	_ =	shalt  }
0x6f: {  	_ =	shalt  }
0x70: {  	_ =	shalt  }
0x71: {  	_ =	shalt  }
0x72: {  	_ =	shalt  }
0x73: {  	_ =	shalt  }
0x74: {  	_ =	shalt  }
0x75: {  	_ =	shalt  }
0x76: {  	_ =	shalt  }
0x77: {  	_ =	shalt  }
0x78: {  	_ =	shalt  }
0x79: {  	_ =	shalt  }
0x7a: {  	_ =	shalt  }
0x7b: {  	_ =	shalt  }
0x7c: {  	_ =	shalt  }
0x7d: {  	_ =	shalt  }
0x7e: {  	_ =	shalt  }
0x7f: {  	_ =	shalt  }
0x80: {  	_ =	shalt  }
0x81: {  	_ =	shalt  }
0x82: {  	_ =	shalt  }
0x83: {  	_ =	shalt  }
0x84: {  	_ =	shalt  }
0x85: {  	_ =	shalt  }
0x86: {  	_ =	shalt  }
0x87: {  	_ =	shalt  }
.Lfunc_end0:
.L_simem_size_0:
called_computation.2_lowered:
.L_overlay_start_0:
0x88: {  	s2 =	sld [smem:$0x3FD9]  }
0x89: {  	s3 =	sld [smem:$0x3FFE];
	_ =	sdelay $0x1  }
0x8a: {  	s1 =	srdreg.scid  }
0x8b: {  	s0 =	sand.u32 $0x1, s1  }
0x8c: {  	s16 =	sshll.u32 s0, $0xA;
	s2 =	sadd.s32 s3, s2  }
0x8d: {  	s2 =	sadd.s32 s2, s16  }
0x8e: {  	[smem:$0x3FBB] =	sst s2  }
0x8f: {  	_ = 	snop  }
0x90: {  	(tm) =	ssettm $0x1  }
0x91: {  	s17 =	sld [smem:$0x3FFB];
	_ =	sdelay $0x3  }
0x92: {  	_ =	strace s17  }
0x93: {  	s2 =	sld [smem:$0x3FFC];
	_ =	sdelay $0x3  }
0x94: {  	_ =	strace s2  }
0x95: {  	s2 =	sld [smem:$0x3FFD];
	_ =	sdelay $0x3  }
0x96: {  	_ =	strace s2  }
0x97: {  	_ =	strace $0x8FFFFFFF  }
0x98: {  	s18 =	sld [smem:$0x3FDB];
	_ =	sdelay $0x1  }
0x99: {  	s19 =	simm.s32 $_scs_section_size  }
0x9a: {  	s4 =	simm.s32 $_size__tile_overlayer_lowered;
	s5 =	simm.s32 $_tile_overlayer_lowered  }
0x9b: {  	s22 =	simm.s32 $0x1BFF;
	s21 =	sshll.u32 s5, $0x1;
	s2 =	sadd.s32 s19, s18  }
0x9c: {  	s6 =	simm.s32 $0x0;
	s20 =	sshll.u32 s4, $0x1;
	s4 =	sadd.s32 s21, s2  }
0x9d: {  	[timem:s6], [sflag:s22] =	dma.local [hbm:s4], s20  }
0x9e: {  	_ =	swait.ge [sflag:s22], s20  }
0x9f: {  	s3 =	ssub.s32 $0x0, s20;
	[sflag:s22] =	ssyncset.done $0x0  }
0xa0: {  	[sflag:s22] =	ssyncadd.s32 s3;
	_ =	sdelay $0x1  }
0xa1: {  	s23 =	simm.s32 $0x1B8B  }
0xa2: {  	_ =	swait.ge [sflag:s23], $0x1  }
0xa3: {  	[sflag:s23] =	ssyncset.done $0x0  }
0xa4: {  	s25 =	simm.s32 $0x1B8E;
	s24 =	sld [smem:$0x3FFE];
	[sflag:s23] =	ssyncadd.s32 $0xFFFFFFFF  }
0xa5: {  	s26 =	simm.s32 $execute0_lowered;
	[smem:$0x3FD2] =	sst s25  }
0xa6: {  	s4 =	sshll.u32 s26, $0x1;
	_ =	strace $0x8000004C;
	[dreg:$0x1] =	wrdreg $0xFFFFFFFF  }
0xa7: {  	s28 =	simm.s32 $_size_execute0_lowered;
	s2 =	sadd.s32 s2, s4;
	[dreg:$0x0] =	wrdreg $0x0  }
0xa8: {  	s4 =	sshll.u32 s28, $0x1;
	[dreg:$0x2] =	wrdreg s2  }
0xa9: {  	[dreg:$0x3] =	wrdreg s4  }
0xaa: {  	[dreg:$0x4] =	wrdreg $0xC0  }
0xab: {  	_ =	task [dreg:s6], $0x5FFFF  }
0xac: {  	[dreg:$0x1] =	wrdreg $0xFFFFFFFF  }
0xad: {  	[dreg:$0x0] =	wrdreg $0x60  }
0xae: {  	[dreg:$0x2] =	wrdreg s24  }
0xaf: {  	[dreg:$0x3] =	wrdreg $0xB1800  }
0xb0: {  	[dreg:$0x4] =	wrdreg $0x9  }
0xb1: {  	_ =	task.clear_ibuf [dreg:s6], $0x5FFFF;
	_ =	strace $0x9000004C  }
0xb2: {  	s29 =	simm.s32 $0x9;
	_ =	strace $0x8000004E  }
0xb3: {  	_ =	swait.ge [sflag:s29], $0x1  }
0xb4: {  	[sflag:s29] =	ssyncadd.s32 $0xFFFFFFFF  }
0xb5: {  	_ =	strace $0x9000004E  }
0xb6: {  	_ =	sfence  }
0xb7: {  	s30 =	sld [smem:$0x0];
	_ =	sdelay $0x2  }
0xb8: {  	s31 =	sshll.u32 s1, $0xD;
	s1 =	sshrl.u32 s1, $0x2  }
0xb9: {  	s3 =	sand.u32 $0x4000, s31;
	s1 =	sadd.s32 s1, s30  }
0xba: {  	s0 =	sor.u32 s3, s0;
	s1 =	sshll.u32 s1, $0x11  }
0xbb: {  	s0 =	sor.u32 s1, s0  }
0xbc: {  	s0 =	sadd.s32 $0x8F2B, s0  }
0xbd: {  	[sflag:s0] =	ssyncadd.remote.s32 $0x1  }
0xbe: {  	_ =	sfence.sel $0xFFFF  }
0xbf: {  	[dreg:$0x0] =	wrdreg $0xFFFFFFFF;
	(pc) =	sbr.abs _section_cstart, $3  }
0xc0: {  	[dreg:$0x1] =	wrdreg $0xFFFFFFFF  }
0xc1: {  	_ =	task.clear_ibuf [dreg:s6], $0x2FFFF;
	_ =	strace $0x9FFFFFFF  }
0xc2: {  	(tm) =	ssettm $0x7FFFFFFF  }
0xc3: {  	_ =	shalt  }
tec
execute0_lowered:
.L_overlay_start_1:
0x0: {  	(tag) =	ssettag $0x1  }
0x1: {  	s0 =	srdreg.scid;
	s6 =	rddreg [dreg:$0x0]  }
0x2: {  	s12 =	stileid.u32;
	s2 =	rddreg [dreg:$0x1]  }
0x3: {  	s3 =	simm.s32 $0x0;
	s0 =	sand.u32 $0x1, s0;
	s7 =	smul.u32 $0x14000, s12  }
0x4: {  	[smem:$0x7FF] =	sst s3;
	s10 =	smul.u32 $0x50000, s12;
	s1 =	sshll.u32 s0, $0x4  }
0x5: {  	s4 =	sadd.s32 $0xD200, s6;
	s5 =	smul.u32 $0x140000, s0;
	s1 =	sor.u32 s12, s1  }
0x6: {  	_ =	strace $0x8000004D;
	s9 =	ssub.s32 $0x2, s0;
	s1 =	smul.u32 $0x2710, s1  }
0x7: {  	s11 =	sshrl.u32 s9, $0x1;
	s24 =	sshrl.u32 s10, $0x2;
	s7 =	sadd.s32 s7, s5  }
0x8: {  	s5 =	sadd.s32 $0x17000, s6;
	s9 =	ssub.s32 s9, s11;
	s1 =	sshrl.u32 s1, $0x3  }
0x9: {  	s7 =	sshrl.u32 s7, $0x3;
	s29 =	smax.u32 s9, $0x1;
	s8 =	sadd.s32 s1, s6  }
0xa: {  	[dreg:$0x7] =	wrdreg s29;
	s6 =	sadd.s32 s7, s6;
	s8 =	sadd.s32 $0x3400, s8  }
0xb: {  	s7 =	sadd.s32 s24, s2;
	s26 =	sadd.s32 $0x3E200, s6;
	[dreg:$0x3] =	wrdreg s8  }
0xc: {  	s30 =	sadd.s32 $0x1000, s7;
	[dreg:$0x6] =	wrdreg s26  }
0xd: {  	s31 =	sadd.s32 $0x2000, s7;
	[dreg:$0x8] =	wrdreg s30  }
0xe: {  	s6 =	sadd.s32 $0x3000, s7;
	[dreg:$0x9] =	wrdreg s31  }
0xf: {  	s10 =	sadd.s32 $0x4000, s7;
	[dreg:$0xa] =	wrdreg s6  }
0x10: {  	s11 =	sadd.s32 $0x5000, s7;
	[dreg:$0xb] =	wrdreg s10  }
0x11: {  	s9 =	smul.u32 $0x2710, s12;
	s12 =	sadd.s32 $0x6000, s7;
	[dreg:$0xc] =	wrdreg s11  }
0x12: {  	s13 =	sadd.s32 $0x7000, s7;
	[dreg:$0xd] =	wrdreg s12  }
0x13: {  	s14 =	sadd.s32 $0x8000, s7;
	[dreg:$0xe] =	wrdreg s13  }
0x14: {  	s0 =	smul.u32 $0x27100, s0;
	s15 =	sadd.s32 $0x9000, s7;
	[dreg:$0xf] =	wrdreg s14  }
0x15: {  	s28 =	simm.s32 $0x0;
	s18 =	sadd.s32 $0xA000, s7;
	[dreg:$0x10] =	wrdreg s15  }
0x16: {  	s0 =	sadd.s32 s9, s0;
	s19 =	sadd.s32 $0xB000, s7;
	[dreg:$0x11] =	wrdreg s18  }
0x17: {  	s16 =	sadd.s32 $0x190, s0;
	s20 =	sadd.s32 $0xC000, s7;
	[dreg:$0x12] =	wrdreg s19  }
0x18: {  	s17 =	sadd.s32 $0x140, s0;
	s21 =	sadd.s32 $0xD000, s7;
	[dreg:$0x13] =	wrdreg s20  }
0x19: {  	s22 =	sadd.s32 $0xE000, s7;
	s29 =	sadd.s32 $0x10000, s7;
	[dreg:$0x14] =	wrdreg s21  }
0x1a: {  	s9 =	sadd.s32 $0x13000, s7;
	s8 =	sadd.s32 s4, s1;
	[dreg:$0x15] =	wrdreg s22  }
0x1b: {  	s6 =	sshrl.u32 s17, $0x3;
	s26 =	sadd.s32 $0xF000, s7;
	[dreg:$0x17] =	wrdreg s29  }
0x1c: {  	s30 =	sadd.s32 $0x11000, s7;
	s31 =	sadd.s32 $0x12000, s7;
	s12 =	simm.s32 $0x4  }
0x1d: {  	s13 =	simm.s32 $0xA180;
	s14 =	simm.s32 $0x2780;
	s15 =	simm.s32 $0x50  }
0x1e: {  	s17 =	simm.s32 $0x2800;
	s18 =	simm.s32 $0x5180;
	s19 =	simm.s32 $0x2880  }
0x1f: {  	s20 =	simm.s32 $0x7980;
	s21 =	simm.s32 $0x1;
	[dreg:$0x16] =	wrdreg s26  }
0x20: {  	s22 =	simm.s32 $0x2;
	s1 =	sadd.s32 $0xA, s8;
	[dreg:$0x18] =	wrdreg s30  }
0x21: {  	s25 =	sadd.s32 $0x14, s8;
	s24 =	sadd.s32 s6, s4;
	[dreg:$0x19] =	wrdreg s31  }
0x22: {  	s10 =	sadd.s32 $0x4CE, s8;
	s11 =	sadd.s32 $0x4D8, s8;
	[dreg:$0x4] =	wrdreg s1  }
0x23: {  	s26 =	simm.s32 $0x3;
	[dreg:$0x5] =	wrdreg s25;
	s1 =	sshrl.u32 s16, $0x3  }
0x24: {  	v0 =	vimm.f32 $0.0e+00;
	s25 =	sadd.s32 $0xF0, s0;
	s16 =	simm.s32 $0x2980;
	s23 =	sadd.s32 s1, s4  }
.LBB2_1:
0x25: {  	s0 =	rddreg [dreg:$0x3]  }
0x26: {  	[tilespmem:s3], [sflag:$0x4] =	stream.linear.gather [hbm4b:s0+s3], $0x2710, $0x38;
	[tilespmem:$0x1F180] =	vst v63  }
0x27: {  	_ =	swait.ge [sflag:s12], $0x2710  }
0x28: {  	[sflag:s12] =	ssyncset.done $0x0  }
0x29: {  	s1 =	simm.s32 $0x0;
	s29 =	simm.s32 $0x200;
	[sflag:s12] =	ssyncadd.s32 $0xFFFFD8F0  }
.LBB2_2:
0x2a: {  	p0 =	sne.s32 s29, $0x3E00;
	[tilespmem:s1+$0xA1F0] =	vst v0  }
0x2b: {  	[tilespmem:s1+$0xA180] =	vst v0  }
0x2c: {  	[tilespmem:s1+$0xA190] =	vst v0  }
.Ltmp0:
0x2d: {  	[tilespmem:s1+$0xA1A0] =	vst v0;
	(pc) =	sbr.rel @p0 .LBB2_2-.Ltmp0, $4  }
0x2e: {  	[tilespmem:s1+$0xA1B0] =	vst v0  }
0x2f: {  	[tilespmem:s1+$0xA1C0] =	vst v0  }
0x30: {  	[tilespmem:s1+$0xA1D0] =	vst v0  }
0x31: {  	[tilespmem:s1+$0xA1E0] =	vst v0;
	s1 =	sshra.s32 s29, $0x2;
	s29 =	sadd.s32 $0x200, s29  }
0x32: {  	[tilespmem:s1+$0xA1F0] =	vst v0  }
0x33: {  	[tilespmem:s1+$0xA180] =	vst v0  }
0x34: {  	[tilespmem:s1+$0xA190] =	vst v0  }
0x35: {  	[tilespmem:s1+$0xA1A0] =	vst v0  }
0x36: {  	[tilespmem:s1+$0xA1B0] =	vst v0  }
0x37: {  	[tilespmem:s1+$0xA1C0] =	vst v0  }
0x38: {  	[tilespmem:s1+$0xA1D0] =	vst v0  }
0x39: {  	[tilespmem:s1+$0xA1E0] =	vst v0  }
0x3a: {  	[spmem:s7] =	stream.linear.scatter [tilespmem:s13], [sflag:$0x4], $0x1000, $0x38;
	[tilespmem:$0x1F180] =	vst v63  }
0x3b: {  	_ =	swait.ge [sflag:s12], $0x1000  }
0x3c: {  	[sflag:s12] =	ssyncset.done $0x0  }
0x3d: {  	s0 =	rddreg [dreg:$0x8];
	[sflag:s12] =	ssyncadd.s32 $0xFFFFF000  }
0x3e: {  	[spmem:s0] =	stream.linear.scatter [tilespmem:s13], [sflag:$0x4], $0x1000, $0x38;
	[tilespmem:$0x1F180] =	vst v63  }
0x3f: {  	_ =	swait.ge [sflag:s12], $0x1000  }
0x40: {  	[sflag:s12] =	ssyncset.done $0x0  }
0x41: {  	s1 =	rddreg [dreg:$0x9];
	[sflag:s12] =	ssyncadd.s32 $0xFFFFF000  }
0x42: {  	[spmem:s1] =	stream.linear.scatter [tilespmem:s13], [sflag:$0x4], $0x1000, $0x38;
	[tilespmem:$0x1F180] =	vst v63  }
0x43: {  	_ =	swait.ge [sflag:s12], $0x1000  }
0x44: {  	[sflag:s12] =	ssyncset.done $0x0  }
0x45: {  	s6 =	rddreg [dreg:$0xa];
	[sflag:s12] =	ssyncadd.s32 $0xFFFFF000  }
0x46: {  	[spmem:s6] =	stream.linear.scatter [tilespmem:s13], [sflag:$0x4], $0x1000, $0x38;
	[tilespmem:$0x1F180] =	vst v63  }
0x47: {  	_ =	swait.ge [sflag:s12], $0x1000  }
0x48: {  	[sflag:s12] =	ssyncset.done $0x0  }
0x49: {  	s1 =	rddreg [dreg:$0xb];
	[sflag:s12] =	ssyncadd.s32 $0xFFFFF000  }
0x4a: {  	[spmem:s1] =	stream.linear.scatter [tilespmem:s13], [sflag:$0x4], $0x1000, $0x38;
	[tilespmem:$0x1F180] =	vst v63  }
0x4b: {  	_ =	swait.ge [sflag:s12], $0x1000  }
0x4c: {  	[sflag:s12] =	ssyncset.done $0x0  }
0x4d: {  	s6 =	rddreg [dreg:$0xc];
	[sflag:s12] =	ssyncadd.s32 $0xFFFFF000  }
0x4e: {  	[spmem:s6] =	stream.linear.scatter [tilespmem:s13], [sflag:$0x4], $0x1000, $0x38;
	[tilespmem:$0x1F180] =	vst v63  }
0x4f: {  	_ =	swait.ge [sflag:s12], $0x1000  }
0x50: {  	[sflag:s12] =	ssyncset.done $0x0  }
0x51: {  	s1 =	rddreg [dreg:$0xd];
	[sflag:s12] =	ssyncadd.s32 $0xFFFFF000  }
0x52: {  	[spmem:s1] =	stream.linear.scatter [tilespmem:s13], [sflag:$0x4], $0x1000, $0x38;
	[tilespmem:$0x1F180] =	vst v63  }
0x53: {  	_ =	swait.ge [sflag:s12], $0x1000  }
0x54: {  	[sflag:s12] =	ssyncset.done $0x0  }
0x55: {  	s6 =	rddreg [dreg:$0xe];
	[sflag:s12] =	ssyncadd.s32 $0xFFFFF000  }
0x56: {  	[spmem:s6] =	stream.linear.scatter [tilespmem:s13], [sflag:$0x4], $0x1000, $0x38;
	[tilespmem:$0x1F180] =	vst v63  }
0x57: {  	_ =	swait.ge [sflag:s12], $0x1000  }
0x58: {  	[sflag:s12] =	ssyncset.done $0x0  }
0x59: {  	s1 =	rddreg [dreg:$0xf];
	[sflag:s12] =	ssyncadd.s32 $0xFFFFF000  }
0x5a: {  	[spmem:s1] =	stream.linear.scatter [tilespmem:s13], [sflag:$0x4], $0x1000, $0x38;
	[tilespmem:$0x1F180] =	vst v63  }
0x5b: {  	_ =	swait.ge [sflag:s12], $0x1000  }
0x5c: {  	[sflag:s12] =	ssyncset.done $0x0  }
0x5d: {  	s6 =	rddreg [dreg:$0x10];
	[sflag:s12] =	ssyncadd.s32 $0xFFFFF000  }
0x5e: {  	[spmem:s6] =	stream.linear.scatter [tilespmem:s13], [sflag:$0x4], $0x1000, $0x38;
	[tilespmem:$0x1F180] =	vst v63  }
0x5f: {  	_ =	swait.ge [sflag:s12], $0x1000  }
0x60: {  	[sflag:s12] =	ssyncset.done $0x0  }
0x61: {  	s1 =	rddreg [dreg:$0x11];
	[sflag:s12] =	ssyncadd.s32 $0xFFFFF000  }
0x62: {  	[spmem:s1] =	stream.linear.scatter [tilespmem:s13], [sflag:$0x4], $0x1000, $0x38;
	[tilespmem:$0x1F180] =	vst v63  }
0x63: {  	_ =	swait.ge [sflag:s12], $0x1000  }
0x64: {  	[sflag:s12] =	ssyncset.done $0x0  }
0x65: {  	s6 =	rddreg [dreg:$0x12];
	[sflag:s12] =	ssyncadd.s32 $0xFFFFF000  }
0x66: {  	[spmem:s6] =	stream.linear.scatter [tilespmem:s13], [sflag:$0x4], $0x1000, $0x38;
	[tilespmem:$0x1F180] =	vst v63  }
0x67: {  	_ =	swait.ge [sflag:s12], $0x1000  }
0x68: {  	[sflag:s12] =	ssyncset.done $0x0  }
0x69: {  	s1 =	rddreg [dreg:$0x13];
	[sflag:s12] =	ssyncadd.s32 $0xFFFFF000  }
0x6a: {  	[spmem:s1] =	stream.linear.scatter [tilespmem:s13], [sflag:$0x4], $0x1000, $0x38;
	[tilespmem:$0x1F180] =	vst v63  }
0x6b: {  	_ =	swait.ge [sflag:s12], $0x1000  }
0x6c: {  	[sflag:s12] =	ssyncset.done $0x0  }
0x6d: {  	s6 =	rddreg [dreg:$0x14];
	[sflag:s12] =	ssyncadd.s32 $0xFFFFF000  }
0x6e: {  	[spmem:s6] =	stream.linear.scatter [tilespmem:s13], [sflag:$0x4], $0x1000, $0x38;
	[tilespmem:$0x1F180] =	vst v63  }
0x6f: {  	_ =	swait.ge [sflag:s12], $0x1000  }
0x70: {  	[sflag:s12] =	ssyncset.done $0x0  }
0x71: {  	s1 =	rddreg [dreg:$0x15];
	[sflag:s12] =	ssyncadd.s32 $0xFFFFF000  }
0x72: {  	[spmem:s1] =	stream.linear.scatter [tilespmem:s13], [sflag:$0x4], $0x1000, $0x38;
	[tilespmem:$0x1F180] =	vst v63  }
0x73: {  	_ =	swait.ge [sflag:s12], $0x1000  }
0x74: {  	[sflag:s12] =	ssyncset.done $0x0  }
0x75: {  	s6 =	rddreg [dreg:$0x16];
	[sflag:s12] =	ssyncadd.s32 $0xFFFFF000  }
0x76: {  	[spmem:s6] =	stream.linear.scatter [tilespmem:s13], [sflag:$0x4], $0x1000, $0x38;
	[tilespmem:$0x1F180] =	vst v63  }
0x77: {  	_ =	swait.ge [sflag:s12], $0x1000  }
0x78: {  	[sflag:s12] =	ssyncset.done $0x0  }
0x79: {  	s1 =	rddreg [dreg:$0x17];
	[sflag:s12] =	ssyncadd.s32 $0xFFFFF000  }
0x7a: {  	[spmem:s1] =	stream.linear.scatter [tilespmem:s13], [sflag:$0x4], $0x1000, $0x38;
	[tilespmem:$0x1F180] =	vst v63  }
0x7b: {  	_ =	swait.ge [sflag:s12], $0x1000  }
0x7c: {  	[sflag:s12] =	ssyncset.done $0x0  }
0x7d: {  	s6 =	rddreg [dreg:$0x18];
	[sflag:s12] =	ssyncadd.s32 $0xFFFFF000  }
0x7e: {  	[spmem:s6] =	stream.linear.scatter [tilespmem:s13], [sflag:$0x4], $0x1000, $0x38;
	[tilespmem:$0x1F180] =	vst v63  }
0x7f: {  	_ =	swait.ge [sflag:s12], $0x1000  }
0x80: {  	[sflag:s12] =	ssyncset.done $0x0  }
0x81: {  	s1 =	rddreg [dreg:$0x19];
	[sflag:s12] =	ssyncadd.s32 $0xFFFFF000  }
0x82: {  	[spmem:s1] =	stream.linear.scatter [tilespmem:s13], [sflag:$0x4], $0x1000, $0x38;
	[tilespmem:$0x1F180] =	vst v63  }
0x83: {  	_ =	swait.ge [sflag:s12], $0x1000  }
0x84: {  	[sflag:s12] =	ssyncset.done $0x0  }
0x85: {  	[sflag:s12] =	ssyncadd.s32 $0xFFFFF000  }
0x86: {  	[spmem:s9] =	stream.linear.scatter [tilespmem:s13], [sflag:$0x4], $0x1000, $0x38;
	[tilespmem:$0x1F180] =	vst v63  }
0x87: {  	_ =	swait.ge [sflag:s12], $0x1000  }
0x88: {  	[sflag:s12] =	ssyncset.done $0x0  }
0x89: {  	[sflag:s12] =	ssyncadd.s32 $0xFFFFF000  }
0x8a: {  	s0 =	simm.s32 $0x0;
	[bflag:$0x0] =	sbarrier.arrive $0xFFFF  }
0x8b: {  	[tilespmem:s14], [sflag:$0x1] =	stream.linear.gather [hbm4b:s8+s0], $0x50, $0x38;
	[tilespmem:$0x1F180] =	vst v63  }
0x8c: {  	_ = 	snop  }
0x8d: {  	[tilespmem:s16], [sflag:$0x1] =	stream.indirect.gather [hbm4b:s5+s15], $0x80, s0, s15, $0xb8;
	[tilespmem:$0x1F180] =	vst v63  }
0x8e: {  	s6 =	rddreg [dreg:$0x4]  }
0x8f: {  	[tilespmem:s17], [sflag:$0x2] =	stream.linear.gather [hbm4b:s6+s0], $0x50, $0x38;
	[tilespmem:$0x1F180] =	vst v63  }
0x90: {  	_ = 	snop  }
0x91: {  	[tilespmem:s18], [sflag:$0x2] =	stream.indirect.gather [hbm4b:s5+s15], $0x80, s15, s15, $0xb8;
	[tilespmem:$0x1F180] =	vst v63  }
0x92: {  	s6 =	rddreg [dreg:$0x5]  }
0x93: {  	[tilespmem:s19], [sflag:$0x3] =	stream.linear.gather [hbm4b:s6+s0], $0x50, $0x38;
	[tilespmem:$0x1F180] =	vst v63  }
0x94: {  	s1 =	simm.s32 $0xA0  }
0x95: {  	[tilespmem:s20], [sflag:$0x3] =	stream.indirect.gather [hbm4b:s5+s15], $0x80, s1, s15, $0xb8;
	[tilespmem:$0x1F180] =	vst v63  }
0x96: {  	_ =	swait.ge [sflag:s21], $0x50  }
0x97: {  	[sflag:s21] =	ssyncset.done $0x0  }
0x98: {  	[sflag:s21] =	ssyncadd.s32 $0xFFFFFFB0  }
0x99: {  	_ =	swait.ge [sflag:s21], $0x2800  }
0x9a: {  	[sflag:s21] =	ssyncset.done $0x0  }
0x9b: {  	[sflag:s21] =	ssyncadd.s32 $0xFFFFD800  }
0x9c: {  	[spmem:s2] =	stream.indirect.scatter.add.f32 [tilespmem:s16], [sflag:$0x4], $0x80, s14, s15, $0xb8;
	[tilespmem:$0x1F180] =	vst v63  }
0x9d: {  	_ =	swait.ge [sflag:s12], $0x2800  }
0x9e: {  	s6 =	sshrl.u32 s25, $0x3;
	[sflag:s12] =	ssyncset.done $0x0  }
0x9f: {  	s0 =	sadd.s32 s4, s6;
	[sflag:s12] =	ssyncadd.s32 $0xFFFFD800  }
0xa0: {  	[tilespmem:s14], [sflag:$0x1] =	stream.linear.gather [hbm4b:s0+s3], $0x50, $0x38;
	[tilespmem:$0x1F180] =	vst v63  }
0xa1: {  	s1 =	simm.s32 $0xF0  }
0xa2: {  	[tilespmem:s16], [sflag:$0x1] =	stream.indirect.gather [hbm4b:s5+s15], $0x80, s1, s15, $0xb8;
	[tilespmem:$0x1F180] =	vst v63  }
0xa3: {  	_ =	swait.ge [sflag:s22], $0x50  }
0xa4: {  	[sflag:s22] =	ssyncset.done $0x0  }
0xa5: {  	[sflag:s22] =	ssyncadd.s32 $0xFFFFFFB0  }
0xa6: {  	_ =	swait.ge [sflag:s22], $0x2800  }
0xa7: {  	[sflag:s22] =	ssyncset.done $0x0  }
0xa8: {  	[sflag:s22] =	ssyncadd.s32 $0xFFFFD800  }
0xa9: {  	[spmem:s2] =	stream.indirect.scatter.add.f32 [tilespmem:s18], [sflag:$0x4], $0x80, s17, s15, $0xb8;
	[tilespmem:$0x1F180] =	vst v63  }
0xaa: {  	_ =	swait.ge [sflag:s12], $0x2800  }
0xab: {  	[sflag:s12] =	ssyncset.done $0x0  }
0xac: {  	[sflag:s12] =	ssyncadd.s32 $0xFFFFD800  }
0xad: {  	[tilespmem:s17], [sflag:$0x2] =	stream.linear.gather [hbm4b:s24+s3], $0x50, $0x38;
	[tilespmem:$0x1F180] =	vst v63  }
0xae: {  	s6 =	simm.s32 $0x140  }
0xaf: {  	[tilespmem:s18], [sflag:$0x2] =	stream.indirect.gather [hbm4b:s5+s15], $0x80, s6, s15, $0xb8;
	[tilespmem:$0x1F180] =	vst v63  }
0xb0: {  	_ =	swait.ge [sflag:s26], $0x50  }
0xb1: {  	[sflag:s26] =	ssyncset.done $0x0  }
0xb2: {  	[sflag:s26] =	ssyncadd.s32 $0xFFFFFFB0  }
0xb3: {  	_ =	swait.ge [sflag:s26], $0x2800  }
0xb4: {  	[sflag:s26] =	ssyncset.done $0x0  }
0xb5: {  	[sflag:s26] =	ssyncadd.s32 $0xFFFFD800  }
0xb6: {  	[spmem:s2] =	stream.indirect.scatter.add.f32 [tilespmem:s20], [sflag:$0x4], $0x80, s19, s15, $0xb8;
	[tilespmem:$0x1F180] =	vst v63  }
0xb7: {  	s29 =	simm.s32 $0x3C0;
	_ =	swait.ge [sflag:s12], $0x2800  }
0xb8: {  	s30 =	sadd.s32 $0xF0, s25;
	s31 =	sadd.s32 $0x1E, s23;
	[sflag:s12] =	ssyncset.done $0x0  }
0xb9: {  	s0 =	simm.s32 $0x190;
	s1 =	sadd.s32 $0x1E, s24;
	[sflag:s12] =	ssyncadd.s32 $0xFFFFD800  }
0xba: {  	[tilespmem:s19], [sflag:$0x3] =	stream.linear.gather [hbm4b:s23+s3], $0x50, $0x38;
	[tilespmem:$0x1F180] =	vst v63  }
.LBB2_4:
0xbb: {  	[tilespmem:s20], [sflag:$0x3] =	stream.indirect.gather [hbm4b:s5+s15], $0x80, s0, s15, $0xb8;
	[tilespmem:$0x1F180] =	vst v63  }
0xbc: {  	s0 =	smov.u32 s29  }
0xbd: {  	p0 =	sne.s32 s29, $0x9240;
	s29 =	sadd.s32 $0x3C0, s29;
	_ =	swait.ge [sflag:s21], $0x50  }
0xbe: {  	[sflag:s21] =	ssyncset.done $0x0  }
0xbf: {  	[sflag:s21] =	ssyncadd.s32 $0xFFFFFFB0  }
0xc0: {  	_ =	swait.ge [sflag:s21], $0x2800  }
0xc1: {  	[sflag:s21] =	ssyncset.done $0x0  }
0xc2: {  	[sflag:s21] =	ssyncadd.s32 $0xFFFFD800  }
0xc3: {  	[spmem:s2] =	stream.indirect.scatter.add.f32 [tilespmem:s16], [sflag:$0x4], $0x80, s14, s15, $0xb8;
	[tilespmem:$0x1F180] =	vst v63  }
0xc4: {  	_ =	swait.ge [sflag:s12], $0x2800  }
0xc5: {  	s6 =	sshrl.u32 s30, $0x3;
	[sflag:s12] =	ssyncset.done $0x0  }
0xc6: {  	s6 =	sadd.s32 s4, s6;
	s0 =	sshra.s32 s0, $0x2;
	[sflag:s12] =	ssyncadd.s32 $0xFFFFD800  }
0xc7: {  	[tilespmem:s14], [sflag:$0x1] =	stream.linear.gather [hbm4b:s6+s3], $0x50, $0x38;
	[tilespmem:$0x1F180] =	vst v63  }
0xc8: {  	s6 =	sadd.s32 $0xF0, s0  }
0xc9: {  	[tilespmem:s16], [sflag:$0x1] =	stream.indirect.gather [hbm4b:s5+s15], $0x80, s6, s15, $0xb8;
	[tilespmem:$0x1F180] =	vst v63  }
0xca: {  	_ =	swait.ge [sflag:s22], $0x50  }
0xcb: {  	[sflag:s22] =	ssyncset.done $0x0  }
0xcc: {  	[sflag:s22] =	ssyncadd.s32 $0xFFFFFFB0  }
0xcd: {  	_ =	swait.ge [sflag:s22], $0x2800  }
0xce: {  	[sflag:s22] =	ssyncset.done $0x0  }
0xcf: {  	[sflag:s22] =	ssyncadd.s32 $0xFFFFD800  }
0xd0: {  	[spmem:s2] =	stream.indirect.scatter.add.f32 [tilespmem:s18], [sflag:$0x4], $0x80, s17, s15, $0xb8;
	[tilespmem:$0x1F180] =	vst v63  }
0xd1: {  	_ =	swait.ge [sflag:s12], $0x2800  }
0xd2: {  	[sflag:s12] =	ssyncset.done $0x0  }
0xd3: {  	[sflag:s12] =	ssyncadd.s32 $0xFFFFD800  }
0xd4: {  	[tilespmem:s17], [sflag:$0x2] =	stream.linear.gather [hbm4b:s1+s3], $0x50, $0x38;
	[tilespmem:$0x1F180] =	vst v63  }
0xd5: {  	s6 =	sadd.s32 $0x140, s0  }
0xd6: {  	[tilespmem:s18], [sflag:$0x2] =	stream.indirect.gather [hbm4b:s5+s15], $0x80, s6, s15, $0xb8;
	[tilespmem:$0x1F180] =	vst v63  }
0xd7: {  	_ =	swait.ge [sflag:s26], $0x50  }
0xd8: {  	[sflag:s26] =	ssyncset.done $0x0  }
0xd9: {  	[sflag:s26] =	ssyncadd.s32 $0xFFFFFFB0  }
0xda: {  	_ =	swait.ge [sflag:s26], $0x2800  }
0xdb: {  	[sflag:s26] =	ssyncset.done $0x0  }
0xdc: {  	[sflag:s26] =	ssyncadd.s32 $0xFFFFD800  }
0xdd: {  	[spmem:s2] =	stream.indirect.scatter.add.f32 [tilespmem:s20], [sflag:$0x4], $0x80, s19, s15, $0xb8;
	[tilespmem:$0x1F180] =	vst v63  }
.Ltmp1:
0xde: {  	_ =	swait.ge [sflag:s12], $0x2800;
	(pc) =	sbr.rel @p0 .LBB2_4-.Ltmp1, $4  }
0xdf: {  	[sflag:s12] =	ssyncset.done $0x0  }
0xe0: {  	s30 =	sadd.s32 $0xF0, s30;
	[sflag:s12] =	ssyncadd.s32 $0xFFFFD800  }
0xe1: {  	[tilespmem:s19], [sflag:$0x3] =	stream.linear.gather [hbm4b:s31+s3], $0x50, $0x38;
	[tilespmem:$0x1F180] =	vst v63  }
0xe2: {  	s0 =	sadd.s32 $0x190, s0;
	s1 =	sadd.s32 $0x1E, s1;
	s31 =	sadd.s32 $0x1E, s31  }
0xe3: {  	[tilespmem:s20], [sflag:$0x3] =	stream.indirect.gather [hbm4b:s5+s15], $0x80, s0, s15, $0xb8;
	[tilespmem:$0x1F180] =	vst v63  }
0xe4: {  	_ =	swait.ge [sflag:s21], $0x50  }
0xe5: {  	[sflag:s21] =	ssyncset.done $0x0  }
0xe6: {  	[sflag:s21] =	ssyncadd.s32 $0xFFFFFFB0  }
0xe7: {  	_ =	swait.ge [sflag:s21], $0x2800  }
0xe8: {  	[sflag:s21] =	ssyncset.done $0x0  }
0xe9: {  	[sflag:s21] =	ssyncadd.s32 $0xFFFFD800  }
0xea: {  	[spmem:s2] =	stream.indirect.scatter.add.f32 [tilespmem:s16], [sflag:$0x4], $0x80, s14, s15, $0xb8;
	[tilespmem:$0x1F180] =	vst v63  }
0xeb: {  	_ =	swait.ge [sflag:s12], $0x2800  }
0xec: {  	[sflag:s12] =	ssyncset.done $0x0  }
0xed: {  	[sflag:s12] =	ssyncadd.s32 $0xFFFFD800  }
0xee: {  	[tilespmem:s14], [sflag:$0x1] =	stream.linear.gather [hbm4b:s10+s3], $0x50, $0x38;
	[tilespmem:$0x1F180] =	vst v63  }
0xef: {  	s6 =	simm.s32 $0x2670  }
0xf0: {  	[tilespmem:s16], [sflag:$0x1] =	stream.indirect.gather [hbm4b:s5+s15], $0x80, s6, s15, $0xb8;
	[tilespmem:$0x1F180] =	vst v63  }
0xf1: {  	_ =	swait.ge [sflag:s22], $0x50  }
0xf2: {  	[sflag:s22] =	ssyncset.done $0x0  }
0xf3: {  	[sflag:s22] =	ssyncadd.s32 $0xFFFFFFB0  }
0xf4: {  	_ =	swait.ge [sflag:s22], $0x2800  }
0xf5: {  	[sflag:s22] =	ssyncset.done $0x0  }
0xf6: {  	[sflag:s22] =	ssyncadd.s32 $0xFFFFD800  }
0xf7: {  	[spmem:s2] =	stream.indirect.scatter.add.f32 [tilespmem:s18], [sflag:$0x4], $0x80, s17, s15, $0xb8;
	[tilespmem:$0x1F180] =	vst v63  }
0xf8: {  	_ =	swait.ge [sflag:s12], $0x2800  }
0xf9: {  	[sflag:s12] =	ssyncset.done $0x0  }
0xfa: {  	[sflag:s12] =	ssyncadd.s32 $0xFFFFD800  }
0xfb: {  	[tilespmem:s17], [sflag:$0x2] =	stream.linear.gather [hbm4b:s11+s3], $0x50, $0x38;
	[tilespmem:$0x1F180] =	vst v63  }
0xfc: {  	s29 =	simm.s32 $0x26C0  }
0xfd: {  	[tilespmem:s18], [sflag:$0x2] =	stream.indirect.gather [hbm4b:s5+s15], $0x80, s29, s15, $0xb8;
	[tilespmem:$0x1F180] =	vst v63  }
0xfe: {  	_ =	swait.ge [sflag:s26], $0x50  }
0xff: {  	[sflag:s26] =	ssyncset.done $0x0  }
0x100: {  	[sflag:s26] =	ssyncadd.s32 $0xFFFFFFB0  }
0x101: {  	_ =	swait.ge [sflag:s26], $0x2800  }
0x102: {  	[sflag:s26] =	ssyncset.done $0x0  }
0x103: {  	[sflag:s26] =	ssyncadd.s32 $0xFFFFD800  }
0x104: {  	[spmem:s2] =	stream.indirect.scatter.add.f32 [tilespmem:s20], [sflag:$0x4], $0x80, s19, s15, $0xb8;
	[tilespmem:$0x1F180] =	vst v63  }
0x105: {  	_ =	swait.ge [sflag:s12], $0x2800  }
0x106: {  	[sflag:s12] =	ssyncset.done $0x0  }
0x107: {  	[sflag:s12] =	ssyncadd.s32 $0xFFFFD800  }
0x108: {  	_ =	swait.ge [sflag:s21], $0x50  }
0x109: {  	[sflag:s21] =	ssyncset.done $0x0  }
0x10a: {  	[sflag:s21] =	ssyncadd.s32 $0xFFFFFFB0  }
0x10b: {  	_ =	swait.ge [sflag:s21], $0x2800  }
0x10c: {  	[sflag:s21] =	ssyncset.done $0x0  }
0x10d: {  	[sflag:s21] =	ssyncadd.s32 $0xFFFFD800  }
0x10e: {  	[spmem:s2] =	stream.indirect.scatter.add.f32 [tilespmem:s16], [sflag:$0x4], $0x80, s14, s15, $0xb8;
	[tilespmem:$0x1F180] =	vst v63  }
0x10f: {  	_ =	swait.ge [sflag:s12], $0x2800  }
0x110: {  	[sflag:s12] =	ssyncset.done $0x0  }
0x111: {  	[sflag:s12] =	ssyncadd.s32 $0xFFFFD800  }
0x112: {  	_ =	swait.ge [sflag:s22], $0x50  }
0x113: {  	[sflag:s22] =	ssyncset.done $0x0  }
0x114: {  	[sflag:s22] =	ssyncadd.s32 $0xFFFFFFB0  }
0x115: {  	_ =	swait.ge [sflag:s22], $0x2800  }
0x116: {  	[sflag:s22] =	ssyncset.done $0x0  }
0x117: {  	[sflag:s22] =	ssyncadd.s32 $0xFFFFD800  }
0x118: {  	[spmem:s2] =	stream.indirect.scatter.add.f32 [tilespmem:s18], [sflag:$0x4], $0x80, s17, s15, $0xb8;
	[tilespmem:$0x1F180] =	vst v63  }
0x119: {  	_ =	swait.ge [sflag:s12], $0x2800  }
0x11a: {  	[sflag:s12] =	ssyncset.done $0x0  }
0x11b: {  	s30 =	stileid.u32;
	[sflag:s12] =	ssyncadd.s32 $0xFFFFD800  }
0x11c: {  	s0 =	sshll.u32 s30, $0x6;
	[bflag:$0x0] =	sbarrier.arrive $0xFFFF  }
0x11d: {  	s1 =	sshrl.u32 s7, $0x3;
	s0 =	sor.u32 $0x1C04, s0;
	s6 =	rddreg [dreg:$0x6]  }
0x11e: {  	[hbm:s6], [sflag:s0] =	dma.local [spmem:s1], $0x2800  }
0x11f: {  	_ =	swait.ge [sflag:s12], $0x2800  }
0x120: {  	s28 =	sadd.s32 $0x1, s28;
	s31 =	rddreg [dreg:$0x7]  }
0x121: {  	p0 =	sne.s32 s28, s31  }
.Ltmp2:
0x122: {  	_ = 	snop;
	(pc) =	sbr.rel @p0 .LBB2_1-.Ltmp2, $3  }
0x123: {  	_ =	sdelay $0x1  }
0x124: {  	[sflag:s12] =	ssyncset.done $0x0  }
0x125: {  	[sflag:s12] =	ssyncadd.s32 $0xFFFFD800  }
0x126: {  	_ =	sfence.sel $0x180000  }
0x127: {  	[bflag:$0x0] =	sbarrier.arrive $0xFFFF  }
0x128: {  	_ =	strace $0x9000004D  }
0x129: {  	s0 =	stileid.u32;
	[bflag:$0x2] =	sbarrier.arrive $0xFFFF  }
0x12a: {  	p0 =	sne.s32 s0, $0x0;
	s0 =	rddreg [dreg:$0x2]  }
0x12b: {  	s0 =	sadd.s32 @!p0 $0x100000, s0  }
0x12c: {  	[sflag:s0] =	ssyncadd.tile.s32 @!p0 $0x1;
	_ =	shalt  }
.Lfunc_end2:
_tile_overlayer_lowered:
.L_overlay_start_2:
0x12d: {  	(tag) =	ssettag $0x2  }
0x12e: {  	s0 =	rddreg [dreg:$0x0];
	s2 =	stileid.u32  }
0x12f: {  	s1 =	rddreg [dreg:$0x1];
	p0 =	sne.s32 s2, $0x0  }
0x130: {  	s3 =	rddreg [dreg:$0x2];
	[bflag:$0x3] =	sbarrier.arrive $0xFFFF;
	s2 =	simm.s32 @!p0 $0x1C04  }
0x131: {  	[timem:s3], [sflag:s2] =	dma.local @!p0 [hbm:s0], s1  }
0x132: {  	s0 =	simm.s32 @!p0 $0x4  }
0x133: {  	_ =	swait.ge @!p0 [sflag:s0], s1  }
0x134: {  	s1 =	ssub.s32 @!p0 $0x0, s1;
	[sflag:s0] =	ssyncset.done @!p0 $0x0  }
0x135: {  	[sflag:s0] =	ssyncadd.s32 @!p0 s1  }
0x136: {  	[bflag:$0x3] =	sbarrier.arrive $0xFFFF  }
0x137: {  	_ =	shalt  }

// kernel: kernel.8.cloned.1.call-start
scs
__scs_entry_jumppad:
0x0: {  	(pc) =	sbr.rel $0x88, $3  }
0x1: {  	(tag) =	ssettag $0x0;
	lr =	simm.s32 $0x1  }
0x2: {  	[smem:$0x3F94] =	sst lr;
	_ =	strace $0xD0000000  }
0x3: {  	_ = 	snop  }
0x4: {  	_ = 	snop  }
0x5: {  	_ = 	snop  }
0x6: {  	_ = 	snop  }
0x7: {  	_ = 	snop  }
__scs_overlays_trampoline_lowered:
0x8: {  	[smem:$0x3FA3] =	sst s0  }
0x9: {  	[smem:$0x3FA4] =	sst s1  }
0xa: {  	[smem:$0x3FA5] =	sst s2  }
0xb: {  	[smem:$0x3FA6] =	sst s3  }
0xc: {  	[smem:$0x3FA7] =	sst s4  }
0xd: {  	[smem:$0x3FA8] =	sst s5  }
0xe: {  	[smem:$0x3FA9] =	sst s6  }
0xf: {  	[smem:$0x3FAA] =	sst s7  }
0x10: {  	[smem:$0x3FAB] =	sst s8  }
0x11: {  	[smem:$0x3FAC] =	sst s9;
	s0 =	simm.s32 @!p0 $0x0  }
0x12: {  	s1 =	sld [smem:$0x3F92];
	s0 =	simm.s32 @p0 $0x1  }
0x13: {  	[smem:$0x3FAD] =	sst s0;
	s0 =	simm.s32 @!p1 $0x0  }
0x14: {  	s2 =	sld [smem:$0x3F91];
	s0 =	simm.s32 @p1 $0x1  }
0x15: {  	[smem:$0x3FAE] =	sst s0;
	s0 =	simm.s32 @!p2 $0x0  }
0x16: {  	s3 =	sld [smem:$0x3FDB];
	s0 =	simm.s32 @p2 $0x1  }
0x17: {  	s4 =	simm.s32 $0x1BF5;
	[smem:$0x3FB0] =	sst s0  }
0x18: {  	s0 =	sld [smem:$0x3F93];
	_ =	swait.ge [sflag:s4], $0x0  }
0x19: {  	s7 =	sld [smem:$0x3F94]  }
0x1a: {  	s8 =	sadd.s32 $0xFFFFE003, lr  }
0x1b: {  	s9 =	sadd.s32 $0xFFFFFEF7, lr;
	s5 =	simm.s32 $0xFFFFFFFF;
	p2 =	slt.u32 s8, $0xFFFFF086  }
0x1c: {  	p1 =	slt.u32 s9, $0xF7A;
	s5 =	simm.s32 @!p2 $0x0  }
0x1d: {  	s5 =	simm.s32 @p1 $0x1;
	p0 =	seq.s32 s7, s2  }
0x1e: {  	s7 =	smul.u32 @!p0 $0xF7A, s2;
	p2 =	seq.s32 @!p0 s5, $0x0  }
0x1f: {  	s9 =	smul.u32 $0xF7A, s1;
	s8 =	simm.s32 @!p0 $0x1BF5;
	p2 =	por !p2, p0  }
0x20: {  	[sflag:s8] =	ssyncset.s32 @!p0 $0xFFFFF086;
	s6 =	sadd.s32 @!p0 s3, s7;
	s7 =	simm.s32 @!p0 $0x108  }
0x21: {  	s3 =	sadd.s32 s3, s9;
	s6 =	sadd.s32 @!p0 $0x88, s6;
	s7 =	simm.s32 @p2 $0x1082  }
0x22: {  	[simem:s7], [sflag:s8] =	dma.local @!p0 [hbm:s6], $0xF7A  }
0x23: {  	s9 =	sor.u32 $0xD0000000, s2;
	s6 =	simm.s32 $0x108;
	_ =	swait.ge @!p0 [sflag:s8], $0x0  }
0x24: {  	s3 =	sadd.s32 $0x88, s3;
	s6 =	simm.s32 @!p1 $0x1082;
	[sflag:s4] =	ssyncset.s32 $0xFFFFF086  }
0x25: {  	[simem:s6], [sflag:s4] =	dma.local [hbm:s3], $0xF7A  }
0x26: {  	[smem:$0x3F94] =	sst s1;
	(tag) =	ssettag s2;
	_ =	strace s9  }
0x27: {  	s1 =	sld [smem:$0x3FA4]  }
0x28: {  	s2 =	sld [smem:$0x3FA5]  }
0x29: {  	s4 =	sld [smem:$0x3FA7]  }
0x2a: {  	p0 =	seq.s32 s5, $0x0;
	s5 =	sld [smem:$0x3FA8]  }
0x2b: {  	s6 =	sld [smem:$0x3FA9]  }
0x2c: {  	s7 =	sld [smem:$0x3FAA]  }
0x2d: {  	s3 =	simm.s32 $0x108;
	s8 =	sld [smem:$0x3FAB]  }
0x2e: {  	s3 =	simm.s32 @!p0 $0x1082;
	s9 =	sld [smem:$0x3FAC]  }
0x2f: {  	lr =	sadd.s32 s0, s3;
	s0 =	sld [smem:$0x3FA3]  }
0x30: {  	s3 =	sld [smem:$0x3FA6]  }
0x31: {  	[smem:$0x3FAF] =	sst s10  }
0x32: {  	s10 =	sld [smem:$0x3FAD];
	_ =	sdelay $0x3  }
0x33: {  	p0 =	seq.s32 s10, $0x1;
	s10 =	sld [smem:$0x3FAF];
	_ =	sdelay $0x3  }
0x34: {  	[smem:$0x3FAF] =	sst s10  }
0x35: {  	s10 =	sld [smem:$0x3FAE];
	_ =	sdelay $0x3  }
0x36: {  	p1 =	seq.s32 s10, $0x1;
	s10 =	sld [smem:$0x3FAF];
	_ =	sdelay $0x3  }
0x37: {  	[smem:$0x3FAF] =	sst s10  }
0x38: {  	s10 =	sld [smem:$0x3FB0]  }
0x39: {  	_ = 	snop;
	(pc) =	sbr.ind lr, $3  }
0x3a: {  	_ = 	snop  }
0x3b: {  	_ = 	snop  }
0x3c: {  	p2 =	seq.s32 s10, $0x1;
	s10 =	sld [smem:$0x3FAF]  }
0x3d: {  	_ =	shalt  }
0x3e: {  	_ =	shalt  }
0x3f: {  	_ =	shalt  }
0x40: {  	_ =	shalt  }
0x41: {  	_ =	shalt  }
0x42: {  	_ =	shalt  }
0x43: {  	_ =	shalt  }
0x44: {  	_ =	shalt  }
0x45: {  	_ =	shalt  }
0x46: {  	_ =	shalt  }
0x47: {  	_ =	shalt  }
0x48: {  	_ =	shalt  }
0x49: {  	_ =	shalt  }
0x4a: {  	_ =	shalt  }
0x4b: {  	_ =	shalt  }
0x4c: {  	_ =	shalt  }
0x4d: {  	_ =	shalt  }
0x4e: {  	_ =	shalt  }
0x4f: {  	_ =	shalt  }
0x50: {  	_ =	shalt  }
0x51: {  	_ =	shalt  }
0x52: {  	_ =	shalt  }
0x53: {  	_ =	shalt  }
0x54: {  	_ =	shalt  }
0x55: {  	_ =	shalt  }
0x56: {  	_ =	shalt  }
0x57: {  	_ =	shalt  }
0x58: {  	_ =	shalt  }
0x59: {  	_ =	shalt  }
0x5a: {  	_ =	shalt  }
0x5b: {  	_ =	shalt  }
0x5c: {  	_ =	shalt  }
0x5d: {  	_ =	shalt  }
0x5e: {  	_ =	shalt  }
0x5f: {  	_ =	shalt  }
0x60: {  	_ =	shalt  }
0x61: {  	_ =	shalt  }
0x62: {  	_ =	shalt  }
0x63: {  	_ =	shalt  }
0x64: {  	_ =	shalt  }
0x65: {  	_ =	shalt  }
0x66: {  	_ =	shalt  }
0x67: {  	_ =	shalt  }
0x68: {  	_ =	shalt  }
0x69: {  	_ =	shalt  }
0x6a: {  	_ =	shalt  }
0x6b: {  	_ =	shalt  }
0x6c: {  	_ =	shalt  }
0x6d: {  	_ =	shalt  }
0x6e: {  	_ =	shalt  }
0x6f: {  	_ =	shalt  }
0x70: {  	_ =	shalt  }
0x71: {  	_ =	shalt  }
0x72: {  	_ =	shalt  }
0x73: {  	_ =	shalt  }
0x74: {  	_ =	shalt  }
0x75: {  	_ =	shalt  }
0x76: {  	_ =	shalt  }
0x77: {  	_ =	shalt  }
0x78: {  	_ =	shalt  }
0x79: {  	_ =	shalt  }
0x7a: {  	_ =	shalt  }
0x7b: {  	_ =	shalt  }
0x7c: {  	_ =	shalt  }
0x7d: {  	_ =	shalt  }
0x7e: {  	_ =	shalt  }
0x7f: {  	_ =	shalt  }
0x80: {  	_ =	shalt  }
0x81: {  	_ =	shalt  }
0x82: {  	_ =	shalt  }
0x83: {  	_ =	shalt  }
0x84: {  	_ =	shalt  }
0x85: {  	_ =	shalt  }
0x86: {  	_ =	shalt  }
0x87: {  	_ =	shalt  }
.Lfunc_end0:
.L_simem_size_0:
called_computation_lowered:
.L_overlay_start_0:
0x88: {  	s2 =	sld [smem:$0x3FD9]  }
0x89: {  	s3 =	sld [smem:$0x3FFE];
	_ =	sdelay $0x1  }
0x8a: {  	s1 =	srdreg.scid  }
0x8b: {  	s0 =	sand.u32 $0x1, s1  }
0x8c: {  	s16 =	sshll.u32 s0, $0xA;
	s2 =	sadd.s32 s3, s2  }
0x8d: {  	s2 =	sadd.s32 s2, s16  }
0x8e: {  	[smem:$0x3FBB] =	sst s2  }
0x8f: {  	_ = 	snop  }
0x90: {  	(tm) =	ssettm $0x1  }
0x91: {  	s17 =	sld [smem:$0x3FFB];
	_ =	sdelay $0x3  }
0x92: {  	_ =	strace s17  }
0x93: {  	s2 =	sld [smem:$0x3FFC];
	_ =	sdelay $0x3  }
0x94: {  	_ =	strace s2  }
0x95: {  	s2 =	sld [smem:$0x3FFD];
	_ =	sdelay $0x3  }
0x96: {  	_ =	strace s2  }
0x97: {  	_ =	strace $0x8FFFFFFF  }
0x98: {  	s18 =	sld [smem:$0x3FDB];
	_ =	sdelay $0x1  }
0x99: {  	s19 =	simm.s32 $_scs_section_size  }
0x9a: {  	s4 =	simm.s32 $_size__tile_overlayer_lowered;
	s5 =	simm.s32 $_tile_overlayer_lowered  }
0x9b: {  	s22 =	simm.s32 $0x1BFF;
	s21 =	sshll.u32 s5, $0x1;
	s2 =	sadd.s32 s19, s18  }
0x9c: {  	s6 =	simm.s32 $0x0;
	s20 =	sshll.u32 s4, $0x1;
	s4 =	sadd.s32 s21, s2  }
0x9d: {  	[timem:s6], [sflag:s22] =	dma.local [hbm:s4], s20  }
0x9e: {  	_ =	swait.ge [sflag:s22], s20  }
0x9f: {  	s3 =	ssub.s32 $0x0, s20;
	[sflag:s22] =	ssyncset.done $0x0  }
0xa0: {  	[sflag:s22] =	ssyncadd.s32 s3;
	_ =	sdelay $0x1  }
0xa1: {  	s23 =	simm.s32 $0x1B8B  }
0xa2: {  	_ =	swait.ge [sflag:s23], $0x1  }
0xa3: {  	[sflag:s23] =	ssyncset.done $0x0  }
0xa4: {  	s25 =	simm.s32 $0x1B8E;
	s24 =	sld [smem:$0x3FFE];
	[sflag:s23] =	ssyncadd.s32 $0xFFFFFFFF  }
0xa5: {  	s26 =	simm.s32 $execute0_lowered;
	[smem:$0x3FD2] =	sst s25  }
0xa6: {  	s4 =	sshll.u32 s26, $0x1;
	_ =	strace $0x80000046;
	[dreg:$0x1] =	wrdreg $0xFFFFFFFF  }
0xa7: {  	s28 =	simm.s32 $_size_execute0_lowered;
	s2 =	sadd.s32 s2, s4;
	[dreg:$0x0] =	wrdreg $0x0  }
0xa8: {  	s4 =	sshll.u32 s28, $0x1;
	[dreg:$0x2] =	wrdreg s2  }
0xa9: {  	[dreg:$0x3] =	wrdreg s4  }
0xaa: {  	[dreg:$0x4] =	wrdreg $0xC0  }
0xab: {  	_ =	task [dreg:s6], $0x5FFFF  }
0xac: {  	[dreg:$0x1] =	wrdreg $0xFFFFFFFF  }
0xad: {  	[dreg:$0x0] =	wrdreg $0x60  }
0xae: {  	[dreg:$0x2] =	wrdreg s24  }
0xaf: {  	[dreg:$0x3] =	wrdreg $0x43000  }
0xb0: {  	[dreg:$0x4] =	wrdreg $0x9  }
0xb1: {  	_ =	task.clear_ibuf [dreg:s6], $0x5FFFF;
	_ =	strace $0x90000046  }
0xb2: {  	s29 =	simm.s32 $0x9;
	_ =	strace $0x80000048  }
0xb3: {  	_ =	swait.ge [sflag:s29], $0x1  }
0xb4: {  	[sflag:s29] =	ssyncadd.s32 $0xFFFFFFFF  }
0xb5: {  	_ =	strace $0x90000048  }
0xb6: {  	_ =	sfence  }
0xb7: {  	s30 =	sld [smem:$0x0];
	_ =	sdelay $0x2  }
0xb8: {  	s31 =	sshll.u32 s1, $0xD;
	s1 =	sshrl.u32 s1, $0x2  }
0xb9: {  	s3 =	sand.u32 $0x4000, s31;
	s1 =	sadd.s32 s1, s30  }
0xba: {  	s0 =	sor.u32 s3, s0;
	s1 =	sshll.u32 s1, $0x11  }
0xbb: {  	s0 =	sor.u32 s1, s0  }
0xbc: {  	s0 =	sadd.s32 $0x8F2B, s0  }
0xbd: {  	[sflag:s0] =	ssyncadd.remote.s32 $0x1  }
0xbe: {  	_ =	sfence.sel $0xFFFF  }
0xbf: {  	[dreg:$0x0] =	wrdreg $0xFFFFFFFF;
	(pc) =	sbr.abs _section_cstart, $3  }
0xc0: {  	[dreg:$0x1] =	wrdreg $0xFFFFFFFF  }
0xc1: {  	_ =	task.clear_ibuf [dreg:s6], $0x2FFFF;
	_ =	strace $0x9FFFFFFF  }
0xc2: {  	(tm) =	ssettm $0x7FFFFFFF  }
0xc3: {  	_ =	shalt  }
tec
execute0_lowered:
.L_overlay_start_1:
0x0: {  	(tag) =	ssettag $0x1  }
0x1: {  	s4 =	rddreg [dreg:$0x0]  }
0x2: {  	s2 =	rddreg [dreg:$0x1]  }
0x3: {  	s0 =	rddreg [dreg:$0x2]  }
0x4: {  	s1 =	stileid.u32;
	s5 =	srdreg.scid  }
0x5: {  	s3 =	simm.s32 $0x0;
	s10 =	simm.s32 $0x50;
	s11 =	simm.s32 $0x4000  }
0x6: {  	s12 =	simm.s32 $0x1;
	s15 =	simm.s32 $0x20;
	s16 =	simm.s32 $0x10  }
0x7: {  	s17 =	simm.s32 $0x0;
	s5 =	sand.u32 $0x1, s5;
	s6 =	smul.u32 $0x500, s1  }
0x8: {  	[smem:$0x7FF] =	sst s3;
	s7 =	sshll.u32 s1, $0xB;
	s9 =	smul.u32 $0xA00, s1  }
0x9: {  	s13 =	sshll.u32 s1, $0x6;
	s8 =	sshll.u32 s5, $0x7;
	_ =	strace $0x80000047  }
0xa: {  	s7 =	sadd.s32 s7, s4;
	s28 =	ssub.s32 $0x2, s5;
	s5 =	sshll.u32 s5, $0xF  }
0xb: {  	s13 =	sor.u32 $0x1C02, s13;
	s6 =	sor.u32 s8, s6;
	s29 =	sshrl.u32 s28, $0x1  }
0xc: {  	s30 =	sadd.s32 s5, s7;
	s31 =	sshrl.u32 s9, $0x2;
	s9 =	simm.s32 $0x4080  }
0xd: {  	s6 =	sshrl.u32 s6, $0x3;
	s8 =	ssub.s32 s28, s29;
	s5 =	sadd.s32 s31, s2  }
0xe: {  	s6 =	sadd.s32 s6, s4;
	s4 =	sadd.s32 $0x17000, s30;
	s7 =	smax.u32 s8, $0x1  }
0xf: {  	v0 =	vimm.f32 $0.0e+00;
	v1 =	vimm.f32 $1.000000000e+00;
	s8 =	simm.s32 $0x2;
	s14 =	sshrl.u32 s5, $0x3;
	s6 =	sadd.s32 $0x27000, s6  }
.LBB2_1:
0x10: {  	[tilespmem:s3], [sflag:$0x2] =	stream.linear.gather [hbm4b:s4+s3], $0x3E80, $0x38;
	[tilespmem:$0x4580] =	vst v63  }
0x11: {  	_ =	swait.ge [sflag:s8], $0x3E80  }
0x12: {  	[sflag:s8] =	ssyncset.done $0x0  }
0x13: {  	[sflag:s8] =	ssyncadd.s32 $0xFFFFC180  }
0x14: {  	[tilespmem:$0x4080] =	vst v0  }
0x15: {  	[tilespmem:$0x4090] =	vst v0  }
0x16: {  	[tilespmem:$0x40A0] =	vst v0  }
0x17: {  	[tilespmem:$0x40B0] =	vst v0  }
0x18: {  	[tilespmem:$0x40C0] =	vst v0  }
0x19: {  	[tilespmem:$0x40D0] =	vst v0  }
0x1a: {  	[tilespmem:$0x40E0] =	vst v0  }
0x1b: {  	[tilespmem:$0x40F0] =	vst v0  }
0x1c: {  	[tilespmem:$0x4100] =	vst v0  }
0x1d: {  	[tilespmem:$0x4110] =	vst v0  }
0x1e: {  	[tilespmem:$0x4120] =	vst v0  }
0x1f: {  	[tilespmem:$0x4130] =	vst v0  }
0x20: {  	[tilespmem:$0x4140] =	vst v0  }
0x21: {  	[tilespmem:$0x4150] =	vst v0  }
0x22: {  	[tilespmem:$0x4160] =	vst v0  }
0x23: {  	[tilespmem:$0x4170] =	vst v0  }
0x24: {  	[tilespmem:$0x4180] =	vst v0  }
0x25: {  	[tilespmem:$0x4190] =	vst v0  }
0x26: {  	[tilespmem:$0x41A0] =	vst v0  }
0x27: {  	[tilespmem:$0x41B0] =	vst v0  }
0x28: {  	[tilespmem:$0x41C0] =	vst v0  }
0x29: {  	[tilespmem:$0x41D0] =	vst v0  }
0x2a: {  	[tilespmem:$0x41E0] =	vst v0  }
0x2b: {  	[tilespmem:$0x41F0] =	vst v0  }
0x2c: {  	[tilespmem:$0x4200] =	vst v0  }
0x2d: {  	[tilespmem:$0x4210] =	vst v0  }
0x2e: {  	[tilespmem:$0x4220] =	vst v0  }
0x2f: {  	[tilespmem:$0x4230] =	vst v0  }
0x30: {  	[tilespmem:$0x4240] =	vst v0  }
0x31: {  	[tilespmem:$0x4250] =	vst v0  }
0x32: {  	[tilespmem:$0x4260] =	vst v0  }
0x33: {  	[tilespmem:$0x4270] =	vst v0  }
0x34: {  	[tilespmem:$0x4280] =	vst v0  }
0x35: {  	[tilespmem:$0x4290] =	vst v0  }
0x36: {  	[tilespmem:$0x42A0] =	vst v0  }
0x37: {  	[tilespmem:$0x42B0] =	vst v0  }
0x38: {  	[tilespmem:$0x42C0] =	vst v0  }
0x39: {  	[tilespmem:$0x42D0] =	vst v0  }
0x3a: {  	[tilespmem:$0x42E0] =	vst v0  }
0x3b: {  	[tilespmem:$0x42F0] =	vst v0  }
0x3c: {  	[tilespmem:$0x4000] =	vst v1  }
0x3d: {  	[tilespmem:$0x4010] =	vst v1  }
0x3e: {  	[tilespmem:$0x4020] =	vst v1  }
0x3f: {  	[tilespmem:$0x4030] =	vst v1  }
0x40: {  	[tilespmem:$0x4040] =	vst v1  }
0x41: {  	[spmem:s5] =	stream.linear.scatter [tilespmem:s9], [sflag:$0x2], $0x280, $0x38;
	[tilespmem:$0x4580] =	vst v63  }
0x42: {  	_ =	swait.ge [sflag:s8], $0x280  }
0x43: {  	[sflag:s8] =	ssyncset.done $0x0  }
0x44: {  	[sflag:s8] =	ssyncadd.s32 $0xFFFFFD80  }
0x45: {  	s18 =	simm.s32 $0x0;
	[bflag:$0x0] =	sbarrier.arrive $0xFFFF  }
0x46: {  	[spmem:s2] =	stream.indirect.scatter.add.f32 [tilespmem:s11], [sflag:$0x1], $0x1, s18, s10, $0xb8;
	[tilespmem:$0x4580] =	vst v63  }
0x47: {  	s28 =	simm.s32 $0x80  }
0x48: {  	[spmem:s2] =	stream.indirect.scatter.add.f32 [tilespmem:s11], [sflag:$0x1], $0x1, s28, s10, $0xb8;
	[tilespmem:$0x4580] =	vst v63  }
0x49: {  	s29 =	simm.s32 $0x100  }
0x4a: {  	[spmem:s2] =	stream.indirect.scatter.add.f32 [tilespmem:s11], [sflag:$0x1], $0x1, s29, s10, $0xb8;
	[tilespmem:$0x4580] =	vst v63  }
0x4b: {  	s30 =	simm.s32 $0x180  }
0x4c: {  	[spmem:s2] =	stream.indirect.scatter.add.f32 [tilespmem:s11], [sflag:$0x1], $0x1, s30, s10, $0xb8;
	[tilespmem:$0x4580] =	vst v63  }
0x4d: {  	s31 =	simm.s32 $0x200  }
0x4e: {  	[spmem:s2] =	stream.indirect.scatter.add.f32 [tilespmem:s11], [sflag:$0x1], $0x1, s31, s10, $0xb8;
	[tilespmem:$0x4580] =	vst v63  }
0x4f: {  	_ =	swait.ge [sflag:s12], $0x50  }
0x50: {  	[sflag:s12] =	ssyncset.done $0x0  }
0x51: {  	[sflag:s12] =	ssyncadd.s32 $0xFFFFFFB0  }
0x52: {  	_ =	swait.ge [sflag:s12], $0x50  }
0x53: {  	[sflag:s12] =	ssyncset.done $0x0  }
0x54: {  	[sflag:s12] =	ssyncadd.s32 $0xFFFFFFB0  }
0x55: {  	_ =	swait.ge [sflag:s12], $0x50  }
0x56: {  	[sflag:s12] =	ssyncset.done $0x0  }
0x57: {  	[sflag:s12] =	ssyncadd.s32 $0xFFFFFFB0  }
0x58: {  	_ =	swait.ge [sflag:s12], $0x50  }
0x59: {  	[sflag:s12] =	ssyncset.done $0x0  }
0x5a: {  	[sflag:s12] =	ssyncadd.s32 $0xFFFFFFB0  }
0x5b: {  	_ =	swait.ge [sflag:s12], $0x50  }
0x5c: {  	s19 =	simm.s32 $0x1400;
	s18 =	simm.s32 $0xA00;
	[sflag:s12] =	ssyncset.done $0x0  }
.LBB2_2:
0x5d: {  	s20 =	sshra.s32 s18, $0x2  }
0x5e: {  	[sflag:s12] =	ssyncadd.s32 $0xFFFFFFB0;
	s18 =	smov.u32 s19;
	s21 =	sadd.s32 $0xA00, s19  }
0x5f: {  	[spmem:s2] =	stream.indirect.scatter.add.f32 [tilespmem:s11], [sflag:$0x1], $0x1, s20, s10, $0xb8;
	[tilespmem:$0x4580] =	vst v63  }
0x60: {  	p0 =	sne.s32 s19, $0xF000;
	s19 =	sadd.s32 $0x80, s20  }
0x61: {  	[spmem:s2] =	stream.indirect.scatter.add.f32 [tilespmem:s11], [sflag:$0x1], $0x1, s19, s10, $0xb8;
	[tilespmem:$0x4580] =	vst v63  }
0x62: {  	s19 =	sadd.s32 $0x100, s20  }
0x63: {  	[spmem:s2] =	stream.indirect.scatter.add.f32 [tilespmem:s11], [sflag:$0x1], $0x1, s19, s10, $0xb8;
	[tilespmem:$0x4580] =	vst v63  }
0x64: {  	s19 =	sadd.s32 $0x180, s20  }
0x65: {  	[spmem:s2] =	stream.indirect.scatter.add.f32 [tilespmem:s11], [sflag:$0x1], $0x1, s19, s10, $0xb8;
	[tilespmem:$0x4580] =	vst v63  }
0x66: {  	s19 =	sadd.s32 $0x200, s20  }
0x67: {  	[spmem:s2] =	stream.indirect.scatter.add.f32 [tilespmem:s11], [sflag:$0x1], $0x1, s19, s10, $0xb8;
	[tilespmem:$0x4580] =	vst v63  }
0x68: {  	_ =	swait.ge [sflag:s12], $0x50  }
0x69: {  	[sflag:s12] =	ssyncset.done $0x0  }
0x6a: {  	[sflag:s12] =	ssyncadd.s32 $0xFFFFFFB0  }
0x6b: {  	_ =	swait.ge [sflag:s12], $0x50  }
0x6c: {  	[sflag:s12] =	ssyncset.done $0x0  }
0x6d: {  	[sflag:s12] =	ssyncadd.s32 $0xFFFFFFB0  }
0x6e: {  	_ =	swait.ge [sflag:s12], $0x50  }
0x6f: {  	[sflag:s12] =	ssyncset.done $0x0  }
0x70: {  	[sflag:s12] =	ssyncadd.s32 $0xFFFFFFB0  }
.Ltmp0:
0x71: {  	_ =	swait.ge [sflag:s12], $0x50;
	(pc) =	sbr.rel @p0 .LBB2_2-.Ltmp0, $4  }
0x72: {  	[sflag:s12] =	ssyncset.done $0x0  }
0x73: {  	[sflag:s12] =	ssyncadd.s32 $0xFFFFFFB0  }
0x74: {  	_ =	swait.ge [sflag:s12], $0x50  }
0x75: {  	s19 =	smov.u32 s21;
	[sflag:s12] =	ssyncset.done $0x0  }
0x76: {  	s18 =	sshra.s32 s18, $0x2;
	[sflag:s12] =	ssyncadd.s32 $0xFFFFFFB0  }
0x77: {  	[spmem:s2] =	stream.indirect.scatter.add.f32 [tilespmem:s11], [sflag:$0x1], $0x1, s18, s10, $0xb8;
	[tilespmem:$0x4580] =	vst v63  }
0x78: {  	s19 =	sadd.s32 $0x80, s18  }
0x79: {  	[spmem:s2] =	stream.indirect.scatter.add.f32 [tilespmem:s11], [sflag:$0x1], $0x1, s19, s10, $0xb8;
	[tilespmem:$0x4580] =	vst v63  }
0x7a: {  	s30 =	sadd.s32 $0x100, s18  }
0x7b: {  	[spmem:s2] =	stream.indirect.scatter.add.f32 [tilespmem:s11], [sflag:$0x1], $0x1, s30, s10, $0xb8;
	[tilespmem:$0x4580] =	vst v63  }
0x7c: {  	s31 =	sadd.s32 $0x180, s18  }
0x7d: {  	[spmem:s2] =	stream.indirect.scatter.add.f32 [tilespmem:s11], [sflag:$0x1], $0x1, s31, s10, $0xb8;
	[tilespmem:$0x4580] =	vst v63  }
0x7e: {  	s18 =	sadd.s32 $0x200, s18  }
0x7f: {  	[spmem:s2] =	stream.indirect.scatter.add.f32 [tilespmem:s11], [sflag:$0x1], $0x1, s18, s10, $0xb8;
	[tilespmem:$0x4580] =	vst v63  }
0x80: {  	_ =	swait.ge [sflag:s12], $0x50  }
0x81: {  	[sflag:s12] =	ssyncset.done $0x0  }
0x82: {  	[sflag:s12] =	ssyncadd.s32 $0xFFFFFFB0  }
0x83: {  	_ =	swait.ge [sflag:s12], $0x50  }
0x84: {  	[sflag:s12] =	ssyncset.done $0x0  }
0x85: {  	[sflag:s12] =	ssyncadd.s32 $0xFFFFFFB0  }
0x86: {  	_ =	swait.ge [sflag:s12], $0x50  }
0x87: {  	[sflag:s12] =	ssyncset.done $0x0  }
0x88: {  	[sflag:s12] =	ssyncadd.s32 $0xFFFFFFB0  }
0x89: {  	_ =	swait.ge [sflag:s12], $0x50  }
0x8a: {  	[sflag:s12] =	ssyncset.done $0x0  }
0x8b: {  	[sflag:s12] =	ssyncadd.s32 $0xFFFFFFB0  }
0x8c: {  	_ =	swait.ge [sflag:s12], $0x50  }
0x8d: {  	s17 =	sadd.s32 $0x1, s17;
	[sflag:s12] =	ssyncset.done $0x0  }
0x8e: {  	p0 =	sne.s32 s17, s7;
	[sflag:s12] =	ssyncadd.s32 $0xFFFFFFB0  }
.Ltmp1:
0x8f: {  	[bflag:$0x0] =	sbarrier.arrive $0xFFFF;
	(pc) =	sbr.rel @p0 .LBB2_1-.Ltmp1, $4  }
0x90: {  	[hbm:s6@s15], [sflag:s13] =	dma.strided [spmem:s14@s16], $0x50, s12, $0x10   }
0x91: {  	_ =	swait.ge [sflag:s8], $0x50  }
0x92: {  	[sflag:s8] =	ssyncset.done $0x0  }
0x93: {  	[sflag:s8] =	ssyncadd.s32 $0xFFFFFFB0  }
0x94: {  	_ =	sfence.sel $0x180000  }
0x95: {  	[bflag:$0x0] =	sbarrier.arrive $0xFFFF  }
0x96: {  	p0 =	sne.s32 s1, $0x0;
	_ =	strace $0x90000047  }
0x97: {  	s0 =	sadd.s32 @!p0 $0x100000, s0;
	[bflag:$0x2] =	sbarrier.arrive $0xFFFF  }
0x98: {  	[sflag:s0] =	ssyncadd.tile.s32 @!p0 $0x1;
	_ =	shalt  }
.Lfunc_end2:
_tile_overlayer_lowered:
.L_overlay_start_2:
0x99: {  	(tag) =	ssettag $0x2  }
0x9a: {  	s0 =	rddreg [dreg:$0x0];
	s2 =	stileid.u32  }
0x9b: {  	s1 =	rddreg [dreg:$0x1];
	p0 =	sne.s32 s2, $0x0  }
0x9c: {  	s3 =	rddreg [dreg:$0x2];
	[bflag:$0x3] =	sbarrier.arrive $0xFFFF;
	s2 =	simm.s32 @!p0 $0x1C02  }
0x9d: {  	[timem:s3], [sflag:s2] =	dma.local @!p0 [hbm:s0], s1  }
0x9e: {  	s0 =	simm.s32 @!p0 $0x2  }
0x9f: {  	_ =	swait.ge @!p0 [sflag:s0], s1  }
0xa0: {  	s1 =	ssub.s32 @!p0 $0x0, s1;
	[sflag:s0] =	ssyncset.done @!p0 $0x0  }
0xa1: {  	[sflag:s0] =	ssyncadd.s32 @!p0 s1  }
0xa2: {  	[bflag:$0x3] =	sbarrier.arrive $0xFFFF  }
0xa3: {  	_ =	shalt  }

</sc_bundles>
